<compile_context>
chip_gen: v7x
topology: tpu7x:2x2x1
jax: 0.10.2.dev20260603
libtpu: 0.0.44.dev20260713+nightly
codegen_flags: <defaults>
</compile_context>

<pallas_src>
import jax
import jax.numpy as jnp
from jax import lax
from jax.experimental import pallas as pl
from jax.experimental.pallas import tpu as pltpu
from jax.experimental.pallas import tpu_sc as plsc

N_NODES = 10000
N_EDGES = 320000
D = 128

CHUNK = 128
NQ = 4
HCHUNK = CHUNK // NQ
NBUF = 2 * NQ
SLOTS = tuple((di, q) for di in (0, 1) for q in range(NQ))
NC = 2
NS = 16
N_TILES = NC * NS
CPT = 80
HALF = CPT // 2
N_CHUNKS = CPT * N_TILES
N_REAL = N_EDGES // CHUNK
N_ACC = 10112
ROWS_PER_SUB = N_ACC // NS

_mesh = plsc.VectorSubcoreMesh(core_axis_name="core", subcore_axis_name="subcore")


def _sc_body(x_hbm, src_hbm, dst_hbm, part_hbm,
             acc, src_idx, dst_idx, *rest):
    rows = rest[:NBUF]
    sem_s, sem_d = rest[NBUF], rest[NBUF + 1]
    semg = rest[NBUF + 2:2 * NBUF + 2]
    sems = rest[2 * NBUF + 2:3 * NBUF + 2]
    c = lax.axis_index("core")
    s = lax.axis_index("subcore")
    t = c * NS + s

    cp_s = pltpu.async_copy(src_hbm.at[pl.ds(t * CPT, HALF)], src_idx, sem_s)
    cp_d = pltpu.async_copy(dst_hbm.at[pl.ds(t * CPT, HALF)], dst_idx, sem_d)

    zero16 = jnp.zeros((16,), jnp.float32)

    @pl.loop(0, HCHUNK)
    def _zero_rows(i):
        for b in range(4):
            for j in range(0, D, 16):
                rows[b][i, pl.ds(j, 16)] = zero16

    _base = s * ROWS_PER_SUB
    _nfull = ROWS_PER_SUB // HCHUNK
    _tail = ROWS_PER_SUB % HCHUNK
    _zcopies = []
    for k in range(_nfull):
        _zcopies.append((rows[k % 4],
                         acc.at[pl.ds(_base + k * HCHUNK, HCHUNK)],
                         semg[k % NBUF]))
    if _tail:
        _zcopies.append((rows[0].at[pl.ds(0, _tail)],
                         acc.at[pl.ds(_base + _nfull * HCHUNK, _tail)],
                         sems[0]))
    for _src, _dst, _sem in _zcopies:
        pltpu.async_copy(_src, _dst, _sem)
    for _src, _dst, _sem in _zcopies:
        pltpu.make_async_copy(_src, _dst, _sem).wait()

    plsc.subcore_barrier()
    cp_s.wait()
    cp_d.wait()

    for h in range(CPT // HALF):
        m = jnp.clip(N_REAL - (t * CPT + h * HALF), 0, HALF)

        if h > 0:
            @pl.when(m > 0)
            def _reload():
                pltpu.async_copy(src_hbm.at[pl.ds(t * CPT + h * HALF, HALF)],
                                 src_idx, sem_s)
                pltpu.async_copy(dst_hbm.at[pl.ds(t * CPT + h * HALF, HALF)],
                                 dst_idx, sem_d)
                pltpu.make_async_copy(src_hbm.at[pl.ds(t * CPT + h * HALF, HALF)],
                                      src_idx, sem_s).wait()
                pltpu.make_async_copy(dst_hbm.at[pl.ds(t * CPT + h * HALF, HALF)],
                                      dst_idx, sem_d).wait()

        def _gidx(i, di, hf):
            return src_idx.at[i + di, pl.ds(hf * HCHUNK, HCHUNK)]

        def _sidx(i, di, hf):
            return dst_idx.at[i + di, pl.ds(hf * HCHUNK, HCHUNK)]

        for b, (di, hf) in enumerate(SLOTS):
            @pl.when(di < m)
            def _prime(b=b, di=di, hf=hf):
                pltpu.async_copy(x_hbm.at[_gidx(0, di, hf)], rows[b], semg[b])

        @pl.loop(0, HALF, step=2)
        def _edges(i):
            for q in range(NQ):
                b = q

                @pl.when(i < m)
                def _slot0(b=b, hf=q):
                    pltpu.make_async_copy(x_hbm.at[_gidx(i, 0, hf)],
                                          rows[b], semg[b]).wait()
                    pltpu.async_copy(rows[b], acc.at[_sidx(i, 0, hf)],
                                     sems[b], add=True)

            for q in range(NQ):
                b = NQ + q

                @pl.when(i + 1 < m)
                def _slot1(b=b, hf=q):
                    pltpu.make_async_copy(x_hbm.at[_gidx(i, 1, hf)],
                                          rows[b], semg[b]).wait()
                    pltpu.async_copy(rows[b], acc.at[_sidx(i, 1, hf)],
                                     sems[b], add=True)

            for di in (0, 1):
                for q in range(NQ):
                    b = di * NQ + q

                    @pl.when(i + di < m)
                    def _drain(b=b, di=di, hf=q):
                        pltpu.make_async_copy(rows[b], acc.at[_sidx(i, di, hf)],
                                              sems[b]).wait()

                        @pl.when(i + di + 2 < m)
                        def _():
                            pltpu.async_copy(x_hbm.at[_gidx(i + 2, di, hf)],
                                             rows[b], semg[b])

    plsc.subcore_barrier()

    pltpu.sync_copy(acc.at[pl.ds(s * ROWS_PER_SUB, ROWS_PER_SUB)],
                    part_hbm.at[c].at[pl.ds(s * ROWS_PER_SUB, ROWS_PER_SUB)])


_sc_aggregate = pl.kernel(
    _sc_body,
    out_type=jax.ShapeDtypeStruct((NC, N_ACC, D), jnp.float32),
    mesh=_mesh,
    scratch_types=[
        pltpu.VMEM_SHARED((N_ACC, D), jnp.float32),
        pltpu.VMEM((HALF, CHUNK), jnp.int32),
        pltpu.VMEM((HALF, CHUNK), jnp.int32),
        *[pltpu.VMEM((HCHUNK, D), jnp.float32) for _ in range(NBUF)],
        pltpu.SemaphoreType.DMA,
        pltpu.SemaphoreType.DMA,
        *[pltpu.SemaphoreType.DMA for _ in range(NBUF)],
        *[pltpu.SemaphoreType.DMA for _ in range(NBUF)],
    ],
)


def _combine_body(p0, p1, w, o):
    o[...] = (p0[0] + p1[0]) * w[...]


def _combine(part, w2d):
    blk = 1000
    return pl.pallas_call(
        _combine_body,
        out_shape=jax.ShapeDtypeStruct((N_NODES, D), jnp.float32),
        grid=(N_NODES // blk,),
        in_specs=[
            pl.BlockSpec((1, blk, D), lambda i: (0, i, 0)),
            pl.BlockSpec((1, blk, D), lambda i: (1, i, 0)),
            pl.BlockSpec((1, D), lambda i: (0, 0)),
        ],
        out_specs=pl.BlockSpec((blk, D), lambda i: (i, 0)),
    )(part, part, w2d)


def kernel(feature_matrix, edge_index, W):
    n_pad = N_CHUNKS * CHUNK - N_EDGES
    src = jnp.concatenate(
        [edge_index[0], jnp.zeros((n_pad,), jnp.int32)]).reshape(N_CHUNKS, CHUNK)
    dst = jnp.concatenate(
        [edge_index[1], jnp.zeros((n_pad,), jnp.int32)]).reshape(N_CHUNKS, CHUNK)
    part = _sc_aggregate(feature_matrix, src, dst)
    return _combine(part, W.reshape(1, D))

# --- scband reference (transcript-rebuilt; emitter-appended) ---
"""Pipeline reference for scband-face-gcnlayer-33122787787128 (READ-ONLY COPY).

The authoritative reference and input builder live on the scoring server;
editing this copy changes nothing except your own understanding.
"""

import jax, jax.numpy as jnp
import numpy as np

N_NODES = 10000
N_EDGES = 320000
D_FEAT = 128


def setup_inputs(seed: int = 0) -> dict:
    key = jax.random.key(seed)
    k1, k2, k3 = jax.random.split(key, 3)
    feature_matrix = jax.random.normal(k1, (N_NODES, D_FEAT), dtype=jnp.float32)
    # sparse adjacency adj_m (nnz = N_EDGES, all values 1.0) represented in COO form:
    # edge_index[0] = source/col indices, edge_index[1] = destination/row indices
    edge_index = jax.random.randint(k2, (2, N_EDGES), 0, N_NODES, dtype=jnp.int32)
    # learned weight: build() creates weights1 with shape input_shape[1:] = (D_FEAT,)
    W = jax.random.normal(k3, (D_FEAT,), dtype=jnp.float32) * 0.05
    return {"feature_matrix": feature_matrix, "edge_index": edge_index, "W": W}


def reference(feature_matrix, edge_index, W):
    # tf.squeeze is a no-op for a [N, D] input
    x = jnp.squeeze(feature_matrix)
    src = edge_index[0]
    dst = edge_index[1]
    # ax = tf.sparse.sparse_dense_matmul(adj_m, feature_matrix)
    # adj_m row i sums features of its neighbors j: gather by src, scatter-add by dst
    gathered = jnp.take(x, src, axis=0)
    ax = jax.ops.segment_sum(gathered, dst, num_segments=N_NODES)
    # z = ax * weights1  (weights1 broadcasts over rows)
    z = ax * W
    return z

if __name__ == "__main__":
    import jax
    _d = setup_inputs()
    print(jax.jit(kernel)(*tuple(_d.values())))

</pallas_src>

<mosaic_0001>
#map = affine_map<(d0, d1) -> (0, 0)>
#map1 = affine_map<(d0, d1) -> (0, 0, 0)>
module attributes {stable_mosaic.version = 14 : i64} {
  func.func @_sc_body(%arg0: i32, %arg1: i32, %arg2: memref<10000x128xf32, #tpu.memory_space<hbm>>, %arg3: memref<2560x128xi32, #tpu.memory_space<hbm>>, %arg4: memref<2560x128xi32, #tpu.memory_space<hbm>>, %arg5: memref<2x10112x128xf32, #tpu.memory_space<hbm>>, %arg6: memref<10112x128xf32, #tpu.memory_space<vmem_shared>>, %arg7: memref<40x128xi32, #tpu.memory_space<vmem>>, %arg8: memref<40x128xi32, #tpu.memory_space<vmem>>, %arg9: memref<32x128xf32, #tpu.memory_space<vmem>>, %arg10: memref<32x128xf32, #tpu.memory_space<vmem>>, %arg11: memref<32x128xf32, #tpu.memory_space<vmem>>, %arg12: memref<32x128xf32, #tpu.memory_space<vmem>>, %arg13: memref<32x128xf32, #tpu.memory_space<vmem>>, %arg14: memref<32x128xf32, #tpu.memory_space<vmem>>, %arg15: memref<32x128xf32, #tpu.memory_space<vmem>>, %arg16: memref<32x128xf32, #tpu.memory_space<vmem>>, %arg17: memref<!tpu.dma_semaphore, #tpu.memory_space<semaphore_mem>>, %arg18: memref<!tpu.dma_semaphore, #tpu.memory_space<semaphore_mem>>, %arg19: memref<!tpu.dma_semaphore, #tpu.memory_space<semaphore_mem>>, %arg20: memref<!tpu.dma_semaphore, #tpu.memory_space<semaphore_mem>>, %arg21: memref<!tpu.dma_semaphore, #tpu.memory_space<semaphore_mem>>, %arg22: memref<!tpu.dma_semaphore, #tpu.memory_space<semaphore_mem>>, %arg23: memref<!tpu.dma_semaphore, #tpu.memory_space<semaphore_mem>>, %arg24: memref<!tpu.dma_semaphore, #tpu.memory_space<semaphore_mem>>, %arg25: memref<!tpu.dma_semaphore, #tpu.memory_space<semaphore_mem>>, %arg26: memref<!tpu.dma_semaphore, #tpu.memory_space<semaphore_mem>>, %arg27: memref<!tpu.dma_semaphore, #tpu.memory_space<semaphore_mem>>, %arg28: memref<!tpu.dma_semaphore, #tpu.memory_space<semaphore_mem>>, %arg29: memref<!tpu.dma_semaphore, #tpu.memory_space<semaphore_mem>>, %arg30: memref<!tpu.dma_semaphore, #tpu.memory_space<semaphore_mem>>, %arg31: memref<!tpu.dma_semaphore, #tpu.memory_space<semaphore_mem>>, %arg32: memref<!tpu.dma_semaphore, #tpu.memory_space<semaphore_mem>>, %arg33: memref<!tpu.dma_semaphore, #tpu.memory_space<semaphore_mem>>, %arg34: memref<!tpu.dma_semaphore, #tpu.memory_space<semaphore_mem>>) attributes {dimension_semantics = [#tpu.dimension_semantics<core_parallel>, #tpu.dimension_semantics<subcore_parallel>], iteration_bounds = array<i64: 2, 16>, scalar_prefetch = 0 : i64, scratch_operands = 29 : i64, tpu.core_type = #tpu.core_type<sc_vector_subcore>, window_params = [{transform_indices = #map}, {transform_indices = #map}, {transform_indices = #map}, {transform_indices = #map1}]} {
    %mul3A = arith.constant 16 : i32
    %mul3A_0 = arith.muli %arg0, %mul3A : i32
    %add3A = arith.addi %mul3A_0, %arg1 : i32
    %mul3A_1 = arith.constant 80 : i32
    %mul3A_2 = arith.muli %add3A, %mul3A_1 : i32
    %dma_start3A = arith.constant 0 : i32
    %dma_start3A_3 = tpu.memref_slice %arg3[%mul3A_2, %dma_start3A] : memref<2560x128xi32, #tpu.memory_space<hbm>> -> memref<40x128xi32, #tpu.memory_space<hbm>>
    %dma_start3A_4 = arith.constant 0 : i32
    %dma_start3A_5 = tpu.memref_slice %arg3[%mul3A_2, %dma_start3A_4] : memref<2560x128xi32, #tpu.memory_space<hbm>> -> memref<40x128xi32, #tpu.memory_space<hbm>>
    tpu.enqueue_dma source(%dma_start3A_5 : memref<40x128xi32, #tpu.memory_space<hbm>>) target(%arg7 : memref<40x128xi32, #tpu.memory_space<vmem>>) target_semaphore(%arg17 : memref<!tpu.dma_semaphore, #tpu.memory_space<semaphore_mem>>)
    %mul3A_6 = arith.constant 80 : i32
    %mul3A_7 = arith.muli %add3A, %mul3A_6 : i32
    %dma_start3A_8 = arith.constant 0 : i32
    %dma_start3A_9 = tpu.memref_slice %arg4[%mul3A_7, %dma_start3A_8] : memref<2560x128xi32, #tpu.memory_space<hbm>> -> memref<40x128xi32, #tpu.memory_space<hbm>>
    %dma_start3A_10 = arith.constant 0 : i32
    %dma_start3A_11 = tpu.memref_slice %arg4[%mul3A_7, %dma_start3A_10] : memref<2560x128xi32, #tpu.memory_space<hbm>> -> memref<40x128xi32, #tpu.memory_space<hbm>>
    tpu.enqueue_dma source(%dma_start3A_11 : memref<40x128xi32, #tpu.memory_space<hbm>>) target(%arg8 : memref<40x128xi32, #tpu.memory_space<vmem>>) target_semaphore(%arg18 : memref<!tpu.dma_semaphore, #tpu.memory_space<semaphore_mem>>)
    %broadcast_in_dim3A = arith.constant 0.000000e+00 : f32
    %broadcast_in_dim3A_12 = vector.broadcast %broadcast_in_dim3A : f32 to vector<16xf32>
    %scan3A = arith.constant 0 : i32
    %scan3A_13 = arith.constant 32 : i32
    %scan3A_14 = arith.addi %scan3A, %scan3A_13 : i32
    %scan3A_15 = arith.constant 1 : i32
    scf.for %scan3A_351 = %scan3A to %scan3A_14 step %scan3A_15  : i32 {
      %mul3A_352 = arith.constant 1 : i32
      %mul3A_353 = arith.muli %scan3A_351, %mul3A_352 : i32
      %add3A_354 = arith.constant 0 : i32
      %add3A_355 = arith.addi %add3A_354, %mul3A_353 : i32
      %swap3A = arith.index_cast %add3A_355 : i32 to index
      %swap3A_356 = arith.constant 0 : index
      %swap3A_357 = tpu.vector_load %arg9[%swap3A, %swap3A_356] {strides = array<i32>} : memref<32x128xf32, #tpu.memory_space<vmem>>, vector<1x16xf32>,
      %swap3A_358 = vector.shape_cast %swap3A_357 : vector<1x16xf32> to vector<16xf32>
      %swap3A_359 = vector.shape_cast %broadcast_in_dim3A_12 : vector<16xf32> to vector<1x16xf32>
      tpu.vector_store %arg9[%swap3A, %swap3A_356], %swap3A_359 {strides = array<i32>} : memref<32x128xf32, #tpu.memory_space<vmem>>, vector<1x16xf32>,
      %swap3A_360 = arith.index_cast %add3A_355 : i32 to index
      %swap3A_361 = arith.constant 16 : index
      %swap3A_362 = tpu.vector_load %arg9[%swap3A_360, %swap3A_361] {strides = array<i32>} : memref<32x128xf32, #tpu.memory_space<vmem>>, vector<1x16xf32>,
      %swap3A_363 = vector.shape_cast %swap3A_362 : vector<1x16xf32> to vector<16xf32>
      %swap3A_364 = vector.shape_cast %broadcast_in_dim3A_12 : vector<16xf32> to vector<1x16xf32>
      tpu.vector_store %arg9[%swap3A_360, %swap3A_361], %swap3A_364 {strides = array<i32>} : memref<32x128xf32, #tpu.memory_space<vmem>>, vector<1x16xf32>,
      %swap3A_365 = arith.index_cast %add3A_355 : i32 to index
      %swap3A_366 = arith.constant 32 : index
      %swap3A_367 = tpu.vector_load %arg9[%swap3A_365, %swap3A_366] {strides = array<i32>} : memref<32x128xf32, #tpu.memory_space<vmem>>, vector<1x16xf32>,
      %swap3A_368 = vector.shape_cast %swap3A_367 : vector<1x16xf32> to vector<16xf32>
      %swap3A_369 = vector.shape_cast %broadcast_in_dim3A_12 : vector<16xf32> to vector<1x16xf32>
      tpu.vector_store %arg9[%swap3A_365, %swap3A_366], %swap3A_369 {strides = array<i32>} : memref<32x128xf32, #tpu.memory_space<vmem>>, vector<1x16xf32>,
      %swap3A_370 = arith.index_cast %add3A_355 : i32 to index
      %swap3A_371 = arith.constant 48 : index
      %swap3A_372 = tpu.vector_load %arg9[%swap3A_370, %swap3A_371] {strides = array<i32>} : memref<32x128xf32, #tpu.memory_space<vmem>>, vector<1x16xf32>,
      %swap3A_373 = vector.shape_cast %swap3A_372 : vector<1x16xf32> to vector<16xf32>
      %swap3A_374 = vector.shape_cast %broadcast_in_dim3A_12 : vector<16xf32> to vector<1x16xf32>
      tpu.vector_store %arg9[%swap3A_370, %swap3A_371], %swap3A_374 {strides = array<i32>} : memref<32x128xf32, #tpu.memory_space<vmem>>, vector<1x16xf32>,
      %swap3A_375 = arith.index_cast %add3A_355 : i32 to index
      %swap3A_376 = arith.constant 64 : index
      %swap3A_377 = tpu.vector_load %arg9[%swap3A_375, %swap3A_376] {strides = array<i32>} : memref<32x128xf32, #tpu.memory_space<vmem>>, vector<1x16xf32>,
      %swap3A_378 = vector.shape_cast %swap3A_377 : vector<1x16xf32> to vector<16xf32>
      %swap3A_379 = vector.shape_cast %broadcast_in_dim3A_12 : vector<16xf32> to vector<1x16xf32>
      tpu.vector_store %arg9[%swap3A_375, %swap3A_376], %swap3A_379 {strides = array<i32>} : memref<32x128xf32, #tpu.memory_space<vmem>>, vector<1x16xf32>,
      %swap3A_380 = arith.index_cast %add3A_355 : i32 to index
      %swap3A_381 = arith.constant 80 : index
      %swap3A_382 = tpu.vector_load %arg9[%swap3A_380, %swap3A_381] {strides = array<i32>} : memref<32x128xf32, #tpu.memory_space<vmem>>, vector<1x16xf32>,
      %swap3A_383 = vector.shape_cast %swap3A_382 : vector<1x16xf32> to vector<16xf32>
      %swap3A_384 = vector.shape_cast %broadcast_in_dim3A_12 : vector<16xf32> to vector<1x16xf32>
      tpu.vector_store %arg9[%swap3A_380, %swap3A_381], %swap3A_384 {strides = array<i32>} : memref<32x128xf32, #tpu.memory_space<vmem>>, vector<1x16xf32>,
      %swap3A_385 = arith.index_cast %add3A_355 : i32 to index
      %swap3A_386 = arith.constant 96 : index
      %swap3A_387 = tpu.vector_load %arg9[%swap3A_385, %swap3A_386] {strides = array<i32>} : memref<32x128xf32, #tpu.memory_space<vmem>>, vector<1x16xf32>,
      %swap3A_388 = vector.shape_cast %swap3A_387 : vector<1x16xf32> to vector<16xf32>
      %swap3A_389 = vector.shape_cast %broadcast_in_dim3A_12 : vector<16xf32> to vector<1x16xf32>
      tpu.vector_store %arg9[%swap3A_385, %swap3A_386], %swap3A_389 {strides = array<i32>} : memref<32x128xf32, #tpu.memory_space<vmem>>, vector<1x16xf32>,
      %swap3A_390 = arith.index_cast %add3A_355 : i32 to index
      %swap3A_391 = arith.constant 112 : index
      %swap3A_392 = tpu.vector_load %arg9[%swap3A_390, %swap3A_391] {strides = array<i32>} : memref<32x128xf32, #tpu.memory_space<vmem>>, vector<1x16xf32>,
      %swap3A_393 = vector.shape_cast %swap3A_392 : vector<1x16xf32> to vector<16xf32>
      %swap3A_394 = vector.shape_cast %broadcast_in_dim3A_12 : vector<16xf32> to vector<1x16xf32>
      tpu.vector_store %arg9[%swap3A_390, %swap3A_391], %swap3A_394 {strides = array<i32>} : memref<32x128xf32, #tpu.memory_space<vmem>>, vector<1x16xf32>,
      %swap3A_395 = arith.index_cast %add3A_355 : i32 to index
      %swap3A_396 = arith.constant 0 : index
      %swap3A_397 = tpu.vector_load %arg10[%swap3A_395, %swap3A_396] {strides = array<i32>} : memref<32x128xf32, #tpu.memory_space<vmem>>, vector<1x16xf32>,
      %swap3A_398 = vector.shape_cast %swap3A_397 : vector<1x16xf32> to vector<16xf32>
      %swap3A_399 = vector.shape_cast %broadcast_in_dim3A_12 : vector<16xf32> to vector<1x16xf32>
      tpu.vector_store %arg10[%swap3A_395, %swap3A_396], %swap3A_399 {strides = array<i32>} : memref<32x128xf32, #tpu.memory_space<vmem>>, vector<1x16xf32>,
      %swap3A_400 = arith.index_cast %add3A_355 : i32 to index
      %swap3A_401 = arith.constant 16 : index
      %swap3A_402 = tpu.vector_load %arg10[%swap3A_400, %swap3A_401] {strides = array<i32>} : memref<32x128xf32, #tpu.memory_space<vmem>>, vector<1x16xf32>,
      %swap3A_403 = vector.shape_cast %swap3A_402 : vector<1x16xf32> to vector<16xf32>
      %swap3A_404 = vector.shape_cast %broadcast_in_dim3A_12 : vector<16xf32> to vector<1x16xf32>
      tpu.vector_store %arg10[%swap3A_400, %swap3A_401], %swap3A_404 {strides = array<i32>} : memref<32x128xf32, #tpu.memory_space<vmem>>, vector<1x16xf32>,
      %swap3A_405 = arith.index_cast %add3A_355 : i32 to index
      %swap3A_406 = arith.constant 32 : index
      %swap3A_407 = tpu.vector_load %arg10[%swap3A_405, %swap3A_406] {strides = array<i32>} : memref<32x128xf32, #tpu.memory_space<vmem>>, vector<1x16xf32>,
      %swap3A_408 = vector.shape_cast %swap3A_407 : vector<1x16xf32> to vector<16xf32>
      %swap3A_409 = vector.shape_cast %broadcast_in_dim3A_12 : vector<16xf32> to vector<1x16xf32>
      tpu.vector_store %arg10[%swap3A_405, %swap3A_406], %swap3A_409 {strides = array<i32>} : memref<32x128xf32, #tpu.memory_space<vmem>>, vector<1x16xf32>,
      %swap3A_410 = arith.index_cast %add3A_355 : i32 to index
      %swap3A_411 = arith.constant 48 : index
      %swap3A_412 = tpu.vector_load %arg10[%swap3A_410, %swap3A_411] {strides = array<i32>} : memref<32x128xf32, #tpu.memory_space<vmem>>, vector<1x16xf32>,
      %swap3A_413 = vector.shape_cast %swap3A_412 : vector<1x16xf32> to vector<16xf32>
      %swap3A_414 = vector.shape_cast %broadcast_in_dim3A_12 : vector<16xf32> to vector<1x16xf32>
      tpu.vector_store %arg10[%swap3A_410, %swap3A_411], %swap3A_414 {strides = array<i32>} : memref<32x128xf32, #tpu.memory_space<vmem>>, vector<1x16xf32>,
      %swap3A_415 = arith.index_cast %add3A_355 : i32 to index
      %swap3A_416 = arith.constant 64 : index
      %swap3A_417 = tpu.vector_load %arg10[%swap3A_415, %swap3A_416] {strides = array<i32>} : memref<32x128xf32, #tpu.memory_space<vmem>>, vector<1x16xf32>,
      %swap3A_418 = vector.shape_cast %swap3A_417 : vector<1x16xf32> to vector<16xf32>
      %swap3A_419 = vector.shape_cast %broadcast_in_dim3A_12 : vector<16xf32> to vector<1x16xf32>
      tpu.vector_store %arg10[%swap3A_415, %swap3A_416], %swap3A_419 {strides = array<i32>} : memref<32x128xf32, #tpu.memory_space<vmem>>, vector<1x16xf32>,
      %swap3A_420 = arith.index_cast %add3A_355 : i32 to index
      %swap3A_421 = arith.constant 80 : index
      %swap3A_422 = tpu.vector_load %arg10[%swap3A_420, %swap3A_421] {strides = array<i32>} : memref<32x128xf32, #tpu.memory_space<vmem>>, vector<1x16xf32>,
      %swap3A_423 = vector.shape_cast %swap3A_422 : vector<1x16xf32> to vector<16xf32>
      %swap3A_424 = vector.shape_cast %broadcast_in_dim3A_12 : vector<16xf32> to vector<1x16xf32>
      tpu.vector_store %arg10[%swap3A_420, %swap3A_421], %swap3A_424 {strides = array<i32>} : memref<32x128xf32, #tpu.memory_space<vmem>>, vector<1x16xf32>,
      %swap3A_425 = arith.index_cast %add3A_355 : i32 to index
      %swap3A_426 = arith.constant 96 : index
      %swap3A_427 = tpu.vector_load %arg10[%swap3A_425, %swap3A_426] {strides = array<i32>} : memref<32x128xf32, #tpu.memory_space<vmem>>, vector<1x16xf32>,
      %swap3A_428 = vector.shape_cast %swap3A_427 : vector<1x16xf32> to vector<16xf32>
      %swap3A_429 = vector.shape_cast %broadcast_in_dim3A_12 : vector<16xf32> to vector<1x16xf32>
      tpu.vector_store %arg10[%swap3A_425, %swap3A_426], %swap3A_429 {strides = array<i32>} : memref<32x128xf32, #tpu.memory_space<vmem>>, vector<1x16xf32>,
      %swap3A_430 = arith.index_cast %add3A_355 : i32 to index
      %swap3A_431 = arith.constant 112 : index
      %swap3A_432 = tpu.vector_load %arg10[%swap3A_430, %swap3A_431] {strides = array<i32>} : memref<32x128xf32, #tpu.memory_space<vmem>>, vector<1x16xf32>,
      %swap3A_433 = vector.shape_cast %swap3A_432 : vector<1x16xf32> to vector<16xf32>
      %swap3A_434 = vector.shape_cast %broadcast_in_dim3A_12 : vector<16xf32> to vector<1x16xf32>
      tpu.vector_store %arg10[%swap3A_430, %swap3A_431], %swap3A_434 {strides = array<i32>} : memref<32x128xf32, #tpu.memory_space<vmem>>, vector<1x16xf32>,
      %swap3A_435 = arith.index_cast %add3A_355 : i32 to index
      %swap3A_436 = arith.constant 0 : index
      %swap3A_437 = tpu.vector_load %arg11[%swap3A_435, %swap3A_436] {strides = array<i32>} : memref<32x128xf32, #tpu.memory_space<vmem>>, vector<1x16xf32>,
      %swap3A_438 = vector.shape_cast %swap3A_437 : vector<1x16xf32> to vector<16xf32>
      %swap3A_439 = vector.shape_cast %broadcast_in_dim3A_12 : vector<16xf32> to vector<1x16xf32>
      tpu.vector_store %arg11[%swap3A_435, %swap3A_436], %swap3A_439 {strides = array<i32>} : memref<32x128xf32, #tpu.memory_space<vmem>>, vector<1x16xf32>,
      %swap3A_440 = arith.index_cast %add3A_355 : i32 to index
      %swap3A_441 = arith.constant 16 : index
      %swap3A_442 = tpu.vector_load %arg11[%swap3A_440, %swap3A_441] {strides = array<i32>} : memref<32x128xf32, #tpu.memory_space<vmem>>, vector<1x16xf32>,
      %swap3A_443 = vector.shape_cast %swap3A_442 : vector<1x16xf32> to vector<16xf32>
      %swap3A_444 = vector.shape_cast %broadcast_in_dim3A_12 : vector<16xf32> to vector<1x16xf32>
      tpu.vector_store %arg11[%swap3A_440, %swap3A_441], %swap3A_444 {strides = array<i32>} : memref<32x128xf32, #tpu.memory_space<vmem>>, vector<1x16xf32>,
      %swap3A_445 = arith.index_cast %add3A_355 : i32 to index
      %swap3A_446 = arith.constant 32 : index
      %swap3A_447 = tpu.vector_load %arg11[%swap3A_445, %swap3A_446] {strides = array<i32>} : memref<32x128xf32, #tpu.memory_space<vmem>>, vector<1x16xf32>,
      %swap3A_448 = vector.shape_cast %swap3A_447 : vector<1x16xf32> to vector<16xf32>
      %swap3A_449 = vector.shape_cast %broadcast_in_dim3A_12 : vector<16xf32> to vector<1x16xf32>
      tpu.vector_store %arg11[%swap3A_445, %swap3A_446], %swap3A_449 {strides = array<i32>} : memref<32x128xf32, #tpu.memory_space<vmem>>, vector<1x16xf32>,
      %swap3A_450 = arith.index_cast %add3A_355 : i32 to index
      %swap3A_451 = arith.constant 48 : index
      %swap3A_452 = tpu.vector_load %arg11[%swap3A_450, %swap3A_451] {strides = array<i32>} : memref<32x128xf32, #tpu.memory_space<vmem>>, vector<1x16xf32>,
      %swap3A_453 = vector.shape_cast %swap3A_452 : vector<1x16xf32> to vector<16xf32>
      %swap3A_454 = vector.shape_cast %broadcast_in_dim3A_12 : vector<16xf32> to vector<1x16xf32>
      tpu.vector_store %arg11[%swap3A_450, %swap3A_451], %swap3A_454 {strides = array<i32>} : memref<32x128xf32, #tpu.memory_space<vmem>>, vector<1x16xf32>,
      %swap3A_455 = arith.index_cast %add3A_355 : i32 to index
      %swap3A_456 = arith.constant 64 : index
      %swap3A_457 = tpu.vector_load %arg11[%swap3A_455, %swap3A_456] {strides = array<i32>} : memref<32x128xf32, #tpu.memory_space<vmem>>, vector<1x16xf32>,
      %swap3A_458 = vector.shape_cast %swap3A_457 : vector<1x16xf32> to vector<16xf32>
      %swap3A_459 = vector.shape_cast %broadcast_in_dim3A_12 : vector<16xf32> to vector<1x16xf32>
      tpu.vector_store %arg11[%swap3A_455, %swap3A_456], %swap3A_459 {strides = array<i32>} : memref<32x128xf32, #tpu.memory_space<vmem>>, vector<1x16xf32>,
      %swap3A_460 = arith.index_cast %add3A_355 : i32 to index
      %swap3A_461 = arith.constant 80 : index
      %swap3A_462 = tpu.vector_load %arg11[%swap3A_460, %swap3A_461] {strides = array<i32>} : memref<32x128xf32, #tpu.memory_space<vmem>>, vector<1x16xf32>,
      %swap3A_463 = vector.shape_cast %swap3A_462 : vector<1x16xf32> to vector<16xf32>
      %swap3A_464 = vector.shape_cast %broadcast_in_dim3A_12 : vector<16xf32> to vector<1x16xf32>
      tpu.vector_store %arg11[%swap3A_460, %swap3A_461], %swap3A_464 {strides = array<i32>} : memref<32x128xf32, #tpu.memory_space<vmem>>, vector<1x16xf32>,
      %swap3A_465 = arith.index_cast %add3A_355 : i32 to index
      %swap3A_466 = arith.constant 96 : index
      %swap3A_467 = tpu.vector_load %arg11[%swap3A_465, %swap3A_466] {strides = array<i32>} : memref<32x128xf32, #tpu.memory_space<vmem>>, vector<1x16xf32>,
      %swap3A_468 = vector.shape_cast %swap3A_467 : vector<1x16xf32> to vector<16xf32>
      %swap3A_469 = vector.shape_cast %broadcast_in_dim3A_12 : vector<16xf32> to vector<1x16xf32>
      tpu.vector_store %arg11[%swap3A_465, %swap3A_466], %swap3A_469 {strides = array<i32>} : memref<32x128xf32, #tpu.memory_space<vmem>>, vector<1x16xf32>,
      %swap3A_470 = arith.index_cast %add3A_355 : i32 to index
      %swap3A_471 = arith.constant 112 : index
      %swap3A_472 = tpu.vector_load %arg11[%swap3A_470, %swap3A_471] {strides = array<i32>} : memref<32x128xf32, #tpu.memory_space<vmem>>, vector<1x16xf32>,
      %swap3A_473 = vector.shape_cast %swap3A_472 : vector<1x16xf32> to vector<16xf32>
      %swap3A_474 = vector.shape_cast %broadcast_in_dim3A_12 : vector<16xf32> to vector<1x16xf32>
      tpu.vector_store %arg11[%swap3A_470, %swap3A_471], %swap3A_474 {strides = array<i32>} : memref<32x128xf32, #tpu.memory_space<vmem>>, vector<1x16xf32>,
      %swap3A_475 = arith.index_cast %add3A_355 : i32 to index
      %swap3A_476 = arith.constant 0 : index
      %swap3A_477 = tpu.vector_load %arg12[%swap3A_475, %swap3A_476] {strides = array<i32>} : memref<32x128xf32, #tpu.memory_space<vmem>>, vector<1x16xf32>,
      %swap3A_478 = vector.shape_cast %swap3A_477 : vector<1x16xf32> to vector<16xf32>
      %swap3A_479 = vector.shape_cast %broadcast_in_dim3A_12 : vector<16xf32> to vector<1x16xf32>
      tpu.vector_store %arg12[%swap3A_475, %swap3A_476], %swap3A_479 {strides = array<i32>} : memref<32x128xf32, #tpu.memory_space<vmem>>, vector<1x16xf32>,
      %swap3A_480 = arith.index_cast %add3A_355 : i32 to index
      %swap3A_481 = arith.constant 16 : index
      %swap3A_482 = tpu.vector_load %arg12[%swap3A_480, %swap3A_481] {strides = array<i32>} : memref<32x128xf32, #tpu.memory_space<vmem>>, vector<1x16xf32>,
      %swap3A_483 = vector.shape_cast %swap3A_482 : vector<1x16xf32> to vector<16xf32>
      %swap3A_484 = vector.shape_cast %broadcast_in_dim3A_12 : vector<16xf32> to vector<1x16xf32>
      tpu.vector_store %arg12[%swap3A_480, %swap3A_481], %swap3A_484 {strides = array<i32>} : memref<32x128xf32, #tpu.memory_space<vmem>>, vector<1x16xf32>,
      %swap3A_485 = arith.index_cast %add3A_355 : i32 to index
      %swap3A_486 = arith.constant 32 : index
      %swap3A_487 = tpu.vector_load %arg12[%swap3A_485, %swap3A_486] {strides = array<i32>} : memref<32x128xf32, #tpu.memory_space<vmem>>, vector<1x16xf32>,
      %swap3A_488 = vector.shape_cast %swap3A_487 : vector<1x16xf32> to vector<16xf32>
      %swap3A_489 = vector.shape_cast %broadcast_in_dim3A_12 : vector<16xf32> to vector<1x16xf32>
      tpu.vector_store %arg12[%swap3A_485, %swap3A_486], %swap3A_489 {strides = array<i32>} : memref<32x128xf32, #tpu.memory_space<vmem>>, vector<1x16xf32>,
      %swap3A_490 = arith.index_cast %add3A_355 : i32 to index
      %swap3A_491 = arith.constant 48 : index
      %swap3A_492 = tpu.vector_load %arg12[%swap3A_490, %swap3A_491] {strides = array<i32>} : memref<32x128xf32, #tpu.memory_space<vmem>>, vector<1x16xf32>,
      %swap3A_493 = vector.shape_cast %swap3A_492 : vector<1x16xf32> to vector<16xf32>
      %swap3A_494 = vector.shape_cast %broadcast_in_dim3A_12 : vector<16xf32> to vector<1x16xf32>
      tpu.vector_store %arg12[%swap3A_490, %swap3A_491], %swap3A_494 {strides = array<i32>} : memref<32x128xf32, #tpu.memory_space<vmem>>, vector<1x16xf32>,
      %swap3A_495 = arith.index_cast %add3A_355 : i32 to index
      %swap3A_496 = arith.constant 64 : index
      %swap3A_497 = tpu.vector_load %arg12[%swap3A_495, %swap3A_496] {strides = array<i32>} : memref<32x128xf32, #tpu.memory_space<vmem>>, vector<1x16xf32>,
      %swap3A_498 = vector.shape_cast %swap3A_497 : vector<1x16xf32> to vector<16xf32>
      %swap3A_499 = vector.shape_cast %broadcast_in_dim3A_12 : vector<16xf32> to vector<1x16xf32>
      tpu.vector_store %arg12[%swap3A_495, %swap3A_496], %swap3A_499 {strides = array<i32>} : memref<32x128xf32, #tpu.memory_space<vmem>>, vector<1x16xf32>,
      %swap3A_500 = arith.index_cast %add3A_355 : i32 to index
      %swap3A_501 = arith.constant 80 : index
      %swap3A_502 = tpu.vector_load %arg12[%swap3A_500, %swap3A_501] {strides = array<i32>} : memref<32x128xf32, #tpu.memory_space<vmem>>, vector<1x16xf32>,
      %swap3A_503 = vector.shape_cast %swap3A_502 : vector<1x16xf32> to vector<16xf32>
      %swap3A_504 = vector.shape_cast %broadcast_in_dim3A_12 : vector<16xf32> to vector<1x16xf32>
      tpu.vector_store %arg12[%swap3A_500, %swap3A_501], %swap3A_504 {strides = array<i32>} : memref<32x128xf32, #tpu.memory_space<vmem>>, vector<1x16xf32>,
      %swap3A_505 = arith.index_cast %add3A_355 : i32 to index
      %swap3A_506 = arith.constant 96 : index
      %swap3A_507 = tpu.vector_load %arg12[%swap3A_505, %swap3A_506] {strides = array<i32>} : memref<32x128xf32, #tpu.memory_space<vmem>>, vector<1x16xf32>,
      %swap3A_508 = vector.shape_cast %swap3A_507 : vector<1x16xf32> to vector<16xf32>
      %swap3A_509 = vector.shape_cast %broadcast_in_dim3A_12 : vector<16xf32> to vector<1x16xf32>
      tpu.vector_store %arg12[%swap3A_505, %swap3A_506], %swap3A_509 {strides = array<i32>} : memref<32x128xf32, #tpu.memory_space<vmem>>, vector<1x16xf32>,
      %swap3A_510 = arith.index_cast %add3A_355 : i32 to index
      %swap3A_511 = arith.constant 112 : index
      %swap3A_512 = tpu.vector_load %arg12[%swap3A_510, %swap3A_511] {strides = array<i32>} : memref<32x128xf32, #tpu.memory_space<vmem>>, vector<1x16xf32>,
      %swap3A_513 = vector.shape_cast %swap3A_512 : vector<1x16xf32> to vector<16xf32>
      %swap3A_514 = vector.shape_cast %broadcast_in_dim3A_12 : vector<16xf32> to vector<1x16xf32>
      tpu.vector_store %arg12[%swap3A_510, %swap3A_511], %swap3A_514 {strides = array<i32>} : memref<32x128xf32, #tpu.memory_space<vmem>>, vector<1x16xf32>,
    }
    %scan3A_16 = arith.constant 32 : i32
    %mul3A_17 = arith.constant 632 : i32
    %mul3A_18 = arith.muli %arg1, %mul3A_17 : i32
    %add3A_19 = arith.constant 0 : i32
    %add3A_20 = arith.addi %mul3A_18, %add3A_19 : i32
    %add3A_21 = arith.constant 32 : i32
    %add3A_22 = arith.addi %mul3A_18, %add3A_21 : i32
    %add3A_23 = arith.constant 64 : i32
    %add3A_24 = arith.addi %mul3A_18, %add3A_23 : i32
    %add3A_25 = arith.constant 96 : i32
    %add3A_26 = arith.addi %mul3A_18, %add3A_25 : i32
    %add3A_27 = arith.constant 128 : i32
    %add3A_28 = arith.addi %mul3A_18, %add3A_27 : i32
    %add3A_29 = arith.constant 160 : i32
    %add3A_30 = arith.addi %mul3A_18, %add3A_29 : i32
    %add3A_31 = arith.constant 192 : i32
    %add3A_32 = arith.addi %mul3A_18, %add3A_31 : i32
    %add3A_33 = arith.constant 224 : i32
    %add3A_34 = arith.addi %mul3A_18, %add3A_33 : i32
    %add3A_35 = arith.constant 256 : i32
    %add3A_36 = arith.addi %mul3A_18, %add3A_35 : i32
    %add3A_37 = arith.constant 288 : i32
    %add3A_38 = arith.addi %mul3A_18, %add3A_37 : i32
    %add3A_39 = arith.constant 320 : i32
    %add3A_40 = arith.addi %mul3A_18, %add3A_39 : i32
    %add3A_41 = arith.constant 352 : i32
    %add3A_42 = arith.addi %mul3A_18, %add3A_41 : i32
    %add3A_43 = arith.constant 384 : i32
    %add3A_44 = arith.addi %mul3A_18, %add3A_43 : i32
    %add3A_45 = arith.constant 416 : i32
    %add3A_46 = arith.addi %mul3A_18, %add3A_45 : i32
    %add3A_47 = arith.constant 448 : i32
    %add3A_48 = arith.addi %mul3A_18, %add3A_47 : i32
    %add3A_49 = arith.constant 480 : i32
    %add3A_50 = arith.addi %mul3A_18, %add3A_49 : i32
    %add3A_51 = arith.constant 512 : i32
    %add3A_52 = arith.addi %mul3A_18, %add3A_51 : i32
    %add3A_53 = arith.constant 544 : i32
    %add3A_54 = arith.addi %mul3A_18, %add3A_53 : i32
    %add3A_55 = arith.constant 576 : i32
    %add3A_56 = arith.addi %mul3A_18, %add3A_55 : i32
    %add3A_57 = arith.constant 608 : i32
    %add3A_58 = arith.addi %mul3A_18, %add3A_57 : i32
    %dma_start3A_59 = arith.constant 0 : i32
    %dma_start3A_60 = tpu.memref_slice %arg6[%add3A_20, %dma_start3A_59] : memref<10112x128xf32, #tpu.memory_space<vmem_shared>> -> memref<32x128xf32, #tpu.memory_space<vmem_shared>>
    %dma_start3A_61 = arith.constant 0 : i32
    %dma_start3A_62 = tpu.memref_slice %arg6[%add3A_20, %dma_start3A_61] : memref<10112x128xf32, #tpu.memory_space<vmem_shared>> -> memref<32x128xf32, #tpu.memory_space<vmem_shared>>
    tpu.enqueue_dma source(%arg9 : memref<32x128xf32, #tpu.memory_space<vmem>>) target(%dma_start3A_62 : memref<32x128xf32, #tpu.memory_space<vmem_shared>>) target_semaphore(%arg19 : memref<!tpu.dma_semaphore, #tpu.memory_space<semaphore_mem>>)
    %dma_start3A_63 = arith.constant 0 : i32
    %dma_start3A_64 = tpu.memref_slice %arg6[%add3A_22, %dma_start3A_63] : memref<10112x128xf32, #tpu.memory_space<vmem_shared>> -> memref<32x128xf32, #tpu.memory_space<vmem_shared>>
    %dma_start3A_65 = arith.constant 0 : i32
    %dma_start3A_66 = tpu.memref_slice %arg6[%add3A_22, %dma_start3A_65] : memref<10112x128xf32, #tpu.memory_space<vmem_shared>> -> memref<32x128xf32, #tpu.memory_space<vmem_shared>>
    tpu.enqueue_dma source(%arg10 : memref<32x128xf32, #tpu.memory_space<vmem>>) target(%dma_start3A_66 : memref<32x128xf32, #tpu.memory_space<vmem_shared>>) target_semaphore(%arg20 : memref<!tpu.dma_semaphore, #tpu.memory_space<semaphore_mem>>)
    %dma_start3A_67 = arith.constant 0 : i32
    %dma_start3A_68 = tpu.memref_slice %arg6[%add3A_24, %dma_start3A_67] : memref<10112x128xf32, #tpu.memory_space<vmem_shared>> -> memref<32x128xf32, #tpu.memory_space<vmem_shared>>
    %dma_start3A_69 = arith.constant 0 : i32
    %dma_start3A_70 = tpu.memref_slice %arg6[%add3A_24, %dma_start3A_69] : memref<10112x128xf32, #tpu.memory_space<vmem_shared>> -> memref<32x128xf32, #tpu.memory_space<vmem_shared>>
    tpu.enqueue_dma source(%arg11 : memref<32x128xf32, #tpu.memory_space<vmem>>) target(%dma_start3A_70 : memref<32x128xf32, #tpu.memory_space<vmem_shared>>) target_semaphore(%arg21 : memref<!tpu.dma_semaphore, #tpu.memory_space<semaphore_mem>>)
    %dma_start3A_71 = arith.constant 0 : i32
    %dma_start3A_72 = tpu.memref_slice %arg6[%add3A_26, %dma_start3A_71] : memref<10112x128xf32, #tpu.memory_space<vmem_shared>> -> memref<32x128xf32, #tpu.memory_space<vmem_shared>>
    %dma_start3A_73 = arith.constant 0 : i32
    %dma_start3A_74 = tpu.memref_slice %arg6[%add3A_26, %dma_start3A_73] : memref<10112x128xf32, #tpu.memory_space<vmem_shared>> -> memref<32x128xf32, #tpu.memory_space<vmem_shared>>
    tpu.enqueue_dma source(%arg12 : memref<32x128xf32, #tpu.memory_space<vmem>>) target(%dma_start3A_74 : memref<32x128xf32, #tpu.memory_space<vmem_shared>>) target_semaphore(%arg22 : memref<!tpu.dma_semaphore, #tpu.memory_space<semaphore_mem>>)
    %dma_start3A_75 = arith.constant 0 : i32
    %dma_start3A_76 = tpu.memref_slice %arg6[%add3A_28, %dma_start3A_75] : memref<10112x128xf32, #tpu.memory_space<vmem_shared>> -> memref<32x128xf32, #tpu.memory_space<vmem_shared>>
    %dma_start3A_77 = arith.constant 0 : i32
    %dma_start3A_78 = tpu.memref_slice %arg6[%add3A_28, %dma_start3A_77] : memref<10112x128xf32, #tpu.memory_space<vmem_shared>> -> memref<32x128xf32, #tpu.memory_space<vmem_shared>>
    tpu.enqueue_dma source(%arg9 : memref<32x128xf32, #tpu.memory_space<vmem>>) target(%dma_start3A_78 : memref<32x128xf32, #tpu.memory_space<vmem_shared>>) target_semaphore(%arg23 : memref<!tpu.dma_semaphore, #tpu.memory_space<semaphore_mem>>)
    %dma_start3A_79 = arith.constant 0 : i32
    %dma_start3A_80 = tpu.memref_slice %arg6[%add3A_30, %dma_start3A_79] : memref<10112x128xf32, #tpu.memory_space<vmem_shared>> -> memref<32x128xf32, #tpu.memory_space<vmem_shared>>
    %dma_start3A_81 = arith.constant 0 : i32
    %dma_start3A_82 = tpu.memref_slice %arg6[%add3A_30, %dma_start3A_81] : memref<10112x128xf32, #tpu.memory_space<vmem_shared>> -> memref<32x128xf32, #tpu.memory_space<vmem_shared>>
    tpu.enqueue_dma source(%arg10 : memref<32x128xf32, #tpu.memory_space<vmem>>) target(%dma_start3A_82 : memref<32x128xf32, #tpu.memory_space<vmem_shared>>) target_semaphore(%arg24 : memref<!tpu.dma_semaphore, #tpu.memory_space<semaphore_mem>>)
    %dma_start3A_83 = arith.constant 0 : i32
    %dma_start3A_84 = tpu.memref_slice %arg6[%add3A_32, %dma_start3A_83] : memref<10112x128xf32, #tpu.memory_space<vmem_shared>> -> memref<32x128xf32, #tpu.memory_space<vmem_shared>>
    %dma_start3A_85 = arith.constant 0 : i32
    %dma_start3A_86 = tpu.memref_slice %arg6[%add3A_32, %dma_start3A_85] : memref<10112x128xf32, #tpu.memory_space<vmem_shared>> -> memref<32x128xf32, #tpu.memory_space<vmem_shared>>
    tpu.enqueue_dma source(%arg11 : memref<32x128xf32, #tpu.memory_space<vmem>>) target(%dma_start3A_86 : memref<32x128xf32, #tpu.memory_space<vmem_shared>>) target_semaphore(%arg25 : memref<!tpu.dma_semaphore, #tpu.memory_space<semaphore_mem>>)
    %dma_start3A_87 = arith.constant 0 : i32
    %dma_start3A_88 = tpu.memref_slice %arg6[%add3A_34, %dma_start3A_87] : memref<10112x128xf32, #tpu.memory_space<vmem_shared>> -> memref<32x128xf32, #tpu.memory_space<vmem_shared>>
    %dma_start3A_89 = arith.constant 0 : i32
    %dma_start3A_90 = tpu.memref_slice %arg6[%add3A_34, %dma_start3A_89] : memref<10112x128xf32, #tpu.memory_space<vmem_shared>> -> memref<32x128xf32, #tpu.memory_space<vmem_shared>>
    tpu.enqueue_dma source(%arg12 : memref<32x128xf32, #tpu.memory_space<vmem>>) target(%dma_start3A_90 : memref<32x128xf32, #tpu.memory_space<vmem_shared>>) target_semaphore(%arg26 : memref<!tpu.dma_semaphore, #tpu.memory_space<semaphore_mem>>)
    %dma_start3A_91 = arith.constant 0 : i32
    %dma_start3A_92 = tpu.memref_slice %arg6[%add3A_36, %dma_start3A_91] : memref<10112x128xf32, #tpu.memory_space<vmem_shared>> -> memref<32x128xf32, #tpu.memory_space<vmem_shared>>
    %dma_start3A_93 = arith.constant 0 : i32
    %dma_start3A_94 = tpu.memref_slice %arg6[%add3A_36, %dma_start3A_93] : memref<10112x128xf32, #tpu.memory_space<vmem_shared>> -> memref<32x128xf32, #tpu.memory_space<vmem_shared>>
    tpu.enqueue_dma source(%arg9 : memref<32x128xf32, #tpu.memory_space<vmem>>) target(%dma_start3A_94 : memref<32x128xf32, #tpu.memory_space<vmem_shared>>) target_semaphore(%arg19 : memref<!tpu.dma_semaphore, #tpu.memory_space<semaphore_mem>>)
    %dma_start3A_95 = arith.constant 0 : i32
    %dma_start3A_96 = tpu.memref_slice %arg6[%add3A_38, %dma_start3A_95] : memref<10112x128xf32, #tpu.memory_space<vmem_shared>> -> memref<32x128xf32, #tpu.memory_space<vmem_shared>>
    %dma_start3A_97 = arith.constant 0 : i32
    %dma_start3A_98 = tpu.memref_slice %arg6[%add3A_38, %dma_start3A_97] : memref<10112x128xf32, #tpu.memory_space<vmem_shared>> -> memref<32x128xf32, #tpu.memory_space<vmem_shared>>
    tpu.enqueue_dma source(%arg10 : memref<32x128xf32, #tpu.memory_space<vmem>>) target(%dma_start3A_98 : memref<32x128xf32, #tpu.memory_space<vmem_shared>>) target_semaphore(%arg20 : memref<!tpu.dma_semaphore, #tpu.memory_space<semaphore_mem>>)
    %dma_start3A_99 = arith.constant 0 : i32
    %dma_start3A_100 = tpu.memref_slice %arg6[%add3A_40, %dma_start3A_99] : memref<10112x128xf32, #tpu.memory_space<vmem_shared>> -> memref<32x128xf32, #tpu.memory_space<vmem_shared>>
    %dma_start3A_101 = arith.constant 0 : i32
    %dma_start3A_102 = tpu.memref_slice %arg6[%add3A_40, %dma_start3A_101] : memref<10112x128xf32, #tpu.memory_space<vmem_shared>> -> memref<32x128xf32, #tpu.memory_space<vmem_shared>>
    tpu.enqueue_dma source(%arg11 : memref<32x128xf32, #tpu.memory_space<vmem>>) target(%dma_start3A_102 : memref<32x128xf32, #tpu.memory_space<vmem_shared>>) target_semaphore(%arg21 : memref<!tpu.dma_semaphore, #tpu.memory_space<semaphore_mem>>)
    %dma_start3A_103 = arith.constant 0 : i32
    %dma_start3A_104 = tpu.memref_slice %arg6[%add3A_42, %dma_start3A_103] : memref<10112x128xf32, #tpu.memory_space<vmem_shared>> -> memref<32x128xf32, #tpu.memory_space<vmem_shared>>
    %dma_start3A_105 = arith.constant 0 : i32
    %dma_start3A_106 = tpu.memref_slice %arg6[%add3A_42, %dma_start3A_105] : memref<10112x128xf32, #tpu.memory_space<vmem_shared>> -> memref<32x128xf32, #tpu.memory_space<vmem_shared>>
    tpu.enqueue_dma source(%arg12 : memref<32x128xf32, #tpu.memory_space<vmem>>) target(%dma_start3A_106 : memref<32x128xf32, #tpu.memory_space<vmem_shared>>) target_semaphore(%arg22 : memref<!tpu.dma_semaphore, #tpu.memory_space<semaphore_mem>>)
    %dma_start3A_107 = arith.constant 0 : i32
    %dma_start3A_108 = tpu.memref_slice %arg6[%add3A_44, %dma_start3A_107] : memref<10112x128xf32, #tpu.memory_space<vmem_shared>> -> memref<32x128xf32, #tpu.memory_space<vmem_shared>>
    %dma_start3A_109 = arith.constant 0 : i32
    %dma_start3A_110 = tpu.memref_slice %arg6[%add3A_44, %dma_start3A_109] : memref<10112x128xf32, #tpu.memory_space<vmem_shared>> -> memref<32x128xf32, #tpu.memory_space<vmem_shared>>
    tpu.enqueue_dma source(%arg9 : memref<32x128xf32, #tpu.memory_space<vmem>>) target(%dma_start3A_110 : memref<32x128xf32, #tpu.memory_space<vmem_shared>>) target_semaphore(%arg23 : memref<!tpu.dma_semaphore, #tpu.memory_space<semaphore_mem>>)
    %dma_start3A_111 = arith.constant 0 : i32
    %dma_start3A_112 = tpu.memref_slice %arg6[%add3A_46, %dma_start3A_111] : memref<10112x128xf32, #tpu.memory_space<vmem_shared>> -> memref<32x128xf32, #tpu.memory_space<vmem_shared>>
    %dma_start3A_113 = arith.constant 0 : i32
    %dma_start3A_114 = tpu.memref_slice %arg6[%add3A_46, %dma_start3A_113] : memref<10112x128xf32, #tpu.memory_space<vmem_shared>> -> memref<32x128xf32, #tpu.memory_space<vmem_shared>>
    tpu.enqueue_dma source(%arg10 : memref<32x128xf32, #tpu.memory_space<vmem>>) target(%dma_start3A_114 : memref<32x128xf32, #tpu.memory_space<vmem_shared>>) target_semaphore(%arg24 : memref<!tpu.dma_semaphore, #tpu.memory_space<semaphore_mem>>)
    %dma_start3A_115 = arith.constant 0 : i32
    %dma_start3A_116 = tpu.memref_slice %arg6[%add3A_48, %dma_start3A_115] : memref<10112x128xf32, #tpu.memory_space<vmem_shared>> -> memref<32x128xf32, #tpu.memory_space<vmem_shared>>
    %dma_start3A_117 = arith.constant 0 : i32
    %dma_start3A_118 = tpu.memref_slice %arg6[%add3A_48, %dma_start3A_117] : memref<10112x128xf32, #tpu.memory_space<vmem_shared>> -> memref<32x128xf32, #tpu.memory_space<vmem_shared>>
    tpu.enqueue_dma source(%arg11 : memref<32x128xf32, #tpu.memory_space<vmem>>) target(%dma_start3A_118 : memref<32x128xf32, #tpu.memory_space<vmem_shared>>) target_semaphore(%arg25 : memref<!tpu.dma_semaphore, #tpu.memory_space<semaphore_mem>>)
    %dma_start3A_119 = arith.constant 0 : i32
    %dma_start3A_120 = tpu.memref_slice %arg6[%add3A_50, %dma_start3A_119] : memref<10112x128xf32, #tpu.memory_space<vmem_shared>> -> memref<32x128xf32, #tpu.memory_space<vmem_shared>>
    %dma_start3A_121 = arith.constant 0 : i32
    %dma_start3A_122 = tpu.memref_slice %arg6[%add3A_50, %dma_start3A_121] : memref<10112x128xf32, #tpu.memory_space<vmem_shared>> -> memref<32x128xf32, #tpu.memory_space<vmem_shared>>
    tpu.enqueue_dma source(%arg12 : memref<32x128xf32, #tpu.memory_space<vmem>>) target(%dma_start3A_122 : memref<32x128xf32, #tpu.memory_space<vmem_shared>>) target_semaphore(%arg26 : memref<!tpu.dma_semaphore, #tpu.memory_space<semaphore_mem>>)
    %dma_start3A_123 = arith.constant 0 : i32
    %dma_start3A_124 = tpu.memref_slice %arg6[%add3A_52, %dma_start3A_123] : memref<10112x128xf32, #tpu.memory_space<vmem_shared>> -> memref<32x128xf32, #tpu.memory_space<vmem_shared>>
    %dma_start3A_125 = arith.constant 0 : i32
    %dma_start3A_126 = tpu.memref_slice %arg6[%add3A_52, %dma_start3A_125] : memref<10112x128xf32, #tpu.memory_space<vmem_shared>> -> memref<32x128xf32, #tpu.memory_space<vmem_shared>>
    tpu.enqueue_dma source(%arg9 : memref<32x128xf32, #tpu.memory_space<vmem>>) target(%dma_start3A_126 : memref<32x128xf32, #tpu.memory_space<vmem_shared>>) target_semaphore(%arg19 : memref<!tpu.dma_semaphore, #tpu.memory_space<semaphore_mem>>)
    %dma_start3A_127 = arith.constant 0 : i32
    %dma_start3A_128 = tpu.memref_slice %arg6[%add3A_54, %dma_start3A_127] : memref<10112x128xf32, #tpu.memory_space<vmem_shared>> -> memref<32x128xf32, #tpu.memory_space<vmem_shared>>
    %dma_start3A_129 = arith.constant 0 : i32
    %dma_start3A_130 = tpu.memref_slice %arg6[%add3A_54, %dma_start3A_129] : memref<10112x128xf32, #tpu.memory_space<vmem_shared>> -> memref<32x128xf32, #tpu.memory_space<vmem_shared>>
    tpu.enqueue_dma source(%arg10 : memref<32x128xf32, #tpu.memory_space<vmem>>) target(%dma_start3A_130 : memref<32x128xf32, #tpu.memory_space<vmem_shared>>) target_semaphore(%arg20 : memref<!tpu.dma_semaphore, #tpu.memory_space<semaphore_mem>>)
    %dma_start3A_131 = arith.constant 0 : i32
    %dma_start3A_132 = tpu.memref_slice %arg6[%add3A_56, %dma_start3A_131] : memref<10112x128xf32, #tpu.memory_space<vmem_shared>> -> memref<32x128xf32, #tpu.memory_space<vmem_shared>>
    %dma_start3A_133 = arith.constant 0 : i32
    %dma_start3A_134 = tpu.memref_slice %arg6[%add3A_56, %dma_start3A_133] : memref<10112x128xf32, #tpu.memory_space<vmem_shared>> -> memref<32x128xf32, #tpu.memory_space<vmem_shared>>
    tpu.enqueue_dma source(%arg11 : memref<32x128xf32, #tpu.memory_space<vmem>>) target(%dma_start3A_134 : memref<32x128xf32, #tpu.memory_space<vmem_shared>>) target_semaphore(%arg21 : memref<!tpu.dma_semaphore, #tpu.memory_space<semaphore_mem>>)
    %dma_start3A_135 = arith.constant 0 : i32
    %dma_start3A_136 = arith.constant 0 : i32
    %dma_start3A_137 = tpu.memref_slice %arg9[%dma_start3A_135, %dma_start3A_136] : memref<32x128xf32, #tpu.memory_space<vmem>> -> memref<24x128xf32, #tpu.memory_space<vmem>>
    %dma_start3A_138 = arith.constant 0 : i32
    %dma_start3A_139 = tpu.memref_slice %arg6[%add3A_58, %dma_start3A_138] : memref<10112x128xf32, #tpu.memory_space<vmem_shared>> -> memref<24x128xf32, #tpu.memory_space<vmem_shared>>
    %dma_start3A_140 = arith.constant 0 : i32
    %dma_start3A_141 = tpu.memref_slice %arg6[%add3A_58, %dma_start3A_140] : memref<10112x128xf32, #tpu.memory_space<vmem_shared>> -> memref<24x128xf32, #tpu.memory_space<vmem_shared>>
    %dma_start3A_142 = arith.constant 0 : i32
    %dma_start3A_143 = arith.constant 0 : i32
    %dma_start3A_144 = tpu.memref_slice %arg9[%dma_start3A_142, %dma_start3A_143] : memref<32x128xf32, #tpu.memory_space<vmem>> -> memref<24x128xf32, #tpu.memory_space<vmem>>
    tpu.enqueue_dma source(%dma_start3A_144 : memref<24x128xf32, #tpu.memory_space<vmem>>) target(%dma_start3A_141 : memref<24x128xf32, #tpu.memory_space<vmem_shared>>) target_semaphore(%arg27 : memref<!tpu.dma_semaphore, #tpu.memory_space<semaphore_mem>>)
    %dma_wait3A = arith.constant 0 : i32
    %dma_wait3A_145 = tpu.memref_slice %arg6[%add3A_20, %dma_wait3A] : memref<10112x128xf32, #tpu.memory_space<vmem_shared>> -> memref<32x128xf32, #tpu.memory_space<vmem_shared>>
    %dma_wait3A_146 = arith.constant 0 : i32
    %dma_wait3A_147 = tpu.memref_slice %arg6[%add3A_20, %dma_wait3A_146] : memref<10112x128xf32, #tpu.memory_space<vmem_shared>> -> memref<32x128xf32, #tpu.memory_space<vmem_shared>>
    tpu.wait_dma2 semaphore(%arg19 : memref<!tpu.dma_semaphore, #tpu.memory_space<semaphore_mem>>) src(%arg9 : memref<32x128xf32, #tpu.memory_space<vmem>>) dst(%dma_wait3A_147 : memref<32x128xf32, #tpu.memory_space<vmem_shared>>)
    %dma_wait3A_148 = arith.constant 0 : i32
    %dma_wait3A_149 = tpu.memref_slice %arg6[%add3A_22, %dma_wait3A_148] : memref<10112x128xf32, #tpu.memory_space<vmem_shared>> -> memref<32x128xf32, #tpu.memory_space<vmem_shared>>
    %dma_wait3A_150 = arith.constant 0 : i32
    %dma_wait3A_151 = tpu.memref_slice %arg6[%add3A_22, %dma_wait3A_150] : memref<10112x128xf32, #tpu.memory_space<vmem_shared>> -> memref<32x128xf32, #tpu.memory_space<vmem_shared>>
    tpu.wait_dma2 semaphore(%arg20 : memref<!tpu.dma_semaphore, #tpu.memory_space<semaphore_mem>>) src(%arg10 : memref<32x128xf32, #tpu.memory_space<vmem>>) dst(%dma_wait3A_151 : memref<32x128xf32, #tpu.memory_space<vmem_shared>>)
    %dma_wait3A_152 = arith.constant 0 : i32
    %dma_wait3A_153 = tpu.memref_slice %arg6[%add3A_24, %dma_wait3A_152] : memref<10112x128xf32, #tpu.memory_space<vmem_shared>> -> memref<32x128xf32, #tpu.memory_space<vmem_shared>>
    %dma_wait3A_154 = arith.constant 0 : i32
    %dma_wait3A_155 = tpu.memref_slice %arg6[%add3A_24, %dma_wait3A_154] : memref<10112x128xf32, #tpu.memory_space<vmem_shared>> -> memref<32x128xf32, #tpu.memory_space<vmem_shared>>
    tpu.wait_dma2 semaphore(%arg21 : memref<!tpu.dma_semaphore, #tpu.memory_space<semaphore_mem>>) src(%arg11 : memref<32x128xf32, #tpu.memory_space<vmem>>) dst(%dma_wait3A_155 : memref<32x128xf32, #tpu.memory_space<vmem_shared>>)
    %dma_wait3A_156 = arith.constant 0 : i32
    %dma_wait3A_157 = tpu.memref_slice %arg6[%add3A_26, %dma_wait3A_156] : memref<10112x128xf32, #tpu.memory_space<vmem_shared>> -> memref<32x128xf32, #tpu.memory_space<vmem_shared>>
    %dma_wait3A_158 = arith.constant 0 : i32
    %dma_wait3A_159 = tpu.memref_slice %arg6[%add3A_26, %dma_wait3A_158] : memref<10112x128xf32, #tpu.memory_space<vmem_shared>> -> memref<32x128xf32, #tpu.memory_space<vmem_shared>>
    tpu.wait_dma2 semaphore(%arg22 : memref<!tpu.dma_semaphore, #tpu.memory_space<semaphore_mem>>) src(%arg12 : memref<32x128xf32, #tpu.memory_space<vmem>>) dst(%dma_wait3A_159 : memref<32x128xf32, #tpu.memory_space<vmem_shared>>)
    %dma_wait3A_160 = arith.constant 0 : i32
    %dma_wait3A_161 = tpu.memref_slice %arg6[%add3A_28, %dma_wait3A_160] : memref<10112x128xf32, #tpu.memory_space<vmem_shared>> -> memref<32x128xf32, #tpu.memory_space<vmem_shared>>
    %dma_wait3A_162 = arith.constant 0 : i32
    %dma_wait3A_163 = tpu.memref_slice %arg6[%add3A_28, %dma_wait3A_162] : memref<10112x128xf32, #tpu.memory_space<vmem_shared>> -> memref<32x128xf32, #tpu.memory_space<vmem_shared>>
    tpu.wait_dma2 semaphore(%arg23 : memref<!tpu.dma_semaphore, #tpu.memory_space<semaphore_mem>>) src(%arg9 : memref<32x128xf32, #tpu.memory_space<vmem>>) dst(%dma_wait3A_163 : memref<32x128xf32, #tpu.memory_space<vmem_shared>>)
    %dma_wait3A_164 = arith.constant 0 : i32
    %dma_wait3A_165 = tpu.memref_slice %arg6[%add3A_30, %dma_wait3A_164] : memref<10112x128xf32, #tpu.memory_space<vmem_shared>> -> memref<32x128xf32, #tpu.memory_space<vmem_shared>>
    %dma_wait3A_166 = arith.constant 0 : i32
    %dma_wait3A_167 = tpu.memref_slice %arg6[%add3A_30, %dma_wait3A_166] : memref<10112x128xf32, #tpu.memory_space<vmem_shared>> -> memref<32x128xf32, #tpu.memory_space<vmem_shared>>
    tpu.wait_dma2 semaphore(%arg24 : memref<!tpu.dma_semaphore, #tpu.memory_space<semaphore_mem>>) src(%arg10 : memref<32x128xf32, #tpu.memory_space<vmem>>) dst(%dma_wait3A_167 : memref<32x128xf32, #tpu.memory_space<vmem_shared>>)
    %dma_wait3A_168 = arith.constant 0 : i32
    %dma_wait3A_169 = tpu.memref_slice %arg6[%add3A_32, %dma_wait3A_168] : memref<10112x128xf32, #tpu.memory_space<vmem_shared>> -> memref<32x128xf32, #tpu.memory_space<vmem_shared>>
    %dma_wait3A_170 = arith.constant 0 : i32
    %dma_wait3A_171 = tpu.memref_slice %arg6[%add3A_32, %dma_wait3A_170] : memref<10112x128xf32, #tpu.memory_space<vmem_shared>> -> memref<32x128xf32, #tpu.memory_space<vmem_shared>>
    tpu.wait_dma2 semaphore(%arg25 : memref<!tpu.dma_semaphore, #tpu.memory_space<semaphore_mem>>) src(%arg11 : memref<32x128xf32, #tpu.memory_space<vmem>>) dst(%dma_wait3A_171 : memref<32x128xf32, #tpu.memory_space<vmem_shared>>)
    %dma_wait3A_172 = arith.constant 0 : i32
    %dma_wait3A_173 = tpu.memref_slice %arg6[%add3A_34, %dma_wait3A_172] : memref<10112x128xf32, #tpu.memory_space<vmem_shared>> -> memref<32x128xf32, #tpu.memory_space<vmem_shared>>
    %dma_wait3A_174 = arith.constant 0 : i32
    %dma_wait3A_175 = tpu.memref_slice %arg6[%add3A_34, %dma_wait3A_174] : memref<10112x128xf32, #tpu.memory_space<vmem_shared>> -> memref<32x128xf32, #tpu.memory_space<vmem_shared>>
    tpu.wait_dma2 semaphore(%arg26 : memref<!tpu.dma_semaphore, #tpu.memory_space<semaphore_mem>>) src(%arg12 : memref<32x128xf32, #tpu.memory_space<vmem>>) dst(%dma_wait3A_175 : memref<32x128xf32, #tpu.memory_space<vmem_shared>>)
    %dma_wait3A_176 = arith.constant 0 : i32
    %dma_wait3A_177 = tpu.memref_slice %arg6[%add3A_36, %dma_wait3A_176] : memref<10112x128xf32, #tpu.memory_space<vmem_shared>> -> memref<32x128xf32, #tpu.memory_space<vmem_shared>>
    %dma_wait3A_178 = arith.constant 0 : i32
    %dma_wait3A_179 = tpu.memref_slice %arg6[%add3A_36, %dma_wait3A_178] : memref<10112x128xf32, #tpu.memory_space<vmem_shared>> -> memref<32x128xf32, #tpu.memory_space<vmem_shared>>
    tpu.wait_dma2 semaphore(%arg19 : memref<!tpu.dma_semaphore, #tpu.memory_space<semaphore_mem>>) src(%arg9 : memref<32x128xf32, #tpu.memory_space<vmem>>) dst(%dma_wait3A_179 : memref<32x128xf32, #tpu.memory_space<vmem_shared>>)
    %dma_wait3A_180 = arith.constant 0 : i32
    %dma_wait3A_181 = tpu.memref_slice %arg6[%add3A_38, %dma_wait3A_180] : memref<10112x128xf32, #tpu.memory_space<vmem_shared>> -> memref<32x128xf32, #tpu.memory_space<vmem_shared>>
    %dma_wait3A_182 = arith.constant 0 : i32
    %dma_wait3A_183 = tpu.memref_slice %arg6[%add3A_38, %dma_wait3A_182] : memref<10112x128xf32, #tpu.memory_space<vmem_shared>> -> memref<32x128xf32, #tpu.memory_space<vmem_shared>>
    tpu.wait_dma2 semaphore(%arg20 : memref<!tpu.dma_semaphore, #tpu.memory_space<semaphore_mem>>) src(%arg10 : memref<32x128xf32, #tpu.memory_space<vmem>>) dst(%dma_wait3A_183 : memref<32x128xf32, #tpu.memory_space<vmem_shared>>)
    %dma_wait3A_184 = arith.constant 0 : i32
    %dma_wait3A_185 = tpu.memref_slice %arg6[%add3A_40, %dma_wait3A_184] : memref<10112x128xf32, #tpu.memory_space<vmem_shared>> -> memref<32x128xf32, #tpu.memory_space<vmem_shared>>
    %dma_wait3A_186 = arith.constant 0 : i32
    %dma_wait3A_187 = tpu.memref_slice %arg6[%add3A_40, %dma_wait3A_186] : memref<10112x128xf32, #tpu.memory_space<vmem_shared>> -> memref<32x128xf32, #tpu.memory_space<vmem_shared>>
    tpu.wait_dma2 semaphore(%arg21 : memref<!tpu.dma_semaphore, #tpu.memory_space<semaphore_mem>>) src(%arg11 : memref<32x128xf32, #tpu.memory_space<vmem>>) dst(%dma_wait3A_187 : memref<32x128xf32, #tpu.memory_space<vmem_shared>>)
    %dma_wait3A_188 = arith.constant 0 : i32
    %dma_wait3A_189 = tpu.memref_slice %arg6[%add3A_42, %dma_wait3A_188] : memref<10112x128xf32, #tpu.memory_space<vmem_shared>> -> memref<32x128xf32, #tpu.memory_space<vmem_shared>>
    %dma_wait3A_190 = arith.constant 0 : i32
    %dma_wait3A_191 = tpu.memref_slice %arg6[%add3A_42, %dma_wait3A_190] : memref<10112x128xf32, #tpu.memory_space<vmem_shared>> -> memref<32x128xf32, #tpu.memory_space<vmem_shared>>
    tpu.wait_dma2 semaphore(%arg22 : memref<!tpu.dma_semaphore, #tpu.memory_space<semaphore_mem>>) src(%arg12 : memref<32x128xf32, #tpu.memory_space<vmem>>) dst(%dma_wait3A_191 : memref<32x128xf32, #tpu.memory_space<vmem_shared>>)
    %dma_wait3A_192 = arith.constant 0 : i32
    %dma_wait3A_193 = tpu.memref_slice %arg6[%add3A_44, %dma_wait3A_192] : memref<10112x128xf32, #tpu.memory_space<vmem_shared>> -> memref<32x128xf32, #tpu.memory_space<vmem_shared>>
    %dma_wait3A_194 = arith.constant 0 : i32
    %dma_wait3A_195 = tpu.memref_slice %arg6[%add3A_44, %dma_wait3A_194] : memref<10112x128xf32, #tpu.memory_space<vmem_shared>> -> memref<32x128xf32, #tpu.memory_space<vmem_shared>>
    tpu.wait_dma2 semaphore(%arg23 : memref<!tpu.dma_semaphore, #tpu.memory_space<semaphore_mem>>) src(%arg9 : memref<32x128xf32, #tpu.memory_space<vmem>>) dst(%dma_wait3A_195 : memref<32x128xf32, #tpu.memory_space<vmem_shared>>)
    %dma_wait3A_196 = arith.constant 0 : i32
    %dma_wait3A_197 = tpu.memref_slice %arg6[%add3A_46, %dma_wait3A_196] : memref<10112x128xf32, #tpu.memory_space<vmem_shared>> -> memref<32x128xf32, #tpu.memory_space<vmem_shared>>
    %dma_wait3A_198 = arith.constant 0 : i32
    %dma_wait3A_199 = tpu.memref_slice %arg6[%add3A_46, %dma_wait3A_198] : memref<10112x128xf32, #tpu.memory_space<vmem_shared>> -> memref<32x128xf32, #tpu.memory_space<vmem_shared>>
    tpu.wait_dma2 semaphore(%arg24 : memref<!tpu.dma_semaphore, #tpu.memory_space<semaphore_mem>>) src(%arg10 : memref<32x128xf32, #tpu.memory_space<vmem>>) dst(%dma_wait3A_199 : memref<32x128xf32, #tpu.memory_space<vmem_shared>>)
    %dma_wait3A_200 = arith.constant 0 : i32
    %dma_wait3A_201 = tpu.memref_slice %arg6[%add3A_48, %dma_wait3A_200] : memref<10112x128xf32, #tpu.memory_space<vmem_shared>> -> memref<32x128xf32, #tpu.memory_space<vmem_shared>>
    %dma_wait3A_202 = arith.constant 0 : i32
    %dma_wait3A_203 = tpu.memref_slice %arg6[%add3A_48, %dma_wait3A_202] : memref<10112x128xf32, #tpu.memory_space<vmem_shared>> -> memref<32x128xf32, #tpu.memory_space<vmem_shared>>
    tpu.wait_dma2 semaphore(%arg25 : memref<!tpu.dma_semaphore, #tpu.memory_space<semaphore_mem>>) src(%arg11 : memref<32x128xf32, #tpu.memory_space<vmem>>) dst(%dma_wait3A_203 : memref<32x128xf32, #tpu.memory_space<vmem_shared>>)
    %dma_wait3A_204 = arith.constant 0 : i32
    %dma_wait3A_205 = tpu.memref_slice %arg6[%add3A_50, %dma_wait3A_204] : memref<10112x128xf32, #tpu.memory_space<vmem_shared>> -> memref<32x128xf32, #tpu.memory_space<vmem_shared>>
    %dma_wait3A_206 = arith.constant 0 : i32
    %dma_wait3A_207 = tpu.memref_slice %arg6[%add3A_50, %dma_wait3A_206] : memref<10112x128xf32, #tpu.memory_space<vmem_shared>> -> memref<32x128xf32, #tpu.memory_space<vmem_shared>>
    tpu.wait_dma2 semaphore(%arg26 : memref<!tpu.dma_semaphore, #tpu.memory_space<semaphore_mem>>) src(%arg12 : memref<32x128xf32, #tpu.memory_space<vmem>>) dst(%dma_wait3A_207 : memref<32x128xf32, #tpu.memory_space<vmem_shared>>)
    %dma_wait3A_208 = arith.constant 0 : i32
    %dma_wait3A_209 = tpu.memref_slice %arg6[%add3A_52, %dma_wait3A_208] : memref<10112x128xf32, #tpu.memory_space<vmem_shared>> -> memref<32x128xf32, #tpu.memory_space<vmem_shared>>
    %dma_wait3A_210 = arith.constant 0 : i32
    %dma_wait3A_211 = tpu.memref_slice %arg6[%add3A_52, %dma_wait3A_210] : memref<10112x128xf32, #tpu.memory_space<vmem_shared>> -> memref<32x128xf32, #tpu.memory_space<vmem_shared>>
    tpu.wait_dma2 semaphore(%arg19 : memref<!tpu.dma_semaphore, #tpu.memory_space<semaphore_mem>>) src(%arg9 : memref<32x128xf32, #tpu.memory_space<vmem>>) dst(%dma_wait3A_211 : memref<32x128xf32, #tpu.memory_space<vmem_shared>>)
    %dma_wait3A_212 = arith.constant 0 : i32
    %dma_wait3A_213 = tpu.memref_slice %arg6[%add3A_54, %dma_wait3A_212] : memref<10112x128xf32, #tpu.memory_space<vmem_shared>> -> memref<32x128xf32, #tpu.memory_space<vmem_shared>>
    %dma_wait3A_214 = arith.constant 0 : i32
    %dma_wait3A_215 = tpu.memref_slice %arg6[%add3A_54, %dma_wait3A_214] : memref<10112x128xf32, #tpu.memory_space<vmem_shared>> -> memref<32x128xf32, #tpu.memory_space<vmem_shared>>
    tpu.wait_dma2 semaphore(%arg20 : memref<!tpu.dma_semaphore, #tpu.memory_space<semaphore_mem>>) src(%arg10 : memref<32x128xf32, #tpu.memory_space<vmem>>) dst(%dma_wait3A_215 : memref<32x128xf32, #tpu.memory_space<vmem_shared>>)
    %dma_wait3A_216 = arith.constant 0 : i32
    %dma_wait3A_217 = tpu.memref_slice %arg6[%add3A_56, %dma_wait3A_216] : memref<10112x128xf32, #tpu.memory_space<vmem_shared>> -> memref<32x128xf32, #tpu.memory_space<vmem_shared>>
    %dma_wait3A_218 = arith.constant 0 : i32
    %dma_wait3A_219 = tpu.memref_slice %arg6[%add3A_56, %dma_wait3A_218] : memref<10112x128xf32, #tpu.memory_space<vmem_shared>> -> memref<32x128xf32, #tpu.memory_space<vmem_shared>>
    tpu.wait_dma2 semaphore(%arg21 : memref<!tpu.dma_semaphore, #tpu.memory_space<semaphore_mem>>) src(%arg11 : memref<32x128xf32, #tpu.memory_space<vmem>>) dst(%dma_wait3A_219 : memref<32x128xf32, #tpu.memory_space<vmem_shared>>)
    %dma_wait3A_220 = arith.constant 0 : i32
    %dma_wait3A_221 = arith.constant 0 : i32
    %dma_wait3A_222 = tpu.memref_slice %arg9[%dma_wait3A_220, %dma_wait3A_221] : memref<32x128xf32, #tpu.memory_space<vmem>> -> memref<24x128xf32, #tpu.memory_space<vmem>>
    %dma_wait3A_223 = arith.constant 0 : i32
    %dma_wait3A_224 = tpu.memref_slice %arg6[%add3A_58, %dma_wait3A_223] : memref<10112x128xf32, #tpu.memory_space<vmem_shared>> -> memref<24x128xf32, #tpu.memory_space<vmem_shared>>
    %dma_wait3A_225 = arith.constant 0 : i32
    %dma_wait3A_226 = tpu.memref_slice %arg6[%add3A_58, %dma_wait3A_225] : memref<10112x128xf32, #tpu.memory_space<vmem_shared>> -> memref<24x128xf32, #tpu.memory_space<vmem_shared>>
    %dma_wait3A_227 = arith.constant 0 : i32
    %dma_wait3A_228 = arith.constant 0 : i32
    %dma_wait3A_229 = tpu.memref_slice %arg9[%dma_wait3A_227, %dma_wait3A_228] : memref<32x128xf32, #tpu.memory_space<vmem>> -> memref<24x128xf32, #tpu.memory_space<vmem>>
    tpu.wait_dma2 semaphore(%arg27 : memref<!tpu.dma_semaphore, #tpu.memory_space<semaphore_mem>>) src(%dma_wait3A_229 : memref<24x128xf32, #tpu.memory_space<vmem>>) dst(%dma_wait3A_226 : memref<24x128xf32, #tpu.memory_space<vmem_shared>>)
    %barrier3A = arith.constant 0 : index
    tpu.barrier barrier_id(%barrier3A)
    %dma_wait3A_230 = arith.constant 0 : i32
    %dma_wait3A_231 = tpu.memref_slice %arg3[%mul3A_2, %dma_wait3A_230] : memref<2560x128xi32, #tpu.memory_space<hbm>> -> memref<40x128xi32, #tpu.memory_space<hbm>>
    %dma_wait3A_232 = arith.constant 0 : i32
    %dma_wait3A_233 = tpu.memref_slice %arg3[%mul3A_2, %dma_wait3A_232] : memref<2560x128xi32, #tpu.memory_space<hbm>> -> memref<40x128xi32, #tpu.memory_space<hbm>>
    tpu.wait_dma2 semaphore(%arg17 : memref<!tpu.dma_semaphore, #tpu.memory_space<semaphore_mem>>) src(%dma_wait3A_233 : memref<40x128xi32, #tpu.memory_space<hbm>>) dst(%arg7 : memref<40x128xi32, #tpu.memory_space<vmem>>)
    %dma_wait3A_234 = arith.constant 0 : i32
    %dma_wait3A_235 = tpu.memref_slice %arg4[%mul3A_7, %dma_wait3A_234] : memref<2560x128xi32, #tpu.memory_space<hbm>> -> memref<40x128xi32, #tpu.memory_space<hbm>>
    %dma_wait3A_236 = arith.constant 0 : i32
    %dma_wait3A_237 = tpu.memref_slice %arg4[%mul3A_7, %dma_wait3A_236] : memref<2560x128xi32, #tpu.memory_space<hbm>> -> memref<40x128xi32, #tpu.memory_space<hbm>>
    tpu.wait_dma2 semaphore(%arg18 : memref<!tpu.dma_semaphore, #tpu.memory_space<semaphore_mem>>) src(%dma_wait3A_237 : memref<40x128xi32, #tpu.memory_space<hbm>>) dst(%arg8 : memref<40x128xi32, #tpu.memory_space<vmem>>)
    %mul3A_238 = arith.constant 80 : i32
    %mul3A_239 = arith.muli %add3A, %mul3A_238 : i32
    %add3A_240 = arith.constant 0 : i32
    %add3A_241 = arith.addi %mul3A_239, %add3A_240 : i32
    %sub3A = arith.constant 2500 : i32
    %sub3A_242 = arith.subi %sub3A, %add3A_241 : i32
    %jit3A = arith.constant 0 : i32
    %jit3A_243 = arith.constant 40 : i32
    %max3A = arith.maxsi %jit3A, %sub3A_242 : i32
    %min3A = arith.minsi %jit3A_243, %max3A : i32
    %gt3A = arith.constant 0 : i32
    %gt3A_244 = arith.cmpi sgt, %min3A, %gt3A : i32
    %convert_element_type3A = arith.extui %gt3A_244 : i1 to i32
    %cond3A = arith.constant 0 : i32
    %cond3A_245 = arith.cmpi ne, %convert_element_type3A, %cond3A : i32
    scf.if %cond3A_245 {
      %dma_start3A_351 = arith.constant 0 : i32
      %dma_start3A_352 = arith.constant 0 : i32
      %dma_start3A_353 = tpu.memref_slice %arg7[%dma_start3A_351, %dma_start3A_352] : memref<40x128xi32, #tpu.memory_space<vmem>> -> memref<1x32xi32, #tpu.memory_space<vmem>>
      %dma_start3A_354 = tpu.memref_squeeze %dma_start3A_353 : memref<1x32xi32, #tpu.memory_space<vmem>> -> memref<32xi32, #tpu.memory_space<vmem>>
      %dma_start3A_355 = arith.constant 0 : i32
      %dma_start3A_356 = arith.constant 0 : i32
      %dma_start3A_357 = tpu.memref_slice %arg2[%dma_start3A_355, %dma_start3A_356] : memref<10000x128xf32, #tpu.memory_space<hbm>> -> memref<10000x128xf32, #tpu.memory_space<hbm>>
      tpu.enqueue_indirect_dma source(%dma_start3A_357 : memref<10000x128xf32, #tpu.memory_space<hbm>>) target(%arg9 : memref<32x128xf32, #tpu.memory_space<vmem>>) offsets(%dma_start3A_354 : memref<32xi32, #tpu.memory_space<vmem>>) semaphore(%arg19 : memref<!tpu.dma_semaphore, #tpu.memory_space<semaphore_mem>>)
    } else {
    }
    %gt3A_246 = arith.constant 0 : i32
    %gt3A_247 = arith.cmpi sgt, %min3A, %gt3A_246 : i32
    %convert_element_type3A_248 = arith.extui %gt3A_247 : i1 to i32
    %cond3A_249 = arith.constant 0 : i32
    %cond3A_250 = arith.cmpi ne, %convert_element_type3A_248, %cond3A_249 : i32
    scf.if %cond3A_250 {
      %dma_start3A_351 = arith.constant 0 : i32
      %dma_start3A_352 = arith.constant 32 : i32
      %dma_start3A_353 = tpu.memref_slice %arg7[%dma_start3A_351, %dma_start3A_352] : memref<40x128xi32, #tpu.memory_space<vmem>> -> memref<1x32xi32, #tpu.memory_space<vmem>>
      %dma_start3A_354 = tpu.memref_squeeze %dma_start3A_353 : memref<1x32xi32, #tpu.memory_space<vmem>> -> memref<32xi32, #tpu.memory_space<vmem>>
      %dma_start3A_355 = arith.constant 0 : i32
      %dma_start3A_356 = arith.constant 0 : i32
      %dma_start3A_357 = tpu.memref_slice %arg2[%dma_start3A_355, %dma_start3A_356] : memref<10000x128xf32, #tpu.memory_space<hbm>> -> memref<10000x128xf32, #tpu.memory_space<hbm>>
      tpu.enqueue_indirect_dma source(%dma_start3A_357 : memref<10000x128xf32, #tpu.memory_space<hbm>>) target(%arg10 : memref<32x128xf32, #tpu.memory_space<vmem>>) offsets(%dma_start3A_354 : memref<32xi32, #tpu.memory_space<vmem>>) semaphore(%arg20 : memref<!tpu.dma_semaphore, #tpu.memory_space<semaphore_mem>>)
    } else {
    }
    %gt3A_251 = arith.constant 0 : i32
    %gt3A_252 = arith.cmpi sgt, %min3A, %gt3A_251 : i32
    %convert_element_type3A_253 = arith.extui %gt3A_252 : i1 to i32
    %cond3A_254 = arith.constant 0 : i32
    %cond3A_255 = arith.cmpi ne, %convert_element_type3A_253, %cond3A_254 : i32
    scf.if %cond3A_255 {
      %dma_start3A_351 = arith.constant 0 : i32
      %dma_start3A_352 = arith.constant 64 : i32
      %dma_start3A_353 = tpu.memref_slice %arg7[%dma_start3A_351, %dma_start3A_352] : memref<40x128xi32, #tpu.memory_space<vmem>> -> memref<1x32xi32, #tpu.memory_space<vmem>>
      %dma_start3A_354 = tpu.memref_squeeze %dma_start3A_353 : memref<1x32xi32, #tpu.memory_space<vmem>> -> memref<32xi32, #tpu.memory_space<vmem>>
      %dma_start3A_355 = arith.constant 0 : i32
      %dma_start3A_356 = arith.constant 0 : i32
      %dma_start3A_357 = tpu.memref_slice %arg2[%dma_start3A_355, %dma_start3A_356] : memref<10000x128xf32, #tpu.memory_space<hbm>> -> memref<10000x128xf32, #tpu.memory_space<hbm>>
      tpu.enqueue_indirect_dma source(%dma_start3A_357 : memref<10000x128xf32, #tpu.memory_space<hbm>>) target(%arg11 : memref<32x128xf32, #tpu.memory_space<vmem>>) offsets(%dma_start3A_354 : memref<32xi32, #tpu.memory_space<vmem>>) semaphore(%arg21 : memref<!tpu.dma_semaphore, #tpu.memory_space<semaphore_mem>>)
    } else {
    }
    %gt3A_256 = arith.constant 0 : i32
    %gt3A_257 = arith.cmpi sgt, %min3A, %gt3A_256 : i32
    %convert_element_type3A_258 = arith.extui %gt3A_257 : i1 to i32
    %cond3A_259 = arith.constant 0 : i32
    %cond3A_260 = arith.cmpi ne, %convert_element_type3A_258, %cond3A_259 : i32
    scf.if %cond3A_260 {
      %dma_start3A_351 = arith.constant 0 : i32
      %dma_start3A_352 = arith.constant 96 : i32
      %dma_start3A_353 = tpu.memref_slice %arg7[%dma_start3A_351, %dma_start3A_352] : memref<40x128xi32, #tpu.memory_space<vmem>> -> memref<1x32xi32, #tpu.memory_space<vmem>>
      %dma_start3A_354 = tpu.memref_squeeze %dma_start3A_353 : memref<1x32xi32, #tpu.memory_space<vmem>> -> memref<32xi32, #tpu.memory_space<vmem>>
      %dma_start3A_355 = arith.constant 0 : i32
      %dma_start3A_356 = arith.constant 0 : i32
      %dma_start3A_357 = tpu.memref_slice %arg2[%dma_start3A_355, %dma_start3A_356] : memref<10000x128xf32, #tpu.memory_space<hbm>> -> memref<10000x128xf32, #tpu.memory_space<hbm>>
      tpu.enqueue_indirect_dma source(%dma_start3A_357 : memref<10000x128xf32, #tpu.memory_space<hbm>>) target(%arg12 : memref<32x128xf32, #tpu.memory_space<vmem>>) offsets(%dma_start3A_354 : memref<32xi32, #tpu.memory_space<vmem>>) semaphore(%arg22 : memref<!tpu.dma_semaphore, #tpu.memory_space<semaphore_mem>>)
    } else {
    }
    %gt3A_261 = arith.constant 1 : i32
    %gt3A_262 = arith.cmpi sgt, %min3A, %gt3A_261 : i32
    %convert_element_type3A_263 = arith.extui %gt3A_262 : i1 to i32
    %cond3A_264 = arith.constant 0 : i32
    %cond3A_265 = arith.cmpi ne, %convert_element_type3A_263, %cond3A_264 : i32
    scf.if %cond3A_265 {
      %dma_start3A_351 = arith.constant 1 : i32
      %dma_start3A_352 = arith.constant 0 : i32
      %dma_start3A_353 = tpu.memref_slice %arg7[%dma_start3A_351, %dma_start3A_352] : memref<40x128xi32, #tpu.memory_space<vmem>> -> memref<1x32xi32, #tpu.memory_space<vmem>>
      %dma_start3A_354 = tpu.memref_squeeze %dma_start3A_353 : memref<1x32xi32, #tpu.memory_space<vmem>> -> memref<32xi32, #tpu.memory_space<vmem>>
      %dma_start3A_355 = arith.constant 0 : i32
      %dma_start3A_356 = arith.constant 0 : i32
      %dma_start3A_357 = tpu.memref_slice %arg2[%dma_start3A_355, %dma_start3A_356] : memref<10000x128xf32, #tpu.memory_space<hbm>> -> memref<10000x128xf32, #tpu.memory_space<hbm>>
      tpu.enqueue_indirect_dma source(%dma_start3A_357 : memref<10000x128xf32, #tpu.memory_space<hbm>>) target(%arg13 : memref<32x128xf32, #tpu.memory_space<vmem>>) offsets(%dma_start3A_354 : memref<32xi32, #tpu.memory_space<vmem>>) semaphore(%arg23 : memref<!tpu.dma_semaphore, #tpu.memory_space<semaphore_mem>>)
    } else {
    }
    %gt3A_266 = arith.constant 1 : i32
    %gt3A_267 = arith.cmpi sgt, %min3A, %gt3A_266 : i32
    %convert_element_type3A_268 = arith.extui %gt3A_267 : i1 to i32
    %cond3A_269 = arith.constant 0 : i32
    %cond3A_270 = arith.cmpi ne, %convert_element_type3A_268, %cond3A_269 : i32
    scf.if %cond3A_270 {
      %dma_start3A_351 = arith.constant 1 : i32
      %dma_start3A_352 = arith.constant 32 : i32
      %dma_start3A_353 = tpu.memref_slice %arg7[%dma_start3A_351, %dma_start3A_352] : memref<40x128xi32, #tpu.memory_space<vmem>> -> memref<1x32xi32, #tpu.memory_space<vmem>>
      %dma_start3A_354 = tpu.memref_squeeze %dma_start3A_353 : memref<1x32xi32, #tpu.memory_space<vmem>> -> memref<32xi32, #tpu.memory_space<vmem>>
      %dma_start3A_355 = arith.constant 0 : i32
      %dma_start3A_356 = arith.constant 0 : i32
      %dma_start3A_357 = tpu.memref_slice %arg2[%dma_start3A_355, %dma_start3A_356] : memref<10000x128xf32, #tpu.memory_space<hbm>> -> memref<10000x128xf32, #tpu.memory_space<hbm>>
      tpu.enqueue_indirect_dma source(%dma_start3A_357 : memref<10000x128xf32, #tpu.memory_space<hbm>>) target(%arg14 : memref<32x128xf32, #tpu.memory_space<vmem>>) offsets(%dma_start3A_354 : memref<32xi32, #tpu.memory_space<vmem>>) semaphore(%arg24 : memref<!tpu.dma_semaphore, #tpu.memory_space<semaphore_mem>>)
    } else {
    }
    %gt3A_271 = arith.constant 1 : i32
    %gt3A_272 = arith.cmpi sgt, %min3A, %gt3A_271 : i32
    %convert_element_type3A_273 = arith.extui %gt3A_272 : i1 to i32
    %cond3A_274 = arith.constant 0 : i32
    %cond3A_275 = arith.cmpi ne, %convert_element_type3A_273, %cond3A_274 : i32
    scf.if %cond3A_275 {
      %dma_start3A_351 = arith.constant 1 : i32
      %dma_start3A_352 = arith.constant 64 : i32
      %dma_start3A_353 = tpu.memref_slice %arg7[%dma_start3A_351, %dma_start3A_352] : memref<40x128xi32, #tpu.memory_space<vmem>> -> memref<1x32xi32, #tpu.memory_space<vmem>>
      %dma_start3A_354 = tpu.memref_squeeze %dma_start3A_353 : memref<1x32xi32, #tpu.memory_space<vmem>> -> memref<32xi32, #tpu.memory_space<vmem>>
      %dma_start3A_355 = arith.constant 0 : i32
      %dma_start3A_356 = arith.constant 0 : i32
      %dma_start3A_357 = tpu.memref_slice %arg2[%dma_start3A_355, %dma_start3A_356] : memref<10000x128xf32, #tpu.memory_space<hbm>> -> memref<10000x128xf32, #tpu.memory_space<hbm>>
      tpu.enqueue_indirect_dma source(%dma_start3A_357 : memref<10000x128xf32, #tpu.memory_space<hbm>>) target(%arg15 : memref<32x128xf32, #tpu.memory_space<vmem>>) offsets(%dma_start3A_354 : memref<32xi32, #tpu.memory_space<vmem>>) semaphore(%arg25 : memref<!tpu.dma_semaphore, #tpu.memory_space<semaphore_mem>>)
    } else {
    }
    %gt3A_276 = arith.constant 1 : i32
    %gt3A_277 = arith.cmpi sgt, %min3A, %gt3A_276 : i32
    %convert_element_type3A_278 = arith.extui %gt3A_277 : i1 to i32
    %cond3A_279 = arith.constant 0 : i32
    %cond3A_280 = arith.cmpi ne, %convert_element_type3A_278, %cond3A_279 : i32
    scf.if %cond3A_280 {
      %dma_start3A_351 = arith.constant 1 : i32
      %dma_start3A_352 = arith.constant 96 : i32
      %dma_start3A_353 = tpu.memref_slice %arg7[%dma_start3A_351, %dma_start3A_352] : memref<40x128xi32, #tpu.memory_space<vmem>> -> memref<1x32xi32, #tpu.memory_space<vmem>>
      %dma_start3A_354 = tpu.memref_squeeze %dma_start3A_353 : memref<1x32xi32, #tpu.memory_space<vmem>> -> memref<32xi32, #tpu.memory_space<vmem>>
      %dma_start3A_355 = arith.constant 0 : i32
      %dma_start3A_356 = arith.constant 0 : i32
      %dma_start3A_357 = tpu.memref_slice %arg2[%dma_start3A_355, %dma_start3A_356] : memref<10000x128xf32, #tpu.memory_space<hbm>> -> memref<10000x128xf32, #tpu.memory_space<hbm>>
      tpu.enqueue_indirect_dma source(%dma_start3A_357 : memref<10000x128xf32, #tpu.memory_space<hbm>>) target(%arg16 : memref<32x128xf32, #tpu.memory_space<vmem>>) offsets(%dma_start3A_354 : memref<32xi32, #tpu.memory_space<vmem>>) semaphore(%arg26 : memref<!tpu.dma_semaphore, #tpu.memory_space<semaphore_mem>>)
    } else {
    }
    %scan3A_281 = arith.constant 0 : i32
    %scan3A_282 = arith.constant 20 : i32
    %scan3A_283 = arith.addi %scan3A_281, %scan3A_282 : i32
    %scan3A_284 = arith.constant 1 : i32
    scf.for %scan3A_351 = %scan3A_281 to %scan3A_283 step %scan3A_284  : i32 {
      %mul3A_352 = arith.constant 2 : i32
      %mul3A_353 = arith.muli %scan3A_351, %mul3A_352 : i32
      %add3A_354 = arith.constant 0 : i32
      %add3A_355 = arith.addi %add3A_354, %mul3A_353 : i32
      %lt3A = arith.cmpi slt, %add3A_355, %min3A : i32
      %convert_element_type3A_356 = arith.extui %lt3A : i1 to i32
      %cond3A_357 = arith.constant 0 : i32
      %cond3A_358 = arith.cmpi ne, %convert_element_type3A_356, %cond3A_357 : i32
      scf.if %cond3A_358 {
        %add3A_443 = arith.constant 0 : i32
        %add3A_444 = arith.addi %add3A_355, %add3A_443 : i32
        %dma_wait3A_445 = arith.constant 0 : i32
        %dma_wait3A_446 = tpu.memref_slice %arg7[%add3A_444, %dma_wait3A_445] : memref<40x128xi32, #tpu.memory_space<vmem>> -> memref<1x32xi32, #tpu.memory_space<vmem>>
        %dma_wait3A_447 = tpu.memref_squeeze %dma_wait3A_446 : memref<1x32xi32, #tpu.memory_space<vmem>> -> memref<32xi32, #tpu.memory_space<vmem>>
        %dma_wait3A_448 = arith.constant 0 : i32
        %dma_wait3A_449 = arith.constant 0 : i32
        %dma_wait3A_450 = tpu.memref_slice %arg2[%dma_wait3A_448, %dma_wait3A_449] : memref<10000x128xf32, #tpu.memory_space<hbm>> -> memref<10000x128xf32, #tpu.memory_space<hbm>>
        tpu.wait_indirect_dma semaphore(%arg19 : memref<!tpu.dma_semaphore, #tpu.memory_space<semaphore_mem>>) src(%dma_wait3A_450 : memref<10000x128xf32, #tpu.memory_space<hbm>>) dst(%arg9 : memref<32x128xf32, #tpu.memory_space<vmem>>)
        %add3A_451 = arith.constant 0 : i32
        %add3A_452 = arith.addi %add3A_355, %add3A_451 : i32
        %dma_start3A_453 = arith.constant 0 : i32
        %dma_start3A_454 = tpu.memref_slice %arg8[%add3A_452, %dma_start3A_453] : memref<40x128xi32, #tpu.memory_space<vmem>> -> memref<1x32xi32, #tpu.memory_space<vmem>>
        %dma_start3A_455 = tpu.memref_squeeze %dma_start3A_454 : memref<1x32xi32, #tpu.memory_space<vmem>> -> memref<32xi32, #tpu.memory_space<vmem>>
        %dma_start3A_456 = arith.constant 0 : i32
        %dma_start3A_457 = arith.constant 0 : i32
        %dma_start3A_458 = tpu.memref_slice %arg6[%dma_start3A_456, %dma_start3A_457] : memref<10112x128xf32, #tpu.memory_space<vmem_shared>> -> memref<10112x128xf32, #tpu.memory_space<vmem_shared>>
        tpu.enqueue_indirect_dma source(%arg9 : memref<32x128xf32, #tpu.memory_space<vmem>>) target(%dma_start3A_458 : memref<10112x128xf32, #tpu.memory_space<vmem_shared>>) offsets(%dma_start3A_455 : memref<32xi32, #tpu.memory_space<vmem>>) semaphore(%arg27 : memref<!tpu.dma_semaphore, #tpu.memory_space<semaphore_mem>>) {add = true}
      } else {
      }
      %lt3A_359 = arith.cmpi slt, %add3A_355, %min3A : i32
      %convert_element_type3A_360 = arith.extui %lt3A_359 : i1 to i32
      %cond3A_361 = arith.constant 0 : i32
      %cond3A_362 = arith.cmpi ne, %convert_element_type3A_360, %cond3A_361 : i32
      scf.if %cond3A_362 {
        %add3A_443 = arith.constant 0 : i32
        %add3A_444 = arith.addi %add3A_355, %add3A_443 : i32
        %dma_wait3A_445 = arith.constant 32 : i32
        %dma_wait3A_446 = tpu.memref_slice %arg7[%add3A_444, %dma_wait3A_445] : memref<40x128xi32, #tpu.memory_space<vmem>> -> memref<1x32xi32, #tpu.memory_space<vmem>>
        %dma_wait3A_447 = tpu.memref_squeeze %dma_wait3A_446 : memref<1x32xi32, #tpu.memory_space<vmem>> -> memref<32xi32, #tpu.memory_space<vmem>>
        %dma_wait3A_448 = arith.constant 0 : i32
        %dma_wait3A_449 = arith.constant 0 : i32
        %dma_wait3A_450 = tpu.memref_slice %arg2[%dma_wait3A_448, %dma_wait3A_449] : memref<10000x128xf32, #tpu.memory_space<hbm>> -> memref<10000x128xf32, #tpu.memory_space<hbm>>
        tpu.wait_indirect_dma semaphore(%arg20 : memref<!tpu.dma_semaphore, #tpu.memory_space<semaphore_mem>>) src(%dma_wait3A_450 : memref<10000x128xf32, #tpu.memory_space<hbm>>) dst(%arg10 : memref<32x128xf32, #tpu.memory_space<vmem>>)
        %add3A_451 = arith.constant 0 : i32
        %add3A_452 = arith.addi %add3A_355, %add3A_451 : i32
        %dma_start3A_453 = arith.constant 32 : i32
        %dma_start3A_454 = tpu.memref_slice %arg8[%add3A_452, %dma_start3A_453] : memref<40x128xi32, #tpu.memory_space<vmem>> -> memref<1x32xi32, #tpu.memory_space<vmem>>
        %dma_start3A_455 = tpu.memref_squeeze %dma_start3A_454 : memref<1x32xi32, #tpu.memory_space<vmem>> -> memref<32xi32, #tpu.memory_space<vmem>>
        %dma_start3A_456 = arith.constant 0 : i32
        %dma_start3A_457 = arith.constant 0 : i32
        %dma_start3A_458 = tpu.memref_slice %arg6[%dma_start3A_456, %dma_start3A_457] : memref<10112x128xf32, #tpu.memory_space<vmem_shared>> -> memref<10112x128xf32, #tpu.memory_space<vmem_shared>>
        tpu.enqueue_indirect_dma source(%arg10 : memref<32x128xf32, #tpu.memory_space<vmem>>) target(%dma_start3A_458 : memref<10112x128xf32, #tpu.memory_space<vmem_shared>>) offsets(%dma_start3A_455 : memref<32xi32, #tpu.memory_space<vmem>>) semaphore(%arg28 : memref<!tpu.dma_semaphore, #tpu.memory_space<semaphore_mem>>) {add = true}
      } else {
      }
      %lt3A_363 = arith.cmpi slt, %add3A_355, %min3A : i32
      %convert_element_type3A_364 = arith.extui %lt3A_363 : i1 to i32
      %cond3A_365 = arith.constant 0 : i32
      %cond3A_366 = arith.cmpi ne, %convert_element_type3A_364, %cond3A_365 : i32
      scf.if %cond3A_366 {
        %add3A_443 = arith.constant 0 : i32
        %add3A_444 = arith.addi %add3A_355, %add3A_443 : i32
        %dma_wait3A_445 = arith.constant 64 : i32
        %dma_wait3A_446 = tpu.memref_slice %arg7[%add3A_444, %dma_wait3A_445] : memref<40x128xi32, #tpu.memory_space<vmem>> -> memref<1x32xi32, #tpu.memory_space<vmem>>
        %dma_wait3A_447 = tpu.memref_squeeze %dma_wait3A_446 : memref<1x32xi32, #tpu.memory_space<vmem>> -> memref<32xi32, #tpu.memory_space<vmem>>
        %dma_wait3A_448 = arith.constant 0 : i32
        %dma_wait3A_449 = arith.constant 0 : i32
        %dma_wait3A_450 = tpu.memref_slice %arg2[%dma_wait3A_448, %dma_wait3A_449] : memref<10000x128xf32, #tpu.memory_space<hbm>> -> memref<10000x128xf32, #tpu.memory_space<hbm>>
        tpu.wait_indirect_dma semaphore(%arg21 : memref<!tpu.dma_semaphore, #tpu.memory_space<semaphore_mem>>) src(%dma_wait3A_450 : memref<10000x128xf32, #tpu.memory_space<hbm>>) dst(%arg11 : memref<32x128xf32, #tpu.memory_space<vmem>>)
        %add3A_451 = arith.constant 0 : i32
        %add3A_452 = arith.addi %add3A_355, %add3A_451 : i32
        %dma_start3A_453 = arith.constant 64 : i32
        %dma_start3A_454 = tpu.memref_slice %arg8[%add3A_452, %dma_start3A_453] : memref<40x128xi32, #tpu.memory_space<vmem>> -> memref<1x32xi32, #tpu.memory_space<vmem>>
        %dma_start3A_455 = tpu.memref_squeeze %dma_start3A_454 : memref<1x32xi32, #tpu.memory_space<vmem>> -> memref<32xi32, #tpu.memory_space<vmem>>
        %dma_start3A_456 = arith.constant 0 : i32
        %dma_start3A_457 = arith.constant 0 : i32
        %dma_start3A_458 = tpu.memref_slice %arg6[%dma_start3A_456, %dma_start3A_457] : memref<10112x128xf32, #tpu.memory_space<vmem_shared>> -> memref<10112x128xf32, #tpu.memory_space<vmem_shared>>
        tpu.enqueue_indirect_dma source(%arg11 : memref<32x128xf32, #tpu.memory_space<vmem>>) target(%dma_start3A_458 : memref<10112x128xf32, #tpu.memory_space<vmem_shared>>) offsets(%dma_start3A_455 : memref<32xi32, #tpu.memory_space<vmem>>) semaphore(%arg29 : memref<!tpu.dma_semaphore, #tpu.memory_space<semaphore_mem>>) {add = true}
      } else {
      }
      %lt3A_367 = arith.cmpi slt, %add3A_355, %min3A : i32
      %convert_element_type3A_368 = arith.extui %lt3A_367 : i1 to i32
      %cond3A_369 = arith.constant 0 : i32
      %cond3A_370 = arith.cmpi ne, %convert_element_type3A_368, %cond3A_369 : i32
      scf.if %cond3A_370 {
        %add3A_443 = arith.constant 0 : i32
        %add3A_444 = arith.addi %add3A_355, %add3A_443 : i32
        %dma_wait3A_445 = arith.constant 96 : i32
        %dma_wait3A_446 = tpu.memref_slice %arg7[%add3A_444, %dma_wait3A_445] : memref<40x128xi32, #tpu.memory_space<vmem>> -> memref<1x32xi32, #tpu.memory_space<vmem>>
        %dma_wait3A_447 = tpu.memref_squeeze %dma_wait3A_446 : memref<1x32xi32, #tpu.memory_space<vmem>> -> memref<32xi32, #tpu.memory_space<vmem>>
        %dma_wait3A_448 = arith.constant 0 : i32
        %dma_wait3A_449 = arith.constant 0 : i32
        %dma_wait3A_450 = tpu.memref_slice %arg2[%dma_wait3A_448, %dma_wait3A_449] : memref<10000x128xf32, #tpu.memory_space<hbm>> -> memref<10000x128xf32, #tpu.memory_space<hbm>>
        tpu.wait_indirect_dma semaphore(%arg22 : memref<!tpu.dma_semaphore, #tpu.memory_space<semaphore_mem>>) src(%dma_wait3A_450 : memref<10000x128xf32, #tpu.memory_space<hbm>>) dst(%arg12 : memref<32x128xf32, #tpu.memory_space<vmem>>)
        %add3A_451 = arith.constant 0 : i32
        %add3A_452 = arith.addi %add3A_355, %add3A_451 : i32
        %dma_start3A_453 = arith.constant 96 : i32
        %dma_start3A_454 = tpu.memref_slice %arg8[%add3A_452, %dma_start3A_453] : memref<40x128xi32, #tpu.memory_space<vmem>> -> memref<1x32xi32, #tpu.memory_space<vmem>>
        %dma_start3A_455 = tpu.memref_squeeze %dma_start3A_454 : memref<1x32xi32, #tpu.memory_space<vmem>> -> memref<32xi32, #tpu.memory_space<vmem>>
        %dma_start3A_456 = arith.constant 0 : i32
        %dma_start3A_457 = arith.constant 0 : i32
        %dma_start3A_458 = tpu.memref_slice %arg6[%dma_start3A_456, %dma_start3A_457] : memref<10112x128xf32, #tpu.memory_space<vmem_shared>> -> memref<10112x128xf32, #tpu.memory_space<vmem_shared>>
        tpu.enqueue_indirect_dma source(%arg12 : memref<32x128xf32, #tpu.memory_space<vmem>>) target(%dma_start3A_458 : memref<10112x128xf32, #tpu.memory_space<vmem_shared>>) offsets(%dma_start3A_455 : memref<32xi32, #tpu.memory_space<vmem>>) semaphore(%arg30 : memref<!tpu.dma_semaphore, #tpu.memory_space<semaphore_mem>>) {add = true}
      } else {
      }
      %add3A_371 = arith.constant 1 : i32
      %add3A_372 = arith.addi %add3A_355, %add3A_371 : i32
      %lt3A_373 = arith.cmpi slt, %add3A_372, %min3A : i32
      %convert_element_type3A_374 = arith.extui %lt3A_373 : i1 to i32
      %cond3A_375 = arith.constant 0 : i32
      %cond3A_376 = arith.cmpi ne, %convert_element_type3A_374, %cond3A_375 : i32
      scf.if %cond3A_376 {
        %add3A_443 = arith.constant 1 : i32
        %add3A_444 = arith.addi %add3A_355, %add3A_443 : i32
        %dma_wait3A_445 = arith.constant 0 : i32
        %dma_wait3A_446 = tpu.memref_slice %arg7[%add3A_444, %dma_wait3A_445] : memref<40x128xi32, #tpu.memory_space<vmem>> -> memref<1x32xi32, #tpu.memory_space<vmem>>
        %dma_wait3A_447 = tpu.memref_squeeze %dma_wait3A_446 : memref<1x32xi32, #tpu.memory_space<vmem>> -> memref<32xi32, #tpu.memory_space<vmem>>
        %dma_wait3A_448 = arith.constant 0 : i32
        %dma_wait3A_449 = arith.constant 0 : i32
        %dma_wait3A_450 = tpu.memref_slice %arg2[%dma_wait3A_448, %dma_wait3A_449] : memref<10000x128xf32, #tpu.memory_space<hbm>> -> memref<10000x128xf32, #tpu.memory_space<hbm>>
        tpu.wait_indirect_dma semaphore(%arg23 : memref<!tpu.dma_semaphore, #tpu.memory_space<semaphore_mem>>) src(%dma_wait3A_450 : memref<10000x128xf32, #tpu.memory_space<hbm>>) dst(%arg13 : memref<32x128xf32, #tpu.memory_space<vmem>>)
        %add3A_451 = arith.constant 1 : i32
        %add3A_452 = arith.addi %add3A_355, %add3A_451 : i32
        %dma_start3A_453 = arith.constant 0 : i32
        %dma_start3A_454 = tpu.memref_slice %arg8[%add3A_452, %dma_start3A_453] : memref<40x128xi32, #tpu.memory_space<vmem>> -> memref<1x32xi32, #tpu.memory_space<vmem>>
        %dma_start3A_455 = tpu.memref_squeeze %dma_start3A_454 : memref<1x32xi32, #tpu.memory_space<vmem>> -> memref<32xi32, #tpu.memory_space<vmem>>
        %dma_start3A_456 = arith.constant 0 : i32
        %dma_start3A_457 = arith.constant 0 : i32
        %dma_start3A_458 = tpu.memref_slice %arg6[%dma_start3A_456, %dma_start3A_457] : memref<10112x128xf32, #tpu.memory_space<vmem_shared>> -> memref<10112x128xf32, #tpu.memory_space<vmem_shared>>
        tpu.enqueue_indirect_dma source(%arg13 : memref<32x128xf32, #tpu.memory_space<vmem>>) target(%dma_start3A_458 : memref<10112x128xf32, #tpu.memory_space<vmem_shared>>) offsets(%dma_start3A_455 : memref<32xi32, #tpu.memory_space<vmem>>) semaphore(%arg31 : memref<!tpu.dma_semaphore, #tpu.memory_space<semaphore_mem>>) {add = true}
      } else {
      }
      %add3A_377 = arith.constant 1 : i32
      %add3A_378 = arith.addi %add3A_355, %add3A_377 : i32
      %lt3A_379 = arith.cmpi slt, %add3A_378, %min3A : i32
      %convert_element_type3A_380 = arith.extui %lt3A_379 : i1 to i32
      %cond3A_381 = arith.constant 0 : i32
      %cond3A_382 = arith.cmpi ne, %convert_element_type3A_380, %cond3A_381 : i32
      scf.if %cond3A_382 {
        %add3A_443 = arith.constant 1 : i32
        %add3A_444 = arith.addi %add3A_355, %add3A_443 : i32
        %dma_wait3A_445 = arith.constant 32 : i32
        %dma_wait3A_446 = tpu.memref_slice %arg7[%add3A_444, %dma_wait3A_445] : memref<40x128xi32, #tpu.memory_space<vmem>> -> memref<1x32xi32, #tpu.memory_space<vmem>>
        %dma_wait3A_447 = tpu.memref_squeeze %dma_wait3A_446 : memref<1x32xi32, #tpu.memory_space<vmem>> -> memref<32xi32, #tpu.memory_space<vmem>>
        %dma_wait3A_448 = arith.constant 0 : i32
        %dma_wait3A_449 = arith.constant 0 : i32
        %dma_wait3A_450 = tpu.memref_slice %arg2[%dma_wait3A_448, %dma_wait3A_449] : memref<10000x128xf32, #tpu.memory_space<hbm>> -> memref<10000x128xf32, #tpu.memory_space<hbm>>
        tpu.wait_indirect_dma semaphore(%arg24 : memref<!tpu.dma_semaphore, #tpu.memory_space<semaphore_mem>>) src(%dma_wait3A_450 : memref<10000x128xf32, #tpu.memory_space<hbm>>) dst(%arg14 : memref<32x128xf32, #tpu.memory_space<vmem>>)
        %add3A_451 = arith.constant 1 : i32
        %add3A_452 = arith.addi %add3A_355, %add3A_451 : i32
        %dma_start3A_453 = arith.constant 32 : i32
        %dma_start3A_454 = tpu.memref_slice %arg8[%add3A_452, %dma_start3A_453] : memref<40x128xi32, #tpu.memory_space<vmem>> -> memref<1x32xi32, #tpu.memory_space<vmem>>
        %dma_start3A_455 = tpu.memref_squeeze %dma_start3A_454 : memref<1x32xi32, #tpu.memory_space<vmem>> -> memref<32xi32, #tpu.memory_space<vmem>>
        %dma_start3A_456 = arith.constant 0 : i32
        %dma_start3A_457 = arith.constant 0 : i32
        %dma_start3A_458 = tpu.memref_slice %arg6[%dma_start3A_456, %dma_start3A_457] : memref<10112x128xf32, #tpu.memory_space<vmem_shared>> -> memref<10112x128xf32, #tpu.memory_space<vmem_shared>>
        tpu.enqueue_indirect_dma source(%arg14 : memref<32x128xf32, #tpu.memory_space<vmem>>) target(%dma_start3A_458 : memref<10112x128xf32, #tpu.memory_space<vmem_shared>>) offsets(%dma_start3A_455 : memref<32xi32, #tpu.memory_space<vmem>>) semaphore(%arg32 : memref<!tpu.dma_semaphore, #tpu.memory_space<semaphore_mem>>) {add = true}
      } else {
      }
      %add3A_383 = arith.constant 1 : i32
      %add3A_384 = arith.addi %add3A_355, %add3A_383 : i32
      %lt3A_385 = arith.cmpi slt, %add3A_384, %min3A : i32
      %convert_element_type3A_386 = arith.extui %lt3A_385 : i1 to i32
      %cond3A_387 = arith.constant 0 : i32
      %cond3A_388 = arith.cmpi ne, %convert_element_type3A_386, %cond3A_387 : i32
      scf.if %cond3A_388 {
        %add3A_443 = arith.constant 1 : i32
        %add3A_444 = arith.addi %add3A_355, %add3A_443 : i32
        %dma_wait3A_445 = arith.constant 64 : i32
        %dma_wait3A_446 = tpu.memref_slice %arg7[%add3A_444, %dma_wait3A_445] : memref<40x128xi32, #tpu.memory_space<vmem>> -> memref<1x32xi32, #tpu.memory_space<vmem>>
        %dma_wait3A_447 = tpu.memref_squeeze %dma_wait3A_446 : memref<1x32xi32, #tpu.memory_space<vmem>> -> memref<32xi32, #tpu.memory_space<vmem>>
        %dma_wait3A_448 = arith.constant 0 : i32
        %dma_wait3A_449 = arith.constant 0 : i32
        %dma_wait3A_450 = tpu.memref_slice %arg2[%dma_wait3A_448, %dma_wait3A_449] : memref<10000x128xf32, #tpu.memory_space<hbm>> -> memref<10000x128xf32, #tpu.memory_space<hbm>>
        tpu.wait_indirect_dma semaphore(%arg25 : memref<!tpu.dma_semaphore, #tpu.memory_space<semaphore_mem>>) src(%dma_wait3A_450 : memref<10000x128xf32, #tpu.memory_space<hbm>>) dst(%arg15 : memref<32x128xf32, #tpu.memory_space<vmem>>)
        %add3A_451 = arith.constant 1 : i32
        %add3A_452 = arith.addi %add3A_355, %add3A_451 : i32
        %dma_start3A_453 = arith.constant 64 : i32
        %dma_start3A_454 = tpu.memref_slice %arg8[%add3A_452, %dma_start3A_453] : memref<40x128xi32, #tpu.memory_space<vmem>> -> memref<1x32xi32, #tpu.memory_space<vmem>>
        %dma_start3A_455 = tpu.memref_squeeze %dma_start3A_454 : memref<1x32xi32, #tpu.memory_space<vmem>> -> memref<32xi32, #tpu.memory_space<vmem>>
        %dma_start3A_456 = arith.constant 0 : i32
        %dma_start3A_457 = arith.constant 0 : i32
        %dma_start3A_458 = tpu.memref_slice %arg6[%dma_start3A_456, %dma_start3A_457] : memref<10112x128xf32, #tpu.memory_space<vmem_shared>> -> memref<10112x128xf32, #tpu.memory_space<vmem_shared>>
        tpu.enqueue_indirect_dma source(%arg15 : memref<32x128xf32, #tpu.memory_space<vmem>>) target(%dma_start3A_458 : memref<10112x128xf32, #tpu.memory_space<vmem_shared>>) offsets(%dma_start3A_455 : memref<32xi32, #tpu.memory_space<vmem>>) semaphore(%arg33 : memref<!tpu.dma_semaphore, #tpu.memory_space<semaphore_mem>>) {add = true}
      } else {
      }
      %add3A_389 = arith.constant 1 : i32
      %add3A_390 = arith.addi %add3A_355, %add3A_389 : i32
      %lt3A_391 = arith.cmpi slt, %add3A_390, %min3A : i32
      %convert_element_type3A_392 = arith.extui %lt3A_391 : i1 to i32
      %cond3A_393 = arith.constant 0 : i32
      %cond3A_394 = arith.cmpi ne, %convert_element_type3A_392, %cond3A_393 : i32
      scf.if %cond3A_394 {
        %add3A_443 = arith.constant 1 : i32
        %add3A_444 = arith.addi %add3A_355, %add3A_443 : i32
        %dma_wait3A_445 = arith.constant 96 : i32
        %dma_wait3A_446 = tpu.memref_slice %arg7[%add3A_444, %dma_wait3A_445] : memref<40x128xi32, #tpu.memory_space<vmem>> -> memref<1x32xi32, #tpu.memory_space<vmem>>
        %dma_wait3A_447 = tpu.memref_squeeze %dma_wait3A_446 : memref<1x32xi32, #tpu.memory_space<vmem>> -> memref<32xi32, #tpu.memory_space<vmem>>
        %dma_wait3A_448 = arith.constant 0 : i32
        %dma_wait3A_449 = arith.constant 0 : i32
        %dma_wait3A_450 = tpu.memref_slice %arg2[%dma_wait3A_448, %dma_wait3A_449] : memref<10000x128xf32, #tpu.memory_space<hbm>> -> memref<10000x128xf32, #tpu.memory_space<hbm>>
        tpu.wait_indirect_dma semaphore(%arg26 : memref<!tpu.dma_semaphore, #tpu.memory_space<semaphore_mem>>) src(%dma_wait3A_450 : memref<10000x128xf32, #tpu.memory_space<hbm>>) dst(%arg16 : memref<32x128xf32, #tpu.memory_space<vmem>>)
        %add3A_451 = arith.constant 1 : i32
        %add3A_452 = arith.addi %add3A_355, %add3A_451 : i32
        %dma_start3A_453 = arith.constant 96 : i32
        %dma_start3A_454 = tpu.memref_slice %arg8[%add3A_452, %dma_start3A_453] : memref<40x128xi32, #tpu.memory_space<vmem>> -> memref<1x32xi32, #tpu.memory_space<vmem>>
        %dma_start3A_455 = tpu.memref_squeeze %dma_start3A_454 : memref<1x32xi32, #tpu.memory_space<vmem>> -> memref<32xi32, #tpu.memory_space<vmem>>
        %dma_start3A_456 = arith.constant 0 : i32
        %dma_start3A_457 = arith.constant 0 : i32
        %dma_start3A_458 = tpu.memref_slice %arg6[%dma_start3A_456, %dma_start3A_457] : memref<10112x128xf32, #tpu.memory_space<vmem_shared>> -> memref<10112x128xf32, #tpu.memory_space<vmem_shared>>
        tpu.enqueue_indirect_dma source(%arg16 : memref<32x128xf32, #tpu.memory_space<vmem>>) target(%dma_start3A_458 : memref<10112x128xf32, #tpu.memory_space<vmem_shared>>) offsets(%dma_start3A_455 : memref<32xi32, #tpu.memory_space<vmem>>) semaphore(%arg34 : memref<!tpu.dma_semaphore, #tpu.memory_space<semaphore_mem>>) {add = true}
      } else {
      }
      %add3A_395 = arith.constant 0 : i32
      %add3A_396 = arith.addi %add3A_355, %add3A_395 : i32
      %lt3A_397 = arith.cmpi slt, %add3A_396, %min3A : i32
      %convert_element_type3A_398 = arith.extui %lt3A_397 : i1 to i32
      %cond3A_399 = arith.constant 0 : i32
      %cond3A_400 = arith.cmpi ne, %convert_element_type3A_398, %cond3A_399 : i32
      scf.if %cond3A_400 {
        %add3A_443 = arith.constant 0 : i32
        %add3A_444 = arith.addi %add3A_355, %add3A_443 : i32
        %dma_wait3A_445 = arith.constant 0 : i32
        %dma_wait3A_446 = tpu.memref_slice %arg8[%add3A_444, %dma_wait3A_445] : memref<40x128xi32, #tpu.memory_space<vmem>> -> memref<1x32xi32, #tpu.memory_space<vmem>>
        %dma_wait3A_447 = tpu.memref_squeeze %dma_wait3A_446 : memref<1x32xi32, #tpu.memory_space<vmem>> -> memref<32xi32, #tpu.memory_space<vmem>>
        %dma_wait3A_448 = arith.constant 0 : i32
        %dma_wait3A_449 = arith.constant 0 : i32
        %dma_wait3A_450 = tpu.memref_slice %arg6[%dma_wait3A_448, %dma_wait3A_449] : memref<10112x128xf32, #tpu.memory_space<vmem_shared>> -> memref<10112x128xf32, #tpu.memory_space<vmem_shared>>
        tpu.wait_indirect_dma semaphore(%arg27 : memref<!tpu.dma_semaphore, #tpu.memory_space<semaphore_mem>>) src(%arg9 : memref<32x128xf32, #tpu.memory_space<vmem>>) dst(%dma_wait3A_450 : memref<10112x128xf32, #tpu.memory_space<vmem_shared>>)
        %add3A_451 = arith.constant 0 : i32
        %add3A_452 = arith.addi %add3A_355, %add3A_451 : i32
        %add3A_453 = arith.constant 2 : i32
        %add3A_454 = arith.addi %add3A_452, %add3A_453 : i32
        %lt3A_455 = arith.cmpi slt, %add3A_454, %min3A : i32
        %convert_element_type3A_456 = arith.extui %lt3A_455 : i1 to i32
        %cond3A_457 = arith.constant 0 : i32
        %cond3A_458 = arith.cmpi ne, %convert_element_type3A_456, %cond3A_457 : i32
        scf.if %cond3A_458 {
          %add3A_459 = arith.constant 2 : i32
          %add3A_460 = arith.addi %add3A_355, %add3A_459 : i32
          %add3A_461 = arith.constant 0 : i32
          %add3A_462 = arith.addi %add3A_460, %add3A_461 : i32
          %dma_start3A_463 = arith.constant 0 : i32
          %dma_start3A_464 = tpu.memref_slice %arg7[%add3A_462, %dma_start3A_463] : memref<40x128xi32, #tpu.memory_space<vmem>> -> memref<1x32xi32, #tpu.memory_space<vmem>>
          %dma_start3A_465 = tpu.memref_squeeze %dma_start3A_464 : memref<1x32xi32, #tpu.memory_space<vmem>> -> memref<32xi32, #tpu.memory_space<vmem>>
          %dma_start3A_466 = arith.constant 0 : i32
          %dma_start3A_467 = arith.constant 0 : i32
          %dma_start3A_468 = tpu.memref_slice %arg2[%dma_start3A_466, %dma_start3A_467] : memref<10000x128xf32, #tpu.memory_space<hbm>> -> memref<10000x128xf32, #tpu.memory_space<hbm>>
          tpu.enqueue_indirect_dma source(%dma_start3A_468 : memref<10000x128xf32, #tpu.memory_space<hbm>>) target(%arg9 : memref<32x128xf32, #tpu.memory_space<vmem>>) offsets(%dma_start3A_465 : memref<32xi32, #tpu.memory_space<vmem>>) semaphore(%arg19 : memref<!tpu.dma_semaphore, #tpu.memory_space<semaphore_mem>>)
        } else {
        }
      } else {
      }
      %add3A_401 = arith.constant 0 : i32
      %add3A_402 = arith.addi %add3A_355, %add3A_401 : i32
      %lt3A_403 = arith.cmpi slt, %add3A_402, %min3A : i32
      %convert_element_type3A_404 = arith.extui %lt3A_403 : i1 to i32
      %cond3A_405 = arith.constant 0 : i32
      %cond3A_406 = arith.cmpi ne, %convert_element_type3A_404, %cond3A_405 : i32
      scf.if %cond3A_406 {
        %add3A_443 = arith.constant 0 : i32
        %add3A_444 = arith.addi %add3A_355, %add3A_443 : i32
        %dma_wait3A_445 = arith.constant 32 : i32
        %dma_wait3A_446 = tpu.memref_slice %arg8[%add3A_444, %dma_wait3A_445] : memref<40x128xi32, #tpu.memory_space<vmem>> -> memref<1x32xi32, #tpu.memory_space<vmem>>
        %dma_wait3A_447 = tpu.memref_squeeze %dma_wait3A_446 : memref<1x32xi32, #tpu.memory_space<vmem>> -> memref<32xi32, #tpu.memory_space<vmem>>
        %dma_wait3A_448 = arith.constant 0 : i32
        %dma_wait3A_449 = arith.constant 0 : i32
        %dma_wait3A_450 = tpu.memref_slice %arg6[%dma_wait3A_448, %dma_wait3A_449] : memref<10112x128xf32, #tpu.memory_space<vmem_shared>> -> memref<10112x128xf32, #tpu.memory_space<vmem_shared>>
        tpu.wait_indirect_dma semaphore(%arg28 : memref<!tpu.dma_semaphore, #tpu.memory_space<semaphore_mem>>) src(%arg10 : memref<32x128xf32, #tpu.memory_space<vmem>>) dst(%dma_wait3A_450 : memref<10112x128xf32, #tpu.memory_space<vmem_shared>>)
        %add3A_451 = arith.constant 0 : i32
        %add3A_452 = arith.addi %add3A_355, %add3A_451 : i32
        %add3A_453 = arith.constant 2 : i32
        %add3A_454 = arith.addi %add3A_452, %add3A_453 : i32
        %lt3A_455 = arith.cmpi slt, %add3A_454, %min3A : i32
        %convert_element_type3A_456 = arith.extui %lt3A_455 : i1 to i32
        %cond3A_457 = arith.constant 0 : i32
        %cond3A_458 = arith.cmpi ne, %convert_element_type3A_456, %cond3A_457 : i32
        scf.if %cond3A_458 {
          %add3A_459 = arith.constant 2 : i32
          %add3A_460 = arith.addi %add3A_355, %add3A_459 : i32
          %add3A_461 = arith.constant 0 : i32
          %add3A_462 = arith.addi %add3A_460, %add3A_461 : i32
          %dma_start3A_463 = arith.constant 32 : i32
          %dma_start3A_464 = tpu.memref_slice %arg7[%add3A_462, %dma_start3A_463] : memref<40x128xi32, #tpu.memory_space<vmem>> -> memref<1x32xi32, #tpu.memory_space<vmem>>
          %dma_start3A_465 = tpu.memref_squeeze %dma_start3A_464 : memref<1x32xi32, #tpu.memory_space<vmem>> -> memref<32xi32, #tpu.memory_space<vmem>>
          %dma_start3A_466 = arith.constant 0 : i32
          %dma_start3A_467 = arith.constant 0 : i32
          %dma_start3A_468 = tpu.memref_slice %arg2[%dma_start3A_466, %dma_start3A_467] : memref<10000x128xf32, #tpu.memory_space<hbm>> -> memref<10000x128xf32, #tpu.memory_space<hbm>>
          tpu.enqueue_indirect_dma source(%dma_start3A_468 : memref<10000x128xf32, #tpu.memory_space<hbm>>) target(%arg10 : memref<32x128xf32, #tpu.memory_space<vmem>>) offsets(%dma_start3A_465 : memref<32xi32, #tpu.memory_space<vmem>>) semaphore(%arg20 : memref<!tpu.dma_semaphore, #tpu.memory_space<semaphore_mem>>)
        } else {
        }
      } else {
      }
      %add3A_407 = arith.constant 0 : i32
      %add3A_408 = arith.addi %add3A_355, %add3A_407 : i32
      %lt3A_409 = arith.cmpi slt, %add3A_408, %min3A : i32
      %convert_element_type3A_410 = arith.extui %lt3A_409 : i1 to i32
      %cond3A_411 = arith.constant 0 : i32
      %cond3A_412 = arith.cmpi ne, %convert_element_type3A_410, %cond3A_411 : i32
      scf.if %cond3A_412 {
        %add3A_443 = arith.constant 0 : i32
        %add3A_444 = arith.addi %add3A_355, %add3A_443 : i32
        %dma_wait3A_445 = arith.constant 64 : i32
        %dma_wait3A_446 = tpu.memref_slice %arg8[%add3A_444, %dma_wait3A_445] : memref<40x128xi32, #tpu.memory_space<vmem>> -> memref<1x32xi32, #tpu.memory_space<vmem>>
        %dma_wait3A_447 = tpu.memref_squeeze %dma_wait3A_446 : memref<1x32xi32, #tpu.memory_space<vmem>> -> memref<32xi32, #tpu.memory_space<vmem>>
        %dma_wait3A_448 = arith.constant 0 : i32
        %dma_wait3A_449 = arith.constant 0 : i32
        %dma_wait3A_450 = tpu.memref_slice %arg6[%dma_wait3A_448, %dma_wait3A_449] : memref<10112x128xf32, #tpu.memory_space<vmem_shared>> -> memref<10112x128xf32, #tpu.memory_space<vmem_shared>>
        tpu.wait_indirect_dma semaphore(%arg29 : memref<!tpu.dma_semaphore, #tpu.memory_space<semaphore_mem>>) src(%arg11 : memref<32x128xf32, #tpu.memory_space<vmem>>) dst(%dma_wait3A_450 : memref<10112x128xf32, #tpu.memory_space<vmem_shared>>)
        %add3A_451 = arith.constant 0 : i32
        %add3A_452 = arith.addi %add3A_355, %add3A_451 : i32
        %add3A_453 = arith.constant 2 : i32
        %add3A_454 = arith.addi %add3A_452, %add3A_453 : i32
        %lt3A_455 = arith.cmpi slt, %add3A_454, %min3A : i32
        %convert_element_type3A_456 = arith.extui %lt3A_455 : i1 to i32
        %cond3A_457 = arith.constant 0 : i32
        %cond3A_458 = arith.cmpi ne, %convert_element_type3A_456, %cond3A_457 : i32
        scf.if %cond3A_458 {
          %add3A_459 = arith.constant 2 : i32
          %add3A_460 = arith.addi %add3A_355, %add3A_459 : i32
          %add3A_461 = arith.constant 0 : i32
          %add3A_462 = arith.addi %add3A_460, %add3A_461 : i32
          %dma_start3A_463 = arith.constant 64 : i32
          %dma_start3A_464 = tpu.memref_slice %arg7[%add3A_462, %dma_start3A_463] : memref<40x128xi32, #tpu.memory_space<vmem>> -> memref<1x32xi32, #tpu.memory_space<vmem>>
          %dma_start3A_465 = tpu.memref_squeeze %dma_start3A_464 : memref<1x32xi32, #tpu.memory_space<vmem>> -> memref<32xi32, #tpu.memory_space<vmem>>
          %dma_start3A_466 = arith.constant 0 : i32
          %dma_start3A_467 = arith.constant 0 : i32
          %dma_start3A_468 = tpu.memref_slice %arg2[%dma_start3A_466, %dma_start3A_467] : memref<10000x128xf32, #tpu.memory_space<hbm>> -> memref<10000x128xf32, #tpu.memory_space<hbm>>
          tpu.enqueue_indirect_dma source(%dma_start3A_468 : memref<10000x128xf32, #tpu.memory_space<hbm>>) target(%arg11 : memref<32x128xf32, #tpu.memory_space<vmem>>) offsets(%dma_start3A_465 : memref<32xi32, #tpu.memory_space<vmem>>) semaphore(%arg21 : memref<!tpu.dma_semaphore, #tpu.memory_space<semaphore_mem>>)
        } else {
        }
      } else {
      }
      %add3A_413 = arith.constant 0 : i32
      %add3A_414 = arith.addi %add3A_355, %add3A_413 : i32
      %lt3A_415 = arith.cmpi slt, %add3A_414, %min3A : i32
      %convert_element_type3A_416 = arith.extui %lt3A_415 : i1 to i32
      %cond3A_417 = arith.constant 0 : i32
      %cond3A_418 = arith.cmpi ne, %convert_element_type3A_416, %cond3A_417 : i32
      scf.if %cond3A_418 {
        %add3A_443 = arith.constant 0 : i32
        %add3A_444 = arith.addi %add3A_355, %add3A_443 : i32
        %dma_wait3A_445 = arith.constant 96 : i32
        %dma_wait3A_446 = tpu.memref_slice %arg8[%add3A_444, %dma_wait3A_445] : memref<40x128xi32, #tpu.memory_space<vmem>> -> memref<1x32xi32, #tpu.memory_space<vmem>>
        %dma_wait3A_447 = tpu.memref_squeeze %dma_wait3A_446 : memref<1x32xi32, #tpu.memory_space<vmem>> -> memref<32xi32, #tpu.memory_space<vmem>>
        %dma_wait3A_448 = arith.constant 0 : i32
        %dma_wait3A_449 = arith.constant 0 : i32
        %dma_wait3A_450 = tpu.memref_slice %arg6[%dma_wait3A_448, %dma_wait3A_449] : memref<10112x128xf32, #tpu.memory_space<vmem_shared>> -> memref<10112x128xf32, #tpu.memory_space<vmem_shared>>
        tpu.wait_indirect_dma semaphore(%arg30 : memref<!tpu.dma_semaphore, #tpu.memory_space<semaphore_mem>>) src(%arg12 : memref<32x128xf32, #tpu.memory_space<vmem>>) dst(%dma_wait3A_450 : memref<10112x128xf32, #tpu.memory_space<vmem_shared>>)
        %add3A_451 = arith.constant 0 : i32
        %add3A_452 = arith.addi %add3A_355, %add3A_451 : i32
        %add3A_453 = arith.constant 2 : i32
        %add3A_454 = arith.addi %add3A_452, %add3A_453 : i32
        %lt3A_455 = arith.cmpi slt, %add3A_454, %min3A : i32
        %convert_element_type3A_456 = arith.extui %lt3A_455 : i1 to i32
        %cond3A_457 = arith.constant 0 : i32
        %cond3A_458 = arith.cmpi ne, %convert_element_type3A_456, %cond3A_457 : i32
        scf.if %cond3A_458 {
          %add3A_459 = arith.constant 2 : i32
          %add3A_460 = arith.addi %add3A_355, %add3A_459 : i32
          %add3A_461 = arith.constant 0 : i32
          %add3A_462 = arith.addi %add3A_460, %add3A_461 : i32
          %dma_start3A_463 = arith.constant 96 : i32
          %dma_start3A_464 = tpu.memref_slice %arg7[%add3A_462, %dma_start3A_463] : memref<40x128xi32, #tpu.memory_space<vmem>> -> memref<1x32xi32, #tpu.memory_space<vmem>>
          %dma_start3A_465 = tpu.memref_squeeze %dma_start3A_464 : memref<1x32xi32, #tpu.memory_space<vmem>> -> memref<32xi32, #tpu.memory_space<vmem>>
          %dma_start3A_466 = arith.constant 0 : i32
          %dma_start3A_467 = arith.constant 0 : i32
          %dma_start3A_468 = tpu.memref_slice %arg2[%dma_start3A_466, %dma_start3A_467] : memref<10000x128xf32, #tpu.memory_space<hbm>> -> memref<10000x128xf32, #tpu.memory_space<hbm>>
          tpu.enqueue_indirect_dma source(%dma_start3A_468 : memref<10000x128xf32, #tpu.memory_space<hbm>>) target(%arg12 : memref<32x128xf32, #tpu.memory_space<vmem>>) offsets(%dma_start3A_465 : memref<32xi32, #tpu.memory_space<vmem>>) semaphore(%arg22 : memref<!tpu.dma_semaphore, #tpu.memory_space<semaphore_mem>>)
        } else {
        }
      } else {
      }
      %add3A_419 = arith.constant 1 : i32
      %add3A_420 = arith.addi %add3A_355, %add3A_419 : i32
      %lt3A_421 = arith.cmpi slt, %add3A_420, %min3A : i32
      %convert_element_type3A_422 = arith.extui %lt3A_421 : i1 to i32
      %cond3A_423 = arith.constant 0 : i32
      %cond3A_424 = arith.cmpi ne, %convert_element_type3A_422, %cond3A_423 : i32
      scf.if %cond3A_424 {
        %add3A_443 = arith.constant 1 : i32
        %add3A_444 = arith.addi %add3A_355, %add3A_443 : i32
        %dma_wait3A_445 = arith.constant 0 : i32
        %dma_wait3A_446 = tpu.memref_slice %arg8[%add3A_444, %dma_wait3A_445] : memref<40x128xi32, #tpu.memory_space<vmem>> -> memref<1x32xi32, #tpu.memory_space<vmem>>
        %dma_wait3A_447 = tpu.memref_squeeze %dma_wait3A_446 : memref<1x32xi32, #tpu.memory_space<vmem>> -> memref<32xi32, #tpu.memory_space<vmem>>
        %dma_wait3A_448 = arith.constant 0 : i32
        %dma_wait3A_449 = arith.constant 0 : i32
        %dma_wait3A_450 = tpu.memref_slice %arg6[%dma_wait3A_448, %dma_wait3A_449] : memref<10112x128xf32, #tpu.memory_space<vmem_shared>> -> memref<10112x128xf32, #tpu.memory_space<vmem_shared>>
        tpu.wait_indirect_dma semaphore(%arg31 : memref<!tpu.dma_semaphore, #tpu.memory_space<semaphore_mem>>) src(%arg13 : memref<32x128xf32, #tpu.memory_space<vmem>>) dst(%dma_wait3A_450 : memref<10112x128xf32, #tpu.memory_space<vmem_shared>>)
        %add3A_451 = arith.constant 1 : i32
        %add3A_452 = arith.addi %add3A_355, %add3A_451 : i32
        %add3A_453 = arith.constant 2 : i32
        %add3A_454 = arith.addi %add3A_452, %add3A_453 : i32
        %lt3A_455 = arith.cmpi slt, %add3A_454, %min3A : i32
        %convert_element_type3A_456 = arith.extui %lt3A_455 : i1 to i32
        %cond3A_457 = arith.constant 0 : i32
        %cond3A_458 = arith.cmpi ne, %convert_element_type3A_456, %cond3A_457 : i32
        scf.if %cond3A_458 {
          %add3A_459 = arith.constant 2 : i32
          %add3A_460 = arith.addi %add3A_355, %add3A_459 : i32
          %add3A_461 = arith.constant 1 : i32
          %add3A_462 = arith.addi %add3A_460, %add3A_461 : i32
          %dma_start3A_463 = arith.constant 0 : i32
          %dma_start3A_464 = tpu.memref_slice %arg7[%add3A_462, %dma_start3A_463] : memref<40x128xi32, #tpu.memory_space<vmem>> -> memref<1x32xi32, #tpu.memory_space<vmem>>
          %dma_start3A_465 = tpu.memref_squeeze %dma_start3A_464 : memref<1x32xi32, #tpu.memory_space<vmem>> -> memref<32xi32, #tpu.memory_space<vmem>>
          %dma_start3A_466 = arith.constant 0 : i32
          %dma_start3A_467 = arith.constant 0 : i32
          %dma_start3A_468 = tpu.memref_slice %arg2[%dma_start3A_466, %dma_start3A_467] : memref<10000x128xf32, #tpu.memory_space<hbm>> -> memref<10000x128xf32, #tpu.memory_space<hbm>>
          tpu.enqueue_indirect_dma source(%dma_start3A_468 : memref<10000x128xf32, #tpu.memory_space<hbm>>) target(%arg13 : memref<32x128xf32, #tpu.memory_space<vmem>>) offsets(%dma_start3A_465 : memref<32xi32, #tpu.memory_space<vmem>>) semaphore(%arg23 : memref<!tpu.dma_semaphore, #tpu.memory_space<semaphore_mem>>)
        } else {
        }
      } else {
      }
      %add3A_425 = arith.constant 1 : i32
      %add3A_426 = arith.addi %add3A_355, %add3A_425 : i32
      %lt3A_427 = arith.cmpi slt, %add3A_426, %min3A : i32
      %convert_element_type3A_428 = arith.extui %lt3A_427 : i1 to i32
      %cond3A_429 = arith.constant 0 : i32
      %cond3A_430 = arith.cmpi ne, %convert_element_type3A_428, %cond3A_429 : i32
      scf.if %cond3A_430 {
        %add3A_443 = arith.constant 1 : i32
        %add3A_444 = arith.addi %add3A_355, %add3A_443 : i32
        %dma_wait3A_445 = arith.constant 32 : i32
        %dma_wait3A_446 = tpu.memref_slice %arg8[%add3A_444, %dma_wait3A_445] : memref<40x128xi32, #tpu.memory_space<vmem>> -> memref<1x32xi32, #tpu.memory_space<vmem>>
        %dma_wait3A_447 = tpu.memref_squeeze %dma_wait3A_446 : memref<1x32xi32, #tpu.memory_space<vmem>> -> memref<32xi32, #tpu.memory_space<vmem>>
        %dma_wait3A_448 = arith.constant 0 : i32
        %dma_wait3A_449 = arith.constant 0 : i32
        %dma_wait3A_450 = tpu.memref_slice %arg6[%dma_wait3A_448, %dma_wait3A_449] : memref<10112x128xf32, #tpu.memory_space<vmem_shared>> -> memref<10112x128xf32, #tpu.memory_space<vmem_shared>>
        tpu.wait_indirect_dma semaphore(%arg32 : memref<!tpu.dma_semaphore, #tpu.memory_space<semaphore_mem>>) src(%arg14 : memref<32x128xf32, #tpu.memory_space<vmem>>) dst(%dma_wait3A_450 : memref<10112x128xf32, #tpu.memory_space<vmem_shared>>)
        %add3A_451 = arith.constant 1 : i32
        %add3A_452 = arith.addi %add3A_355, %add3A_451 : i32
        %add3A_453 = arith.constant 2 : i32
        %add3A_454 = arith.addi %add3A_452, %add3A_453 : i32
        %lt3A_455 = arith.cmpi slt, %add3A_454, %min3A : i32
        %convert_element_type3A_456 = arith.extui %lt3A_455 : i1 to i32
        %cond3A_457 = arith.constant 0 : i32
        %cond3A_458 = arith.cmpi ne, %convert_element_type3A_456, %cond3A_457 : i32
        scf.if %cond3A_458 {
          %add3A_459 = arith.constant 2 : i32
          %add3A_460 = arith.addi %add3A_355, %add3A_459 : i32
          %add3A_461 = arith.constant 1 : i32
          %add3A_462 = arith.addi %add3A_460, %add3A_461 : i32
          %dma_start3A_463 = arith.constant 32 : i32
          %dma_start3A_464 = tpu.memref_slice %arg7[%add3A_462, %dma_start3A_463] : memref<40x128xi32, #tpu.memory_space<vmem>> -> memref<1x32xi32, #tpu.memory_space<vmem>>
          %dma_start3A_465 = tpu.memref_squeeze %dma_start3A_464 : memref<1x32xi32, #tpu.memory_space<vmem>> -> memref<32xi32, #tpu.memory_space<vmem>>
          %dma_start3A_466 = arith.constant 0 : i32
          %dma_start3A_467 = arith.constant 0 : i32
          %dma_start3A_468 = tpu.memref_slice %arg2[%dma_start3A_466, %dma_start3A_467] : memref<10000x128xf32, #tpu.memory_space<hbm>> -> memref<10000x128xf32, #tpu.memory_space<hbm>>
          tpu.enqueue_indirect_dma source(%dma_start3A_468 : memref<10000x128xf32, #tpu.memory_space<hbm>>) target(%arg14 : memref<32x128xf32, #tpu.memory_space<vmem>>) offsets(%dma_start3A_465 : memref<32xi32, #tpu.memory_space<vmem>>) semaphore(%arg24 : memref<!tpu.dma_semaphore, #tpu.memory_space<semaphore_mem>>)
        } else {
        }
      } else {
      }
      %add3A_431 = arith.constant 1 : i32
      %add3A_432 = arith.addi %add3A_355, %add3A_431 : i32
      %lt3A_433 = arith.cmpi slt, %add3A_432, %min3A : i32
      %convert_element_type3A_434 = arith.extui %lt3A_433 : i1 to i32
      %cond3A_435 = arith.constant 0 : i32
      %cond3A_436 = arith.cmpi ne, %convert_element_type3A_434, %cond3A_435 : i32
      scf.if %cond3A_436 {
        %add3A_443 = arith.constant 1 : i32
        %add3A_444 = arith.addi %add3A_355, %add3A_443 : i32
        %dma_wait3A_445 = arith.constant 64 : i32
        %dma_wait3A_446 = tpu.memref_slice %arg8[%add3A_444, %dma_wait3A_445] : memref<40x128xi32, #tpu.memory_space<vmem>> -> memref<1x32xi32, #tpu.memory_space<vmem>>
        %dma_wait3A_447 = tpu.memref_squeeze %dma_wait3A_446 : memref<1x32xi32, #tpu.memory_space<vmem>> -> memref<32xi32, #tpu.memory_space<vmem>>
        %dma_wait3A_448 = arith.constant 0 : i32
        %dma_wait3A_449 = arith.constant 0 : i32
        %dma_wait3A_450 = tpu.memref_slice %arg6[%dma_wait3A_448, %dma_wait3A_449] : memref<10112x128xf32, #tpu.memory_space<vmem_shared>> -> memref<10112x128xf32, #tpu.memory_space<vmem_shared>>
        tpu.wait_indirect_dma semaphore(%arg33 : memref<!tpu.dma_semaphore, #tpu.memory_space<semaphore_mem>>) src(%arg15 : memref<32x128xf32, #tpu.memory_space<vmem>>) dst(%dma_wait3A_450 : memref<10112x128xf32, #tpu.memory_space<vmem_shared>>)
        %add3A_451 = arith.constant 1 : i32
        %add3A_452 = arith.addi %add3A_355, %add3A_451 : i32
        %add3A_453 = arith.constant 2 : i32
        %add3A_454 = arith.addi %add3A_452, %add3A_453 : i32
        %lt3A_455 = arith.cmpi slt, %add3A_454, %min3A : i32
        %convert_element_type3A_456 = arith.extui %lt3A_455 : i1 to i32
        %cond3A_457 = arith.constant 0 : i32
        %cond3A_458 = arith.cmpi ne, %convert_element_type3A_456, %cond3A_457 : i32
        scf.if %cond3A_458 {
          %add3A_459 = arith.constant 2 : i32
          %add3A_460 = arith.addi %add3A_355, %add3A_459 : i32
          %add3A_461 = arith.constant 1 : i32
          %add3A_462 = arith.addi %add3A_460, %add3A_461 : i32
          %dma_start3A_463 = arith.constant 64 : i32
          %dma_start3A_464 = tpu.memref_slice %arg7[%add3A_462, %dma_start3A_463] : memref<40x128xi32, #tpu.memory_space<vmem>> -> memref<1x32xi32, #tpu.memory_space<vmem>>
          %dma_start3A_465 = tpu.memref_squeeze %dma_start3A_464 : memref<1x32xi32, #tpu.memory_space<vmem>> -> memref<32xi32, #tpu.memory_space<vmem>>
          %dma_start3A_466 = arith.constant 0 : i32
          %dma_start3A_467 = arith.constant 0 : i32
          %dma_start3A_468 = tpu.memref_slice %arg2[%dma_start3A_466, %dma_start3A_467] : memref<10000x128xf32, #tpu.memory_space<hbm>> -> memref<10000x128xf32, #tpu.memory_space<hbm>>
          tpu.enqueue_indirect_dma source(%dma_start3A_468 : memref<10000x128xf32, #tpu.memory_space<hbm>>) target(%arg15 : memref<32x128xf32, #tpu.memory_space<vmem>>) offsets(%dma_start3A_465 : memref<32xi32, #tpu.memory_space<vmem>>) semaphore(%arg25 : memref<!tpu.dma_semaphore, #tpu.memory_space<semaphore_mem>>)
        } else {
        }
      } else {
      }
      %add3A_437 = arith.constant 1 : i32
      %add3A_438 = arith.addi %add3A_355, %add3A_437 : i32
      %lt3A_439 = arith.cmpi slt, %add3A_438, %min3A : i32
      %convert_element_type3A_440 = arith.extui %lt3A_439 : i1 to i32
      %cond3A_441 = arith.constant 0 : i32
      %cond3A_442 = arith.cmpi ne, %convert_element_type3A_440, %cond3A_441 : i32
      scf.if %cond3A_442 {
        %add3A_443 = arith.constant 1 : i32
        %add3A_444 = arith.addi %add3A_355, %add3A_443 : i32
        %dma_wait3A_445 = arith.constant 96 : i32
        %dma_wait3A_446 = tpu.memref_slice %arg8[%add3A_444, %dma_wait3A_445] : memref<40x128xi32, #tpu.memory_space<vmem>> -> memref<1x32xi32, #tpu.memory_space<vmem>>
        %dma_wait3A_447 = tpu.memref_squeeze %dma_wait3A_446 : memref<1x32xi32, #tpu.memory_space<vmem>> -> memref<32xi32, #tpu.memory_space<vmem>>
        %dma_wait3A_448 = arith.constant 0 : i32
        %dma_wait3A_449 = arith.constant 0 : i32
        %dma_wait3A_450 = tpu.memref_slice %arg6[%dma_wait3A_448, %dma_wait3A_449] : memref<10112x128xf32, #tpu.memory_space<vmem_shared>> -> memref<10112x128xf32, #tpu.memory_space<vmem_shared>>
        tpu.wait_indirect_dma semaphore(%arg34 : memref<!tpu.dma_semaphore, #tpu.memory_space<semaphore_mem>>) src(%arg16 : memref<32x128xf32, #tpu.memory_space<vmem>>) dst(%dma_wait3A_450 : memref<10112x128xf32, #tpu.memory_space<vmem_shared>>)
        %add3A_451 = arith.constant 1 : i32
        %add3A_452 = arith.addi %add3A_355, %add3A_451 : i32
        %add3A_453 = arith.constant 2 : i32
        %add3A_454 = arith.addi %add3A_452, %add3A_453 : i32
        %lt3A_455 = arith.cmpi slt, %add3A_454, %min3A : i32
        %convert_element_type3A_456 = arith.extui %lt3A_455 : i1 to i32
        %cond3A_457 = arith.constant 0 : i32
        %cond3A_458 = arith.cmpi ne, %convert_element_type3A_456, %cond3A_457 : i32
        scf.if %cond3A_458 {
          %add3A_459 = arith.constant 2 : i32
          %add3A_460 = arith.addi %add3A_355, %add3A_459 : i32
          %add3A_461 = arith.constant 1 : i32
          %add3A_462 = arith.addi %add3A_460, %add3A_461 : i32
          %dma_start3A_463 = arith.constant 96 : i32
          %dma_start3A_464 = tpu.memref_slice %arg7[%add3A_462, %dma_start3A_463] : memref<40x128xi32, #tpu.memory_space<vmem>> -> memref<1x32xi32, #tpu.memory_space<vmem>>
          %dma_start3A_465 = tpu.memref_squeeze %dma_start3A_464 : memref<1x32xi32, #tpu.memory_space<vmem>> -> memref<32xi32, #tpu.memory_space<vmem>>
          %dma_start3A_466 = arith.constant 0 : i32
          %dma_start3A_467 = arith.constant 0 : i32
          %dma_start3A_468 = tpu.memref_slice %arg2[%dma_start3A_466, %dma_start3A_467] : memref<10000x128xf32, #tpu.memory_space<hbm>> -> memref<10000x128xf32, #tpu.memory_space<hbm>>
          tpu.enqueue_indirect_dma source(%dma_start3A_468 : memref<10000x128xf32, #tpu.memory_space<hbm>>) target(%arg16 : memref<32x128xf32, #tpu.memory_space<vmem>>) offsets(%dma_start3A_465 : memref<32xi32, #tpu.memory_space<vmem>>) semaphore(%arg26 : memref<!tpu.dma_semaphore, #tpu.memory_space<semaphore_mem>>)
        } else {
        }
      } else {
      }
    }
    %scan3A_285 = arith.constant 20 : i32
    %mul3A_286 = arith.constant 80 : i32
    %mul3A_287 = arith.muli %add3A, %mul3A_286 : i32
    %add3A_288 = arith.constant 40 : i32
    %add3A_289 = arith.addi %mul3A_287, %add3A_288 : i32
    %sub3A_290 = arith.constant 2500 : i32
    %sub3A_291 = arith.subi %sub3A_290, %add3A_289 : i32
    %jit3A_292 = arith.constant 0 : i32
    %jit3A_293 = arith.constant 40 : i32
    %max3A_294 = arith.maxsi %jit3A_292, %sub3A_291 : i32
    %min3A_295 = arith.minsi %jit3A_293, %max3A_294 : i32
    %gt3A_296 = arith.constant 0 : i32
    %gt3A_297 = arith.cmpi sgt, %min3A_295, %gt3A_296 : i32
    %convert_element_type3A_298 = arith.extui %gt3A_297 : i1 to i32
    %cond3A_299 = arith.constant 0 : i32
    %cond3A_300 = arith.cmpi ne, %convert_element_type3A_298, %cond3A_299 : i32
    scf.if %cond3A_300 {
      %mul3A_351 = arith.constant 80 : i32
      %mul3A_352 = arith.muli %add3A, %mul3A_351 : i32
      %add3A_353 = arith.constant 40 : i32
      %add3A_354 = arith.addi %mul3A_352, %add3A_353 : i32
      %dma_start3A_355 = arith.constant 0 : i32
      %dma_start3A_356 = tpu.memref_slice %arg3[%add3A_354, %dma_start3A_355] : memref<2560x128xi32, #tpu.memory_space<hbm>> -> memref<40x128xi32, #tpu.memory_space<hbm>>
      %dma_start3A_357 = arith.constant 0 : i32
      %dma_start3A_358 = tpu.memref_slice %arg3[%add3A_354, %dma_start3A_357] : memref<2560x128xi32, #tpu.memory_space<hbm>> -> memref<40x128xi32, #tpu.memory_space<hbm>>
      tpu.enqueue_dma source(%dma_start3A_358 : memref<40x128xi32, #tpu.memory_space<hbm>>) target(%arg7 : memref<40x128xi32, #tpu.memory_space<vmem>>) target_semaphore(%arg17 : memref<!tpu.dma_semaphore, #tpu.memory_space<semaphore_mem>>)
      %mul3A_359 = arith.constant 80 : i32
      %mul3A_360 = arith.muli %add3A, %mul3A_359 : i32
      %add3A_361 = arith.constant 40 : i32
      %add3A_362 = arith.addi %mul3A_360, %add3A_361 : i32
      %dma_start3A_363 = arith.constant 0 : i32
      %dma_start3A_364 = tpu.memref_slice %arg4[%add3A_362, %dma_start3A_363] : memref<2560x128xi32, #tpu.memory_space<hbm>> -> memref<40x128xi32, #tpu.memory_space<hbm>>
      %dma_start3A_365 = arith.constant 0 : i32
      %dma_start3A_366 = tpu.memref_slice %arg4[%add3A_362, %dma_start3A_365] : memref<2560x128xi32, #tpu.memory_space<hbm>> -> memref<40x128xi32, #tpu.memory_space<hbm>>
      tpu.enqueue_dma source(%dma_start3A_366 : memref<40x128xi32, #tpu.memory_space<hbm>>) target(%arg8 : memref<40x128xi32, #tpu.memory_space<vmem>>) target_semaphore(%arg18 : memref<!tpu.dma_semaphore, #tpu.memory_space<semaphore_mem>>)
      %mul3A_367 = arith.constant 80 : i32
      %mul3A_368 = arith.muli %add3A, %mul3A_367 : i32
      %add3A_369 = arith.constant 40 : i32
      %add3A_370 = arith.addi %mul3A_368, %add3A_369 : i32
      %dma_wait3A_371 = arith.constant 0 : i32
      %dma_wait3A_372 = tpu.memref_slice %arg3[%add3A_370, %dma_wait3A_371] : memref<2560x128xi32, #tpu.memory_space<hbm>> -> memref<40x128xi32, #tpu.memory_space<hbm>>
      %dma_wait3A_373 = arith.constant 0 : i32
      %dma_wait3A_374 = tpu.memref_slice %arg3[%add3A_370, %dma_wait3A_373] : memref<2560x128xi32, #tpu.memory_space<hbm>> -> memref<40x128xi32, #tpu.memory_space<hbm>>
      tpu.wait_dma2 semaphore(%arg17 : memref<!tpu.dma_semaphore, #tpu.memory_space<semaphore_mem>>) src(%dma_wait3A_374 : memref<40x128xi32, #tpu.memory_space<hbm>>) dst(%arg7 : memref<40x128xi32, #tpu.memory_space<vmem>>)
      %mul3A_375 = arith.constant 80 : i32
      %mul3A_376 = arith.muli %add3A, %mul3A_375 : i32
      %add3A_377 = arith.constant 40 : i32
      %add3A_378 = arith.addi %mul3A_376, %add3A_377 : i32
      %dma_wait3A_379 = arith.constant 0 : i32
      %dma_wait3A_380 = tpu.memref_slice %arg4[%add3A_378, %dma_wait3A_379] : memref<2560x128xi32, #tpu.memory_space<hbm>> -> memref<40x128xi32, #tpu.memory_space<hbm>>
      %dma_wait3A_381 = arith.constant 0 : i32
      %dma_wait3A_382 = tpu.memref_slice %arg4[%add3A_378, %dma_wait3A_381] : memref<2560x128xi32, #tpu.memory_space<hbm>> -> memref<40x128xi32, #tpu.memory_space<hbm>>
      tpu.wait_dma2 semaphore(%arg18 : memref<!tpu.dma_semaphore, #tpu.memory_space<semaphore_mem>>) src(%dma_wait3A_382 : memref<40x128xi32, #tpu.memory_space<hbm>>) dst(%arg8 : memref<40x128xi32, #tpu.memory_space<vmem>>)
    } else {
    }
    %gt3A_301 = arith.constant 0 : i32
    %gt3A_302 = arith.cmpi sgt, %min3A_295, %gt3A_301 : i32
    %convert_element_type3A_303 = arith.extui %gt3A_302 : i1 to i32
    %cond3A_304 = arith.constant 0 : i32
    %cond3A_305 = arith.cmpi ne, %convert_element_type3A_303, %cond3A_304 : i32
    scf.if %cond3A_305 {
      %dma_start3A_351 = arith.constant 0 : i32
      %dma_start3A_352 = arith.constant 0 : i32
      %dma_start3A_353 = tpu.memref_slice %arg7[%dma_start3A_351, %dma_start3A_352] : memref<40x128xi32, #tpu.memory_space<vmem>> -> memref<1x32xi32, #tpu.memory_space<vmem>>
      %dma_start3A_354 = tpu.memref_squeeze %dma_start3A_353 : memref<1x32xi32, #tpu.memory_space<vmem>> -> memref<32xi32, #tpu.memory_space<vmem>>
      %dma_start3A_355 = arith.constant 0 : i32
      %dma_start3A_356 = arith.constant 0 : i32
      %dma_start3A_357 = tpu.memref_slice %arg2[%dma_start3A_355, %dma_start3A_356] : memref<10000x128xf32, #tpu.memory_space<hbm>> -> memref<10000x128xf32, #tpu.memory_space<hbm>>
      tpu.enqueue_indirect_dma source(%dma_start3A_357 : memref<10000x128xf32, #tpu.memory_space<hbm>>) target(%arg9 : memref<32x128xf32, #tpu.memory_space<vmem>>) offsets(%dma_start3A_354 : memref<32xi32, #tpu.memory_space<vmem>>) semaphore(%arg19 : memref<!tpu.dma_semaphore, #tpu.memory_space<semaphore_mem>>)
    } else {
    }
    %gt3A_306 = arith.constant 0 : i32
    %gt3A_307 = arith.cmpi sgt, %min3A_295, %gt3A_306 : i32
    %convert_element_type3A_308 = arith.extui %gt3A_307 : i1 to i32
    %cond3A_309 = arith.constant 0 : i32
    %cond3A_310 = arith.cmpi ne, %convert_element_type3A_308, %cond3A_309 : i32
    scf.if %cond3A_310 {
      %dma_start3A_351 = arith.constant 0 : i32
      %dma_start3A_352 = arith.constant 32 : i32
      %dma_start3A_353 = tpu.memref_slice %arg7[%dma_start3A_351, %dma_start3A_352] : memref<40x128xi32, #tpu.memory_space<vmem>> -> memref<1x32xi32, #tpu.memory_space<vmem>>
      %dma_start3A_354 = tpu.memref_squeeze %dma_start3A_353 : memref<1x32xi32, #tpu.memory_space<vmem>> -> memref<32xi32, #tpu.memory_space<vmem>>
      %dma_start3A_355 = arith.constant 0 : i32
      %dma_start3A_356 = arith.constant 0 : i32
      %dma_start3A_357 = tpu.memref_slice %arg2[%dma_start3A_355, %dma_start3A_356] : memref<10000x128xf32, #tpu.memory_space<hbm>> -> memref<10000x128xf32, #tpu.memory_space<hbm>>
      tpu.enqueue_indirect_dma source(%dma_start3A_357 : memref<10000x128xf32, #tpu.memory_space<hbm>>) target(%arg10 : memref<32x128xf32, #tpu.memory_space<vmem>>) offsets(%dma_start3A_354 : memref<32xi32, #tpu.memory_space<vmem>>) semaphore(%arg20 : memref<!tpu.dma_semaphore, #tpu.memory_space<semaphore_mem>>)
    } else {
    }
    %gt3A_311 = arith.constant 0 : i32
    %gt3A_312 = arith.cmpi sgt, %min3A_295, %gt3A_311 : i32
    %convert_element_type3A_313 = arith.extui %gt3A_312 : i1 to i32
    %cond3A_314 = arith.constant 0 : i32
    %cond3A_315 = arith.cmpi ne, %convert_element_type3A_313, %cond3A_314 : i32
    scf.if %cond3A_315 {
      %dma_start3A_351 = arith.constant 0 : i32
      %dma_start3A_352 = arith.constant 64 : i32
      %dma_start3A_353 = tpu.memref_slice %arg7[%dma_start3A_351, %dma_start3A_352] : memref<40x128xi32, #tpu.memory_space<vmem>> -> memref<1x32xi32, #tpu.memory_space<vmem>>
      %dma_start3A_354 = tpu.memref_squeeze %dma_start3A_353 : memref<1x32xi32, #tpu.memory_space<vmem>> -> memref<32xi32, #tpu.memory_space<vmem>>
      %dma_start3A_355 = arith.constant 0 : i32
      %dma_start3A_356 = arith.constant 0 : i32
      %dma_start3A_357 = tpu.memref_slice %arg2[%dma_start3A_355, %dma_start3A_356] : memref<10000x128xf32, #tpu.memory_space<hbm>> -> memref<10000x128xf32, #tpu.memory_space<hbm>>
      tpu.enqueue_indirect_dma source(%dma_start3A_357 : memref<10000x128xf32, #tpu.memory_space<hbm>>) target(%arg11 : memref<32x128xf32, #tpu.memory_space<vmem>>) offsets(%dma_start3A_354 : memref<32xi32, #tpu.memory_space<vmem>>) semaphore(%arg21 : memref<!tpu.dma_semaphore, #tpu.memory_space<semaphore_mem>>)
    } else {
    }
    %gt3A_316 = arith.constant 0 : i32
    %gt3A_317 = arith.cmpi sgt, %min3A_295, %gt3A_316 : i32
    %convert_element_type3A_318 = arith.extui %gt3A_317 : i1 to i32
    %cond3A_319 = arith.constant 0 : i32
    %cond3A_320 = arith.cmpi ne, %convert_element_type3A_318, %cond3A_319 : i32
    scf.if %cond3A_320 {
      %dma_start3A_351 = arith.constant 0 : i32
      %dma_start3A_352 = arith.constant 96 : i32
      %dma_start3A_353 = tpu.memref_slice %arg7[%dma_start3A_351, %dma_start3A_352] : memref<40x128xi32, #tpu.memory_space<vmem>> -> memref<1x32xi32, #tpu.memory_space<vmem>>
      %dma_start3A_354 = tpu.memref_squeeze %dma_start3A_353 : memref<1x32xi32, #tpu.memory_space<vmem>> -> memref<32xi32, #tpu.memory_space<vmem>>
      %dma_start3A_355 = arith.constant 0 : i32
      %dma_start3A_356 = arith.constant 0 : i32
      %dma_start3A_357 = tpu.memref_slice %arg2[%dma_start3A_355, %dma_start3A_356] : memref<10000x128xf32, #tpu.memory_space<hbm>> -> memref<10000x128xf32, #tpu.memory_space<hbm>>
      tpu.enqueue_indirect_dma source(%dma_start3A_357 : memref<10000x128xf32, #tpu.memory_space<hbm>>) target(%arg12 : memref<32x128xf32, #tpu.memory_space<vmem>>) offsets(%dma_start3A_354 : memref<32xi32, #tpu.memory_space<vmem>>) semaphore(%arg22 : memref<!tpu.dma_semaphore, #tpu.memory_space<semaphore_mem>>)
    } else {
    }
    %gt3A_321 = arith.constant 1 : i32
    %gt3A_322 = arith.cmpi sgt, %min3A_295, %gt3A_321 : i32
    %convert_element_type3A_323 = arith.extui %gt3A_322 : i1 to i32
    %cond3A_324 = arith.constant 0 : i32
    %cond3A_325 = arith.cmpi ne, %convert_element_type3A_323, %cond3A_324 : i32
    scf.if %cond3A_325 {
      %dma_start3A_351 = arith.constant 1 : i32
      %dma_start3A_352 = arith.constant 0 : i32
      %dma_start3A_353 = tpu.memref_slice %arg7[%dma_start3A_351, %dma_start3A_352] : memref<40x128xi32, #tpu.memory_space<vmem>> -> memref<1x32xi32, #tpu.memory_space<vmem>>
      %dma_start3A_354 = tpu.memref_squeeze %dma_start3A_353 : memref<1x32xi32, #tpu.memory_space<vmem>> -> memref<32xi32, #tpu.memory_space<vmem>>
      %dma_start3A_355 = arith.constant 0 : i32
      %dma_start3A_356 = arith.constant 0 : i32
      %dma_start3A_357 = tpu.memref_slice %arg2[%dma_start3A_355, %dma_start3A_356] : memref<10000x128xf32, #tpu.memory_space<hbm>> -> memref<10000x128xf32, #tpu.memory_space<hbm>>
      tpu.enqueue_indirect_dma source(%dma_start3A_357 : memref<10000x128xf32, #tpu.memory_space<hbm>>) target(%arg13 : memref<32x128xf32, #tpu.memory_space<vmem>>) offsets(%dma_start3A_354 : memref<32xi32, #tpu.memory_space<vmem>>) semaphore(%arg23 : memref<!tpu.dma_semaphore, #tpu.memory_space<semaphore_mem>>)
    } else {
    }
    %gt3A_326 = arith.constant 1 : i32
    %gt3A_327 = arith.cmpi sgt, %min3A_295, %gt3A_326 : i32
    %convert_element_type3A_328 = arith.extui %gt3A_327 : i1 to i32
    %cond3A_329 = arith.constant 0 : i32
    %cond3A_330 = arith.cmpi ne, %convert_element_type3A_328, %cond3A_329 : i32
    scf.if %cond3A_330 {
      %dma_start3A_351 = arith.constant 1 : i32
      %dma_start3A_352 = arith.constant 32 : i32
      %dma_start3A_353 = tpu.memref_slice %arg7[%dma_start3A_351, %dma_start3A_352] : memref<40x128xi32, #tpu.memory_space<vmem>> -> memref<1x32xi32, #tpu.memory_space<vmem>>
      %dma_start3A_354 = tpu.memref_squeeze %dma_start3A_353 : memref<1x32xi32, #tpu.memory_space<vmem>> -> memref<32xi32, #tpu.memory_space<vmem>>
      %dma_start3A_355 = arith.constant 0 : i32
      %dma_start3A_356 = arith.constant 0 : i32
      %dma_start3A_357 = tpu.memref_slice %arg2[%dma_start3A_355, %dma_start3A_356] : memref<10000x128xf32, #tpu.memory_space<hbm>> -> memref<10000x128xf32, #tpu.memory_space<hbm>>
      tpu.enqueue_indirect_dma source(%dma_start3A_357 : memref<10000x128xf32, #tpu.memory_space<hbm>>) target(%arg14 : memref<32x128xf32, #tpu.memory_space<vmem>>) offsets(%dma_start3A_354 : memref<32xi32, #tpu.memory_space<vmem>>) semaphore(%arg24 : memref<!tpu.dma_semaphore, #tpu.memory_space<semaphore_mem>>)
    } else {
    }
    %gt3A_331 = arith.constant 1 : i32
    %gt3A_332 = arith.cmpi sgt, %min3A_295, %gt3A_331 : i32
    %convert_element_type3A_333 = arith.extui %gt3A_332 : i1 to i32
    %cond3A_334 = arith.constant 0 : i32
    %cond3A_335 = arith.cmpi ne, %convert_element_type3A_333, %cond3A_334 : i32
    scf.if %cond3A_335 {
      %dma_start3A_351 = arith.constant 1 : i32
      %dma_start3A_352 = arith.constant 64 : i32
      %dma_start3A_353 = tpu.memref_slice %arg7[%dma_start3A_351, %dma_start3A_352] : memref<40x128xi32, #tpu.memory_space<vmem>> -> memref<1x32xi32, #tpu.memory_space<vmem>>
      %dma_start3A_354 = tpu.memref_squeeze %dma_start3A_353 : memref<1x32xi32, #tpu.memory_space<vmem>> -> memref<32xi32, #tpu.memory_space<vmem>>
      %dma_start3A_355 = arith.constant 0 : i32
      %dma_start3A_356 = arith.constant 0 : i32
      %dma_start3A_357 = tpu.memref_slice %arg2[%dma_start3A_355, %dma_start3A_356] : memref<10000x128xf32, #tpu.memory_space<hbm>> -> memref<10000x128xf32, #tpu.memory_space<hbm>>
      tpu.enqueue_indirect_dma source(%dma_start3A_357 : memref<10000x128xf32, #tpu.memory_space<hbm>>) target(%arg15 : memref<32x128xf32, #tpu.memory_space<vmem>>) offsets(%dma_start3A_354 : memref<32xi32, #tpu.memory_space<vmem>>) semaphore(%arg25 : memref<!tpu.dma_semaphore, #tpu.memory_space<semaphore_mem>>)
    } else {
    }
    %gt3A_336 = arith.constant 1 : i32
    %gt3A_337 = arith.cmpi sgt, %min3A_295, %gt3A_336 : i32
    %convert_element_type3A_338 = arith.extui %gt3A_337 : i1 to i32
    %cond3A_339 = arith.constant 0 : i32
    %cond3A_340 = arith.cmpi ne, %convert_element_type3A_338, %cond3A_339 : i32
    scf.if %cond3A_340 {
      %dma_start3A_351 = arith.constant 1 : i32
      %dma_start3A_352 = arith.constant 96 : i32
      %dma_start3A_353 = tpu.memref_slice %arg7[%dma_start3A_351, %dma_start3A_352] : memref<40x128xi32, #tpu.memory_space<vmem>> -> memref<1x32xi32, #tpu.memory_space<vmem>>
      %dma_start3A_354 = tpu.memref_squeeze %dma_start3A_353 : memref<1x32xi32, #tpu.memory_space<vmem>> -> memref<32xi32, #tpu.memory_space<vmem>>
      %dma_start3A_355 = arith.constant 0 : i32
      %dma_start3A_356 = arith.constant 0 : i32
      %dma_start3A_357 = tpu.memref_slice %arg2[%dma_start3A_355, %dma_start3A_356] : memref<10000x128xf32, #tpu.memory_space<hbm>> -> memref<10000x128xf32, #tpu.memory_space<hbm>>
      tpu.enqueue_indirect_dma source(%dma_start3A_357 : memref<10000x128xf32, #tpu.memory_space<hbm>>) target(%arg16 : memref<32x128xf32, #tpu.memory_space<vmem>>) offsets(%dma_start3A_354 : memref<32xi32, #tpu.memory_space<vmem>>) semaphore(%arg26 : memref<!tpu.dma_semaphore, #tpu.memory_space<semaphore_mem>>)
    } else {
    }
    %scan3A_341 = arith.constant 0 : i32
    %scan3A_342 = arith.constant 20 : i32
    %scan3A_343 = arith.addi %scan3A_341, %scan3A_342 : i32
    %scan3A_344 = arith.constant 1 : i32
    scf.for %scan3A_351 = %scan3A_341 to %scan3A_343 step %scan3A_344  : i32 {
      %mul3A_352 = arith.constant 2 : i32
      %mul3A_353 = arith.muli %scan3A_351, %mul3A_352 : i32
      %add3A_354 = arith.constant 0 : i32
      %add3A_355 = arith.addi %add3A_354, %mul3A_353 : i32
      %lt3A = arith.cmpi slt, %add3A_355, %min3A_295 : i32
      %convert_element_type3A_356 = arith.extui %lt3A : i1 to i32
      %cond3A_357 = arith.constant 0 : i32
      %cond3A_358 = arith.cmpi ne, %convert_element_type3A_356, %cond3A_357 : i32
      scf.if %cond3A_358 {
        %add3A_443 = arith.constant 0 : i32
        %add3A_444 = arith.addi %add3A_355, %add3A_443 : i32
        %dma_wait3A_445 = arith.constant 0 : i32
        %dma_wait3A_446 = tpu.memref_slice %arg7[%add3A_444, %dma_wait3A_445] : memref<40x128xi32, #tpu.memory_space<vmem>> -> memref<1x32xi32, #tpu.memory_space<vmem>>
        %dma_wait3A_447 = tpu.memref_squeeze %dma_wait3A_446 : memref<1x32xi32, #tpu.memory_space<vmem>> -> memref<32xi32, #tpu.memory_space<vmem>>
        %dma_wait3A_448 = arith.constant 0 : i32
        %dma_wait3A_449 = arith.constant 0 : i32
        %dma_wait3A_450 = tpu.memref_slice %arg2[%dma_wait3A_448, %dma_wait3A_449] : memref<10000x128xf32, #tpu.memory_space<hbm>> -> memref<10000x128xf32, #tpu.memory_space<hbm>>
        tpu.wait_indirect_dma semaphore(%arg19 : memref<!tpu.dma_semaphore, #tpu.memory_space<semaphore_mem>>) src(%dma_wait3A_450 : memref<10000x128xf32, #tpu.memory_space<hbm>>) dst(%arg9 : memref<32x128xf32, #tpu.memory_space<vmem>>)
        %add3A_451 = arith.constant 0 : i32
        %add3A_452 = arith.addi %add3A_355, %add3A_451 : i32
        %dma_start3A_453 = arith.constant 0 : i32
        %dma_start3A_454 = tpu.memref_slice %arg8[%add3A_452, %dma_start3A_453] : memref<40x128xi32, #tpu.memory_space<vmem>> -> memref<1x32xi32, #tpu.memory_space<vmem>>
        %dma_start3A_455 = tpu.memref_squeeze %dma_start3A_454 : memref<1x32xi32, #tpu.memory_space<vmem>> -> memref<32xi32, #tpu.memory_space<vmem>>
        %dma_start3A_456 = arith.constant 0 : i32
        %dma_start3A_457 = arith.constant 0 : i32
        %dma_start3A_458 = tpu.memref_slice %arg6[%dma_start3A_456, %dma_start3A_457] : memref<10112x128xf32, #tpu.memory_space<vmem_shared>> -> memref<10112x128xf32, #tpu.memory_space<vmem_shared>>
        tpu.enqueue_indirect_dma source(%arg9 : memref<32x128xf32, #tpu.memory_space<vmem>>) target(%dma_start3A_458 : memref<10112x128xf32, #tpu.memory_space<vmem_shared>>) offsets(%dma_start3A_455 : memref<32xi32, #tpu.memory_space<vmem>>) semaphore(%arg27 : memref<!tpu.dma_semaphore, #tpu.memory_space<semaphore_mem>>) {add = true}
      } else {
      }
      %lt3A_359 = arith.cmpi slt, %add3A_355, %min3A_295 : i32
      %convert_element_type3A_360 = arith.extui %lt3A_359 : i1 to i32
      %cond3A_361 = arith.constant 0 : i32
      %cond3A_362 = arith.cmpi ne, %convert_element_type3A_360, %cond3A_361 : i32
      scf.if %cond3A_362 {
        %add3A_443 = arith.constant 0 : i32
        %add3A_444 = arith.addi %add3A_355, %add3A_443 : i32
        %dma_wait3A_445 = arith.constant 32 : i32
        %dma_wait3A_446 = tpu.memref_slice %arg7[%add3A_444, %dma_wait3A_445] : memref<40x128xi32, #tpu.memory_space<vmem>> -> memref<1x32xi32, #tpu.memory_space<vmem>>
        %dma_wait3A_447 = tpu.memref_squeeze %dma_wait3A_446 : memref<1x32xi32, #tpu.memory_space<vmem>> -> memref<32xi32, #tpu.memory_space<vmem>>
        %dma_wait3A_448 = arith.constant 0 : i32
        %dma_wait3A_449 = arith.constant 0 : i32
        %dma_wait3A_450 = tpu.memref_slice %arg2[%dma_wait3A_448, %dma_wait3A_449] : memref<10000x128xf32, #tpu.memory_space<hbm>> -> memref<10000x128xf32, #tpu.memory_space<hbm>>
        tpu.wait_indirect_dma semaphore(%arg20 : memref<!tpu.dma_semaphore, #tpu.memory_space<semaphore_mem>>) src(%dma_wait3A_450 : memref<10000x128xf32, #tpu.memory_space<hbm>>) dst(%arg10 : memref<32x128xf32, #tpu.memory_space<vmem>>)
        %add3A_451 = arith.constant 0 : i32
        %add3A_452 = arith.addi %add3A_355, %add3A_451 : i32
        %dma_start3A_453 = arith.constant 32 : i32
        %dma_start3A_454 = tpu.memref_slice %arg8[%add3A_452, %dma_start3A_453] : memref<40x128xi32, #tpu.memory_space<vmem>> -> memref<1x32xi32, #tpu.memory_space<vmem>>
        %dma_start3A_455 = tpu.memref_squeeze %dma_start3A_454 : memref<1x32xi32, #tpu.memory_space<vmem>> -> memref<32xi32, #tpu.memory_space<vmem>>
        %dma_start3A_456 = arith.constant 0 : i32
        %dma_start3A_457 = arith.constant 0 : i32
        %dma_start3A_458 = tpu.memref_slice %arg6[%dma_start3A_456, %dma_start3A_457] : memref<10112x128xf32, #tpu.memory_space<vmem_shared>> -> memref<10112x128xf32, #tpu.memory_space<vmem_shared>>
        tpu.enqueue_indirect_dma source(%arg10 : memref<32x128xf32, #tpu.memory_space<vmem>>) target(%dma_start3A_458 : memref<10112x128xf32, #tpu.memory_space<vmem_shared>>) offsets(%dma_start3A_455 : memref<32xi32, #tpu.memory_space<vmem>>) semaphore(%arg28 : memref<!tpu.dma_semaphore, #tpu.memory_space<semaphore_mem>>) {add = true}
      } else {
      }
      %lt3A_363 = arith.cmpi slt, %add3A_355, %min3A_295 : i32
      %convert_element_type3A_364 = arith.extui %lt3A_363 : i1 to i32
      %cond3A_365 = arith.constant 0 : i32
      %cond3A_366 = arith.cmpi ne, %convert_element_type3A_364, %cond3A_365 : i32
      scf.if %cond3A_366 {
        %add3A_443 = arith.constant 0 : i32
        %add3A_444 = arith.addi %add3A_355, %add3A_443 : i32
        %dma_wait3A_445 = arith.constant 64 : i32
        %dma_wait3A_446 = tpu.memref_slice %arg7[%add3A_444, %dma_wait3A_445] : memref<40x128xi32, #tpu.memory_space<vmem>> -> memref<1x32xi32, #tpu.memory_space<vmem>>
        %dma_wait3A_447 = tpu.memref_squeeze %dma_wait3A_446 : memref<1x32xi32, #tpu.memory_space<vmem>> -> memref<32xi32, #tpu.memory_space<vmem>>
        %dma_wait3A_448 = arith.constant 0 : i32
        %dma_wait3A_449 = arith.constant 0 : i32
        %dma_wait3A_450 = tpu.memref_slice %arg2[%dma_wait3A_448, %dma_wait3A_449] : memref<10000x128xf32, #tpu.memory_space<hbm>> -> memref<10000x128xf32, #tpu.memory_space<hbm>>
        tpu.wait_indirect_dma semaphore(%arg21 : memref<!tpu.dma_semaphore, #tpu.memory_space<semaphore_mem>>) src(%dma_wait3A_450 : memref<10000x128xf32, #tpu.memory_space<hbm>>) dst(%arg11 : memref<32x128xf32, #tpu.memory_space<vmem>>)
        %add3A_451 = arith.constant 0 : i32
        %add3A_452 = arith.addi %add3A_355, %add3A_451 : i32
        %dma_start3A_453 = arith.constant 64 : i32
        %dma_start3A_454 = tpu.memref_slice %arg8[%add3A_452, %dma_start3A_453] : memref<40x128xi32, #tpu.memory_space<vmem>> -> memref<1x32xi32, #tpu.memory_space<vmem>>
        %dma_start3A_455 = tpu.memref_squeeze %dma_start3A_454 : memref<1x32xi32, #tpu.memory_space<vmem>> -> memref<32xi32, #tpu.memory_space<vmem>>
        %dma_start3A_456 = arith.constant 0 : i32
        %dma_start3A_457 = arith.constant 0 : i32
        %dma_start3A_458 = tpu.memref_slice %arg6[%dma_start3A_456, %dma_start3A_457] : memref<10112x128xf32, #tpu.memory_space<vmem_shared>> -> memref<10112x128xf32, #tpu.memory_space<vmem_shared>>
        tpu.enqueue_indirect_dma source(%arg11 : memref<32x128xf32, #tpu.memory_space<vmem>>) target(%dma_start3A_458 : memref<10112x128xf32, #tpu.memory_space<vmem_shared>>) offsets(%dma_start3A_455 : memref<32xi32, #tpu.memory_space<vmem>>) semaphore(%arg29 : memref<!tpu.dma_semaphore, #tpu.memory_space<semaphore_mem>>) {add = true}
      } else {
      }
      %lt3A_367 = arith.cmpi slt, %add3A_355, %min3A_295 : i32
      %convert_element_type3A_368 = arith.extui %lt3A_367 : i1 to i32
      %cond3A_369 = arith.constant 0 : i32
      %cond3A_370 = arith.cmpi ne, %convert_element_type3A_368, %cond3A_369 : i32
      scf.if %cond3A_370 {
        %add3A_443 = arith.constant 0 : i32
        %add3A_444 = arith.addi %add3A_355, %add3A_443 : i32
        %dma_wait3A_445 = arith.constant 96 : i32
        %dma_wait3A_446 = tpu.memref_slice %arg7[%add3A_444, %dma_wait3A_445] : memref<40x128xi32, #tpu.memory_space<vmem>> -> memref<1x32xi32, #tpu.memory_space<vmem>>
        %dma_wait3A_447 = tpu.memref_squeeze %dma_wait3A_446 : memref<1x32xi32, #tpu.memory_space<vmem>> -> memref<32xi32, #tpu.memory_space<vmem>>
        %dma_wait3A_448 = arith.constant 0 : i32
        %dma_wait3A_449 = arith.constant 0 : i32
        %dma_wait3A_450 = tpu.memref_slice %arg2[%dma_wait3A_448, %dma_wait3A_449] : memref<10000x128xf32, #tpu.memory_space<hbm>> -> memref<10000x128xf32, #tpu.memory_space<hbm>>
        tpu.wait_indirect_dma semaphore(%arg22 : memref<!tpu.dma_semaphore, #tpu.memory_space<semaphore_mem>>) src(%dma_wait3A_450 : memref<10000x128xf32, #tpu.memory_space<hbm>>) dst(%arg12 : memref<32x128xf32, #tpu.memory_space<vmem>>)
        %add3A_451 = arith.constant 0 : i32
        %add3A_452 = arith.addi %add3A_355, %add3A_451 : i32
        %dma_start3A_453 = arith.constant 96 : i32
        %dma_start3A_454 = tpu.memref_slice %arg8[%add3A_452, %dma_start3A_453] : memref<40x128xi32, #tpu.memory_space<vmem>> -> memref<1x32xi32, #tpu.memory_space<vmem>>
        %dma_start3A_455 = tpu.memref_squeeze %dma_start3A_454 : memref<1x32xi32, #tpu.memory_space<vmem>> -> memref<32xi32, #tpu.memory_space<vmem>>
        %dma_start3A_456 = arith.constant 0 : i32
        %dma_start3A_457 = arith.constant 0 : i32
        %dma_start3A_458 = tpu.memref_slice %arg6[%dma_start3A_456, %dma_start3A_457] : memref<10112x128xf32, #tpu.memory_space<vmem_shared>> -> memref<10112x128xf32, #tpu.memory_space<vmem_shared>>
        tpu.enqueue_indirect_dma source(%arg12 : memref<32x128xf32, #tpu.memory_space<vmem>>) target(%dma_start3A_458 : memref<10112x128xf32, #tpu.memory_space<vmem_shared>>) offsets(%dma_start3A_455 : memref<32xi32, #tpu.memory_space<vmem>>) semaphore(%arg30 : memref<!tpu.dma_semaphore, #tpu.memory_space<semaphore_mem>>) {add = true}
      } else {
      }
      %add3A_371 = arith.constant 1 : i32
      %add3A_372 = arith.addi %add3A_355, %add3A_371 : i32
      %lt3A_373 = arith.cmpi slt, %add3A_372, %min3A_295 : i32
      %convert_element_type3A_374 = arith.extui %lt3A_373 : i1 to i32
      %cond3A_375 = arith.constant 0 : i32
      %cond3A_376 = arith.cmpi ne, %convert_element_type3A_374, %cond3A_375 : i32
      scf.if %cond3A_376 {
        %add3A_443 = arith.constant 1 : i32
        %add3A_444 = arith.addi %add3A_355, %add3A_443 : i32
        %dma_wait3A_445 = arith.constant 0 : i32
        %dma_wait3A_446 = tpu.memref_slice %arg7[%add3A_444, %dma_wait3A_445] : memref<40x128xi32, #tpu.memory_space<vmem>> -> memref<1x32xi32, #tpu.memory_space<vmem>>
        %dma_wait3A_447 = tpu.memref_squeeze %dma_wait3A_446 : memref<1x32xi32, #tpu.memory_space<vmem>> -> memref<32xi32, #tpu.memory_space<vmem>>
        %dma_wait3A_448 = arith.constant 0 : i32
        %dma_wait3A_449 = arith.constant 0 : i32
        %dma_wait3A_450 = tpu.memref_slice %arg2[%dma_wait3A_448, %dma_wait3A_449] : memref<10000x128xf32, #tpu.memory_space<hbm>> -> memref<10000x128xf32, #tpu.memory_space<hbm>>
        tpu.wait_indirect_dma semaphore(%arg23 : memref<!tpu.dma_semaphore, #tpu.memory_space<semaphore_mem>>) src(%dma_wait3A_450 : memref<10000x128xf32, #tpu.memory_space<hbm>>) dst(%arg13 : memref<32x128xf32, #tpu.memory_space<vmem>>)
        %add3A_451 = arith.constant 1 : i32
        %add3A_452 = arith.addi %add3A_355, %add3A_451 : i32
        %dma_start3A_453 = arith.constant 0 : i32
        %dma_start3A_454 = tpu.memref_slice %arg8[%add3A_452, %dma_start3A_453] : memref<40x128xi32, #tpu.memory_space<vmem>> -> memref<1x32xi32, #tpu.memory_space<vmem>>
        %dma_start3A_455 = tpu.memref_squeeze %dma_start3A_454 : memref<1x32xi32, #tpu.memory_space<vmem>> -> memref<32xi32, #tpu.memory_space<vmem>>
        %dma_start3A_456 = arith.constant 0 : i32
        %dma_start3A_457 = arith.constant 0 : i32
        %dma_start3A_458 = tpu.memref_slice %arg6[%dma_start3A_456, %dma_start3A_457] : memref<10112x128xf32, #tpu.memory_space<vmem_shared>> -> memref<10112x128xf32, #tpu.memory_space<vmem_shared>>
        tpu.enqueue_indirect_dma source(%arg13 : memref<32x128xf32, #tpu.memory_space<vmem>>) target(%dma_start3A_458 : memref<10112x128xf32, #tpu.memory_space<vmem_shared>>) offsets(%dma_start3A_455 : memref<32xi32, #tpu.memory_space<vmem>>) semaphore(%arg31 : memref<!tpu.dma_semaphore, #tpu.memory_space<semaphore_mem>>) {add = true}
      } else {
      }
      %add3A_377 = arith.constant 1 : i32
      %add3A_378 = arith.addi %add3A_355, %add3A_377 : i32
      %lt3A_379 = arith.cmpi slt, %add3A_378, %min3A_295 : i32
      %convert_element_type3A_380 = arith.extui %lt3A_379 : i1 to i32
      %cond3A_381 = arith.constant 0 : i32
      %cond3A_382 = arith.cmpi ne, %convert_element_type3A_380, %cond3A_381 : i32
      scf.if %cond3A_382 {
        %add3A_443 = arith.constant 1 : i32
        %add3A_444 = arith.addi %add3A_355, %add3A_443 : i32
        %dma_wait3A_445 = arith.constant 32 : i32
        %dma_wait3A_446 = tpu.memref_slice %arg7[%add3A_444, %dma_wait3A_445] : memref<40x128xi32, #tpu.memory_space<vmem>> -> memref<1x32xi32, #tpu.memory_space<vmem>>
        %dma_wait3A_447 = tpu.memref_squeeze %dma_wait3A_446 : memref<1x32xi32, #tpu.memory_space<vmem>> -> memref<32xi32, #tpu.memory_space<vmem>>
        %dma_wait3A_448 = arith.constant 0 : i32
        %dma_wait3A_449 = arith.constant 0 : i32
        %dma_wait3A_450 = tpu.memref_slice %arg2[%dma_wait3A_448, %dma_wait3A_449] : memref<10000x128xf32, #tpu.memory_space<hbm>> -> memref<10000x128xf32, #tpu.memory_space<hbm>>
        tpu.wait_indirect_dma semaphore(%arg24 : memref<!tpu.dma_semaphore, #tpu.memory_space<semaphore_mem>>) src(%dma_wait3A_450 : memref<10000x128xf32, #tpu.memory_space<hbm>>) dst(%arg14 : memref<32x128xf32, #tpu.memory_space<vmem>>)
        %add3A_451 = arith.constant 1 : i32
        %add3A_452 = arith.addi %add3A_355, %add3A_451 : i32
        %dma_start3A_453 = arith.constant 32 : i32
        %dma_start3A_454 = tpu.memref_slice %arg8[%add3A_452, %dma_start3A_453] : memref<40x128xi32, #tpu.memory_space<vmem>> -> memref<1x32xi32, #tpu.memory_space<vmem>>
        %dma_start3A_455 = tpu.memref_squeeze %dma_start3A_454 : memref<1x32xi32, #tpu.memory_space<vmem>> -> memref<32xi32, #tpu.memory_space<vmem>>
        %dma_start3A_456 = arith.constant 0 : i32
        %dma_start3A_457 = arith.constant 0 : i32
        %dma_start3A_458 = tpu.memref_slice %arg6[%dma_start3A_456, %dma_start3A_457] : memref<10112x128xf32, #tpu.memory_space<vmem_shared>> -> memref<10112x128xf32, #tpu.memory_space<vmem_shared>>
        tpu.enqueue_indirect_dma source(%arg14 : memref<32x128xf32, #tpu.memory_space<vmem>>) target(%dma_start3A_458 : memref<10112x128xf32, #tpu.memory_space<vmem_shared>>) offsets(%dma_start3A_455 : memref<32xi32, #tpu.memory_space<vmem>>) semaphore(%arg32 : memref<!tpu.dma_semaphore, #tpu.memory_space<semaphore_mem>>) {add = true}
      } else {
      }
      %add3A_383 = arith.constant 1 : i32
      %add3A_384 = arith.addi %add3A_355, %add3A_383 : i32
      %lt3A_385 = arith.cmpi slt, %add3A_384, %min3A_295 : i32
      %convert_element_type3A_386 = arith.extui %lt3A_385 : i1 to i32
      %cond3A_387 = arith.constant 0 : i32
      %cond3A_388 = arith.cmpi ne, %convert_element_type3A_386, %cond3A_387 : i32
      scf.if %cond3A_388 {
        %add3A_443 = arith.constant 1 : i32
        %add3A_444 = arith.addi %add3A_355, %add3A_443 : i32
        %dma_wait3A_445 = arith.constant 64 : i32
        %dma_wait3A_446 = tpu.memref_slice %arg7[%add3A_444, %dma_wait3A_445] : memref<40x128xi32, #tpu.memory_space<vmem>> -> memref<1x32xi32, #tpu.memory_space<vmem>>
        %dma_wait3A_447 = tpu.memref_squeeze %dma_wait3A_446 : memref<1x32xi32, #tpu.memory_space<vmem>> -> memref<32xi32, #tpu.memory_space<vmem>>
        %dma_wait3A_448 = arith.constant 0 : i32
        %dma_wait3A_449 = arith.constant 0 : i32
        %dma_wait3A_450 = tpu.memref_slice %arg2[%dma_wait3A_448, %dma_wait3A_449] : memref<10000x128xf32, #tpu.memory_space<hbm>> -> memref<10000x128xf32, #tpu.memory_space<hbm>>
        tpu.wait_indirect_dma semaphore(%arg25 : memref<!tpu.dma_semaphore, #tpu.memory_space<semaphore_mem>>) src(%dma_wait3A_450 : memref<10000x128xf32, #tpu.memory_space<hbm>>) dst(%arg15 : memref<32x128xf32, #tpu.memory_space<vmem>>)
        %add3A_451 = arith.constant 1 : i32
        %add3A_452 = arith.addi %add3A_355, %add3A_451 : i32
        %dma_start3A_453 = arith.constant 64 : i32
        %dma_start3A_454 = tpu.memref_slice %arg8[%add3A_452, %dma_start3A_453] : memref<40x128xi32, #tpu.memory_space<vmem>> -> memref<1x32xi32, #tpu.memory_space<vmem>>
        %dma_start3A_455 = tpu.memref_squeeze %dma_start3A_454 : memref<1x32xi32, #tpu.memory_space<vmem>> -> memref<32xi32, #tpu.memory_space<vmem>>
        %dma_start3A_456 = arith.constant 0 : i32
        %dma_start3A_457 = arith.constant 0 : i32
        %dma_start3A_458 = tpu.memref_slice %arg6[%dma_start3A_456, %dma_start3A_457] : memref<10112x128xf32, #tpu.memory_space<vmem_shared>> -> memref<10112x128xf32, #tpu.memory_space<vmem_shared>>
        tpu.enqueue_indirect_dma source(%arg15 : memref<32x128xf32, #tpu.memory_space<vmem>>) target(%dma_start3A_458 : memref<10112x128xf32, #tpu.memory_space<vmem_shared>>) offsets(%dma_start3A_455 : memref<32xi32, #tpu.memory_space<vmem>>) semaphore(%arg33 : memref<!tpu.dma_semaphore, #tpu.memory_space<semaphore_mem>>) {add = true}
      } else {
      }
      %add3A_389 = arith.constant 1 : i32
      %add3A_390 = arith.addi %add3A_355, %add3A_389 : i32
      %lt3A_391 = arith.cmpi slt, %add3A_390, %min3A_295 : i32
      %convert_element_type3A_392 = arith.extui %lt3A_391 : i1 to i32
      %cond3A_393 = arith.constant 0 : i32
      %cond3A_394 = arith.cmpi ne, %convert_element_type3A_392, %cond3A_393 : i32
      scf.if %cond3A_394 {
        %add3A_443 = arith.constant 1 : i32
        %add3A_444 = arith.addi %add3A_355, %add3A_443 : i32
        %dma_wait3A_445 = arith.constant 96 : i32
        %dma_wait3A_446 = tpu.memref_slice %arg7[%add3A_444, %dma_wait3A_445] : memref<40x128xi32, #tpu.memory_space<vmem>> -> memref<1x32xi32, #tpu.memory_space<vmem>>
        %dma_wait3A_447 = tpu.memref_squeeze %dma_wait3A_446 : memref<1x32xi32, #tpu.memory_space<vmem>> -> memref<32xi32, #tpu.memory_space<vmem>>
        %dma_wait3A_448 = arith.constant 0 : i32
        %dma_wait3A_449 = arith.constant 0 : i32
        %dma_wait3A_450 = tpu.memref_slice %arg2[%dma_wait3A_448, %dma_wait3A_449] : memref<10000x128xf32, #tpu.memory_space<hbm>> -> memref<10000x128xf32, #tpu.memory_space<hbm>>
        tpu.wait_indirect_dma semaphore(%arg26 : memref<!tpu.dma_semaphore, #tpu.memory_space<semaphore_mem>>) src(%dma_wait3A_450 : memref<10000x128xf32, #tpu.memory_space<hbm>>) dst(%arg16 : memref<32x128xf32, #tpu.memory_space<vmem>>)
        %add3A_451 = arith.constant 1 : i32
        %add3A_452 = arith.addi %add3A_355, %add3A_451 : i32
        %dma_start3A_453 = arith.constant 96 : i32
        %dma_start3A_454 = tpu.memref_slice %arg8[%add3A_452, %dma_start3A_453] : memref<40x128xi32, #tpu.memory_space<vmem>> -> memref<1x32xi32, #tpu.memory_space<vmem>>
        %dma_start3A_455 = tpu.memref_squeeze %dma_start3A_454 : memref<1x32xi32, #tpu.memory_space<vmem>> -> memref<32xi32, #tpu.memory_space<vmem>>
        %dma_start3A_456 = arith.constant 0 : i32
        %dma_start3A_457 = arith.constant 0 : i32
        %dma_start3A_458 = tpu.memref_slice %arg6[%dma_start3A_456, %dma_start3A_457] : memref<10112x128xf32, #tpu.memory_space<vmem_shared>> -> memref<10112x128xf32, #tpu.memory_space<vmem_shared>>
        tpu.enqueue_indirect_dma source(%arg16 : memref<32x128xf32, #tpu.memory_space<vmem>>) target(%dma_start3A_458 : memref<10112x128xf32, #tpu.memory_space<vmem_shared>>) offsets(%dma_start3A_455 : memref<32xi32, #tpu.memory_space<vmem>>) semaphore(%arg34 : memref<!tpu.dma_semaphore, #tpu.memory_space<semaphore_mem>>) {add = true}
      } else {
      }
      %add3A_395 = arith.constant 0 : i32
      %add3A_396 = arith.addi %add3A_355, %add3A_395 : i32
      %lt3A_397 = arith.cmpi slt, %add3A_396, %min3A_295 : i32
      %convert_element_type3A_398 = arith.extui %lt3A_397 : i1 to i32
      %cond3A_399 = arith.constant 0 : i32
      %cond3A_400 = arith.cmpi ne, %convert_element_type3A_398, %cond3A_399 : i32
      scf.if %cond3A_400 {
        %add3A_443 = arith.constant 0 : i32
        %add3A_444 = arith.addi %add3A_355, %add3A_443 : i32
        %dma_wait3A_445 = arith.constant 0 : i32
        %dma_wait3A_446 = tpu.memref_slice %arg8[%add3A_444, %dma_wait3A_445] : memref<40x128xi32, #tpu.memory_space<vmem>> -> memref<1x32xi32, #tpu.memory_space<vmem>>
        %dma_wait3A_447 = tpu.memref_squeeze %dma_wait3A_446 : memref<1x32xi32, #tpu.memory_space<vmem>> -> memref<32xi32, #tpu.memory_space<vmem>>
        %dma_wait3A_448 = arith.constant 0 : i32
        %dma_wait3A_449 = arith.constant 0 : i32
        %dma_wait3A_450 = tpu.memref_slice %arg6[%dma_wait3A_448, %dma_wait3A_449] : memref<10112x128xf32, #tpu.memory_space<vmem_shared>> -> memref<10112x128xf32, #tpu.memory_space<vmem_shared>>
        tpu.wait_indirect_dma semaphore(%arg27 : memref<!tpu.dma_semaphore, #tpu.memory_space<semaphore_mem>>) src(%arg9 : memref<32x128xf32, #tpu.memory_space<vmem>>) dst(%dma_wait3A_450 : memref<10112x128xf32, #tpu.memory_space<vmem_shared>>)
        %add3A_451 = arith.constant 0 : i32
        %add3A_452 = arith.addi %add3A_355, %add3A_451 : i32
        %add3A_453 = arith.constant 2 : i32
        %add3A_454 = arith.addi %add3A_452, %add3A_453 : i32
        %lt3A_455 = arith.cmpi slt, %add3A_454, %min3A_295 : i32
        %convert_element_type3A_456 = arith.extui %lt3A_455 : i1 to i32
        %cond3A_457 = arith.constant 0 : i32
        %cond3A_458 = arith.cmpi ne, %convert_element_type3A_456, %cond3A_457 : i32
        scf.if %cond3A_458 {
          %add3A_459 = arith.constant 2 : i32
          %add3A_460 = arith.addi %add3A_355, %add3A_459 : i32
          %add3A_461 = arith.constant 0 : i32
          %add3A_462 = arith.addi %add3A_460, %add3A_461 : i32
          %dma_start3A_463 = arith.constant 0 : i32
          %dma_start3A_464 = tpu.memref_slice %arg7[%add3A_462, %dma_start3A_463] : memref<40x128xi32, #tpu.memory_space<vmem>> -> memref<1x32xi32, #tpu.memory_space<vmem>>
          %dma_start3A_465 = tpu.memref_squeeze %dma_start3A_464 : memref<1x32xi32, #tpu.memory_space<vmem>> -> memref<32xi32, #tpu.memory_space<vmem>>
          %dma_start3A_466 = arith.constant 0 : i32
          %dma_start3A_467 = arith.constant 0 : i32
          %dma_start3A_468 = tpu.memref_slice %arg2[%dma_start3A_466, %dma_start3A_467] : memref<10000x128xf32, #tpu.memory_space<hbm>> -> memref<10000x128xf32, #tpu.memory_space<hbm>>
          tpu.enqueue_indirect_dma source(%dma_start3A_468 : memref<10000x128xf32, #tpu.memory_space<hbm>>) target(%arg9 : memref<32x128xf32, #tpu.memory_space<vmem>>) offsets(%dma_start3A_465 : memref<32xi32, #tpu.memory_space<vmem>>) semaphore(%arg19 : memref<!tpu.dma_semaphore, #tpu.memory_space<semaphore_mem>>)
        } else {
        }
      } else {
      }
      %add3A_401 = arith.constant 0 : i32
      %add3A_402 = arith.addi %add3A_355, %add3A_401 : i32
      %lt3A_403 = arith.cmpi slt, %add3A_402, %min3A_295 : i32
      %convert_element_type3A_404 = arith.extui %lt3A_403 : i1 to i32
      %cond3A_405 = arith.constant 0 : i32
      %cond3A_406 = arith.cmpi ne, %convert_element_type3A_404, %cond3A_405 : i32
      scf.if %cond3A_406 {
        %add3A_443 = arith.constant 0 : i32
        %add3A_444 = arith.addi %add3A_355, %add3A_443 : i32
        %dma_wait3A_445 = arith.constant 32 : i32
        %dma_wait3A_446 = tpu.memref_slice %arg8[%add3A_444, %dma_wait3A_445] : memref<40x128xi32, #tpu.memory_space<vmem>> -> memref<1x32xi32, #tpu.memory_space<vmem>>
        %dma_wait3A_447 = tpu.memref_squeeze %dma_wait3A_446 : memref<1x32xi32, #tpu.memory_space<vmem>> -> memref<32xi32, #tpu.memory_space<vmem>>
        %dma_wait3A_448 = arith.constant 0 : i32
        %dma_wait3A_449 = arith.constant 0 : i32
        %dma_wait3A_450 = tpu.memref_slice %arg6[%dma_wait3A_448, %dma_wait3A_449] : memref<10112x128xf32, #tpu.memory_space<vmem_shared>> -> memref<10112x128xf32, #tpu.memory_space<vmem_shared>>
        tpu.wait_indirect_dma semaphore(%arg28 : memref<!tpu.dma_semaphore, #tpu.memory_space<semaphore_mem>>) src(%arg10 : memref<32x128xf32, #tpu.memory_space<vmem>>) dst(%dma_wait3A_450 : memref<10112x128xf32, #tpu.memory_space<vmem_shared>>)
        %add3A_451 = arith.constant 0 : i32
        %add3A_452 = arith.addi %add3A_355, %add3A_451 : i32
        %add3A_453 = arith.constant 2 : i32
        %add3A_454 = arith.addi %add3A_452, %add3A_453 : i32
        %lt3A_455 = arith.cmpi slt, %add3A_454, %min3A_295 : i32
        %convert_element_type3A_456 = arith.extui %lt3A_455 : i1 to i32
        %cond3A_457 = arith.constant 0 : i32
        %cond3A_458 = arith.cmpi ne, %convert_element_type3A_456, %cond3A_457 : i32
        scf.if %cond3A_458 {
          %add3A_459 = arith.constant 2 : i32
          %add3A_460 = arith.addi %add3A_355, %add3A_459 : i32
          %add3A_461 = arith.constant 0 : i32
          %add3A_462 = arith.addi %add3A_460, %add3A_461 : i32
          %dma_start3A_463 = arith.constant 32 : i32
          %dma_start3A_464 = tpu.memref_slice %arg7[%add3A_462, %dma_start3A_463] : memref<40x128xi32, #tpu.memory_space<vmem>> -> memref<1x32xi32, #tpu.memory_space<vmem>>
          %dma_start3A_465 = tpu.memref_squeeze %dma_start3A_464 : memref<1x32xi32, #tpu.memory_space<vmem>> -> memref<32xi32, #tpu.memory_space<vmem>>
          %dma_start3A_466 = arith.constant 0 : i32
          %dma_start3A_467 = arith.constant 0 : i32
          %dma_start3A_468 = tpu.memref_slice %arg2[%dma_start3A_466, %dma_start3A_467] : memref<10000x128xf32, #tpu.memory_space<hbm>> -> memref<10000x128xf32, #tpu.memory_space<hbm>>
          tpu.enqueue_indirect_dma source(%dma_start3A_468 : memref<10000x128xf32, #tpu.memory_space<hbm>>) target(%arg10 : memref<32x128xf32, #tpu.memory_space<vmem>>) offsets(%dma_start3A_465 : memref<32xi32, #tpu.memory_space<vmem>>) semaphore(%arg20 : memref<!tpu.dma_semaphore, #tpu.memory_space<semaphore_mem>>)
        } else {
        }
      } else {
      }
      %add3A_407 = arith.constant 0 : i32
      %add3A_408 = arith.addi %add3A_355, %add3A_407 : i32
      %lt3A_409 = arith.cmpi slt, %add3A_408, %min3A_295 : i32
      %convert_element_type3A_410 = arith.extui %lt3A_409 : i1 to i32
      %cond3A_411 = arith.constant 0 : i32
      %cond3A_412 = arith.cmpi ne, %convert_element_type3A_410, %cond3A_411 : i32
      scf.if %cond3A_412 {
        %add3A_443 = arith.constant 0 : i32
        %add3A_444 = arith.addi %add3A_355, %add3A_443 : i32
        %dma_wait3A_445 = arith.constant 64 : i32
        %dma_wait3A_446 = tpu.memref_slice %arg8[%add3A_444, %dma_wait3A_445] : memref<40x128xi32, #tpu.memory_space<vmem>> -> memref<1x32xi32, #tpu.memory_space<vmem>>
        %dma_wait3A_447 = tpu.memref_squeeze %dma_wait3A_446 : memref<1x32xi32, #tpu.memory_space<vmem>> -> memref<32xi32, #tpu.memory_space<vmem>>
        %dma_wait3A_448 = arith.constant 0 : i32
        %dma_wait3A_449 = arith.constant 0 : i32
        %dma_wait3A_450 = tpu.memref_slice %arg6[%dma_wait3A_448, %dma_wait3A_449] : memref<10112x128xf32, #tpu.memory_space<vmem_shared>> -> memref<10112x128xf32, #tpu.memory_space<vmem_shared>>
        tpu.wait_indirect_dma semaphore(%arg29 : memref<!tpu.dma_semaphore, #tpu.memory_space<semaphore_mem>>) src(%arg11 : memref<32x128xf32, #tpu.memory_space<vmem>>) dst(%dma_wait3A_450 : memref<10112x128xf32, #tpu.memory_space<vmem_shared>>)
        %add3A_451 = arith.constant 0 : i32
        %add3A_452 = arith.addi %add3A_355, %add3A_451 : i32
        %add3A_453 = arith.constant 2 : i32
        %add3A_454 = arith.addi %add3A_452, %add3A_453 : i32
        %lt3A_455 = arith.cmpi slt, %add3A_454, %min3A_295 : i32
        %convert_element_type3A_456 = arith.extui %lt3A_455 : i1 to i32
        %cond3A_457 = arith.constant 0 : i32
        %cond3A_458 = arith.cmpi ne, %convert_element_type3A_456, %cond3A_457 : i32
        scf.if %cond3A_458 {
          %add3A_459 = arith.constant 2 : i32
          %add3A_460 = arith.addi %add3A_355, %add3A_459 : i32
          %add3A_461 = arith.constant 0 : i32
          %add3A_462 = arith.addi %add3A_460, %add3A_461 : i32
          %dma_start3A_463 = arith.constant 64 : i32
          %dma_start3A_464 = tpu.memref_slice %arg7[%add3A_462, %dma_start3A_463] : memref<40x128xi32, #tpu.memory_space<vmem>> -> memref<1x32xi32, #tpu.memory_space<vmem>>
          %dma_start3A_465 = tpu.memref_squeeze %dma_start3A_464 : memref<1x32xi32, #tpu.memory_space<vmem>> -> memref<32xi32, #tpu.memory_space<vmem>>
          %dma_start3A_466 = arith.constant 0 : i32
          %dma_start3A_467 = arith.constant 0 : i32
          %dma_start3A_468 = tpu.memref_slice %arg2[%dma_start3A_466, %dma_start3A_467] : memref<10000x128xf32, #tpu.memory_space<hbm>> -> memref<10000x128xf32, #tpu.memory_space<hbm>>
          tpu.enqueue_indirect_dma source(%dma_start3A_468 : memref<10000x128xf32, #tpu.memory_space<hbm>>) target(%arg11 : memref<32x128xf32, #tpu.memory_space<vmem>>) offsets(%dma_start3A_465 : memref<32xi32, #tpu.memory_space<vmem>>) semaphore(%arg21 : memref<!tpu.dma_semaphore, #tpu.memory_space<semaphore_mem>>)
        } else {
        }
      } else {
      }
      %add3A_413 = arith.constant 0 : i32
      %add3A_414 = arith.addi %add3A_355, %add3A_413 : i32
      %lt3A_415 = arith.cmpi slt, %add3A_414, %min3A_295 : i32
      %convert_element_type3A_416 = arith.extui %lt3A_415 : i1 to i32
      %cond3A_417 = arith.constant 0 : i32
      %cond3A_418 = arith.cmpi ne, %convert_element_type3A_416, %cond3A_417 : i32
      scf.if %cond3A_418 {
        %add3A_443 = arith.constant 0 : i32
        %add3A_444 = arith.addi %add3A_355, %add3A_443 : i32
        %dma_wait3A_445 = arith.constant 96 : i32
        %dma_wait3A_446 = tpu.memref_slice %arg8[%add3A_444, %dma_wait3A_445] : memref<40x128xi32, #tpu.memory_space<vmem>> -> memref<1x32xi32, #tpu.memory_space<vmem>>
        %dma_wait3A_447 = tpu.memref_squeeze %dma_wait3A_446 : memref<1x32xi32, #tpu.memory_space<vmem>> -> memref<32xi32, #tpu.memory_space<vmem>>
        %dma_wait3A_448 = arith.constant 0 : i32
        %dma_wait3A_449 = arith.constant 0 : i32
        %dma_wait3A_450 = tpu.memref_slice %arg6[%dma_wait3A_448, %dma_wait3A_449] : memref<10112x128xf32, #tpu.memory_space<vmem_shared>> -> memref<10112x128xf32, #tpu.memory_space<vmem_shared>>
        tpu.wait_indirect_dma semaphore(%arg30 : memref<!tpu.dma_semaphore, #tpu.memory_space<semaphore_mem>>) src(%arg12 : memref<32x128xf32, #tpu.memory_space<vmem>>) dst(%dma_wait3A_450 : memref<10112x128xf32, #tpu.memory_space<vmem_shared>>)
        %add3A_451 = arith.constant 0 : i32
        %add3A_452 = arith.addi %add3A_355, %add3A_451 : i32
        %add3A_453 = arith.constant 2 : i32
        %add3A_454 = arith.addi %add3A_452, %add3A_453 : i32
        %lt3A_455 = arith.cmpi slt, %add3A_454, %min3A_295 : i32
        %convert_element_type3A_456 = arith.extui %lt3A_455 : i1 to i32
        %cond3A_457 = arith.constant 0 : i32
        %cond3A_458 = arith.cmpi ne, %convert_element_type3A_456, %cond3A_457 : i32
        scf.if %cond3A_458 {
          %add3A_459 = arith.constant 2 : i32
          %add3A_460 = arith.addi %add3A_355, %add3A_459 : i32
          %add3A_461 = arith.constant 0 : i32
          %add3A_462 = arith.addi %add3A_460, %add3A_461 : i32
          %dma_start3A_463 = arith.constant 96 : i32
          %dma_start3A_464 = tpu.memref_slice %arg7[%add3A_462, %dma_start3A_463] : memref<40x128xi32, #tpu.memory_space<vmem>> -> memref<1x32xi32, #tpu.memory_space<vmem>>
          %dma_start3A_465 = tpu.memref_squeeze %dma_start3A_464 : memref<1x32xi32, #tpu.memory_space<vmem>> -> memref<32xi32, #tpu.memory_space<vmem>>
          %dma_start3A_466 = arith.constant 0 : i32
          %dma_start3A_467 = arith.constant 0 : i32
          %dma_start3A_468 = tpu.memref_slice %arg2[%dma_start3A_466, %dma_start3A_467] : memref<10000x128xf32, #tpu.memory_space<hbm>> -> memref<10000x128xf32, #tpu.memory_space<hbm>>
          tpu.enqueue_indirect_dma source(%dma_start3A_468 : memref<10000x128xf32, #tpu.memory_space<hbm>>) target(%arg12 : memref<32x128xf32, #tpu.memory_space<vmem>>) offsets(%dma_start3A_465 : memref<32xi32, #tpu.memory_space<vmem>>) semaphore(%arg22 : memref<!tpu.dma_semaphore, #tpu.memory_space<semaphore_mem>>)
        } else {
        }
      } else {
      }
      %add3A_419 = arith.constant 1 : i32
      %add3A_420 = arith.addi %add3A_355, %add3A_419 : i32
      %lt3A_421 = arith.cmpi slt, %add3A_420, %min3A_295 : i32
      %convert_element_type3A_422 = arith.extui %lt3A_421 : i1 to i32
      %cond3A_423 = arith.constant 0 : i32
      %cond3A_424 = arith.cmpi ne, %convert_element_type3A_422, %cond3A_423 : i32
      scf.if %cond3A_424 {
        %add3A_443 = arith.constant 1 : i32
        %add3A_444 = arith.addi %add3A_355, %add3A_443 : i32
        %dma_wait3A_445 = arith.constant 0 : i32
        %dma_wait3A_446 = tpu.memref_slice %arg8[%add3A_444, %dma_wait3A_445] : memref<40x128xi32, #tpu.memory_space<vmem>> -> memref<1x32xi32, #tpu.memory_space<vmem>>
        %dma_wait3A_447 = tpu.memref_squeeze %dma_wait3A_446 : memref<1x32xi32, #tpu.memory_space<vmem>> -> memref<32xi32, #tpu.memory_space<vmem>>
        %dma_wait3A_448 = arith.constant 0 : i32
        %dma_wait3A_449 = arith.constant 0 : i32
        %dma_wait3A_450 = tpu.memref_slice %arg6[%dma_wait3A_448, %dma_wait3A_449] : memref<10112x128xf32, #tpu.memory_space<vmem_shared>> -> memref<10112x128xf32, #tpu.memory_space<vmem_shared>>
        tpu.wait_indirect_dma semaphore(%arg31 : memref<!tpu.dma_semaphore, #tpu.memory_space<semaphore_mem>>) src(%arg13 : memref<32x128xf32, #tpu.memory_space<vmem>>) dst(%dma_wait3A_450 : memref<10112x128xf32, #tpu.memory_space<vmem_shared>>)
        %add3A_451 = arith.constant 1 : i32
        %add3A_452 = arith.addi %add3A_355, %add3A_451 : i32
        %add3A_453 = arith.constant 2 : i32
        %add3A_454 = arith.addi %add3A_452, %add3A_453 : i32
        %lt3A_455 = arith.cmpi slt, %add3A_454, %min3A_295 : i32
        %convert_element_type3A_456 = arith.extui %lt3A_455 : i1 to i32
        %cond3A_457 = arith.constant 0 : i32
        %cond3A_458 = arith.cmpi ne, %convert_element_type3A_456, %cond3A_457 : i32
        scf.if %cond3A_458 {
          %add3A_459 = arith.constant 2 : i32
          %add3A_460 = arith.addi %add3A_355, %add3A_459 : i32
          %add3A_461 = arith.constant 1 : i32
          %add3A_462 = arith.addi %add3A_460, %add3A_461 : i32
          %dma_start3A_463 = arith.constant 0 : i32
          %dma_start3A_464 = tpu.memref_slice %arg7[%add3A_462, %dma_start3A_463] : memref<40x128xi32, #tpu.memory_space<vmem>> -> memref<1x32xi32, #tpu.memory_space<vmem>>
          %dma_start3A_465 = tpu.memref_squeeze %dma_start3A_464 : memref<1x32xi32, #tpu.memory_space<vmem>> -> memref<32xi32, #tpu.memory_space<vmem>>
          %dma_start3A_466 = arith.constant 0 : i32
          %dma_start3A_467 = arith.constant 0 : i32
          %dma_start3A_468 = tpu.memref_slice %arg2[%dma_start3A_466, %dma_start3A_467] : memref<10000x128xf32, #tpu.memory_space<hbm>> -> memref<10000x128xf32, #tpu.memory_space<hbm>>
          tpu.enqueue_indirect_dma source(%dma_start3A_468 : memref<10000x128xf32, #tpu.memory_space<hbm>>) target(%arg13 : memref<32x128xf32, #tpu.memory_space<vmem>>) offsets(%dma_start3A_465 : memref<32xi32, #tpu.memory_space<vmem>>) semaphore(%arg23 : memref<!tpu.dma_semaphore, #tpu.memory_space<semaphore_mem>>)
        } else {
        }
      } else {
      }
      %add3A_425 = arith.constant 1 : i32
      %add3A_426 = arith.addi %add3A_355, %add3A_425 : i32
      %lt3A_427 = arith.cmpi slt, %add3A_426, %min3A_295 : i32
      %convert_element_type3A_428 = arith.extui %lt3A_427 : i1 to i32
      %cond3A_429 = arith.constant 0 : i32
      %cond3A_430 = arith.cmpi ne, %convert_element_type3A_428, %cond3A_429 : i32
      scf.if %cond3A_430 {
        %add3A_443 = arith.constant 1 : i32
        %add3A_444 = arith.addi %add3A_355, %add3A_443 : i32
        %dma_wait3A_445 = arith.constant 32 : i32
        %dma_wait3A_446 = tpu.memref_slice %arg8[%add3A_444, %dma_wait3A_445] : memref<40x128xi32, #tpu.memory_space<vmem>> -> memref<1x32xi32, #tpu.memory_space<vmem>>
        %dma_wait3A_447 = tpu.memref_squeeze %dma_wait3A_446 : memref<1x32xi32, #tpu.memory_space<vmem>> -> memref<32xi32, #tpu.memory_space<vmem>>
        %dma_wait3A_448 = arith.constant 0 : i32
        %dma_wait3A_449 = arith.constant 0 : i32
        %dma_wait3A_450 = tpu.memref_slice %arg6[%dma_wait3A_448, %dma_wait3A_449] : memref<10112x128xf32, #tpu.memory_space<vmem_shared>> -> memref<10112x128xf32, #tpu.memory_space<vmem_shared>>
        tpu.wait_indirect_dma semaphore(%arg32 : memref<!tpu.dma_semaphore, #tpu.memory_space<semaphore_mem>>) src(%arg14 : memref<32x128xf32, #tpu.memory_space<vmem>>) dst(%dma_wait3A_450 : memref<10112x128xf32, #tpu.memory_space<vmem_shared>>)
        %add3A_451 = arith.constant 1 : i32
        %add3A_452 = arith.addi %add3A_355, %add3A_451 : i32
        %add3A_453 = arith.constant 2 : i32
        %add3A_454 = arith.addi %add3A_452, %add3A_453 : i32
        %lt3A_455 = arith.cmpi slt, %add3A_454, %min3A_295 : i32
        %convert_element_type3A_456 = arith.extui %lt3A_455 : i1 to i32
        %cond3A_457 = arith.constant 0 : i32
        %cond3A_458 = arith.cmpi ne, %convert_element_type3A_456, %cond3A_457 : i32
        scf.if %cond3A_458 {
          %add3A_459 = arith.constant 2 : i32
          %add3A_460 = arith.addi %add3A_355, %add3A_459 : i32
          %add3A_461 = arith.constant 1 : i32
          %add3A_462 = arith.addi %add3A_460, %add3A_461 : i32
          %dma_start3A_463 = arith.constant 32 : i32
          %dma_start3A_464 = tpu.memref_slice %arg7[%add3A_462, %dma_start3A_463] : memref<40x128xi32, #tpu.memory_space<vmem>> -> memref<1x32xi32, #tpu.memory_space<vmem>>
          %dma_start3A_465 = tpu.memref_squeeze %dma_start3A_464 : memref<1x32xi32, #tpu.memory_space<vmem>> -> memref<32xi32, #tpu.memory_space<vmem>>
          %dma_start3A_466 = arith.constant 0 : i32
          %dma_start3A_467 = arith.constant 0 : i32
          %dma_start3A_468 = tpu.memref_slice %arg2[%dma_start3A_466, %dma_start3A_467] : memref<10000x128xf32, #tpu.memory_space<hbm>> -> memref<10000x128xf32, #tpu.memory_space<hbm>>
          tpu.enqueue_indirect_dma source(%dma_start3A_468 : memref<10000x128xf32, #tpu.memory_space<hbm>>) target(%arg14 : memref<32x128xf32, #tpu.memory_space<vmem>>) offsets(%dma_start3A_465 : memref<32xi32, #tpu.memory_space<vmem>>) semaphore(%arg24 : memref<!tpu.dma_semaphore, #tpu.memory_space<semaphore_mem>>)
        } else {
        }
      } else {
      }
      %add3A_431 = arith.constant 1 : i32
      %add3A_432 = arith.addi %add3A_355, %add3A_431 : i32
      %lt3A_433 = arith.cmpi slt, %add3A_432, %min3A_295 : i32
      %convert_element_type3A_434 = arith.extui %lt3A_433 : i1 to i32
      %cond3A_435 = arith.constant 0 : i32
      %cond3A_436 = arith.cmpi ne, %convert_element_type3A_434, %cond3A_435 : i32
      scf.if %cond3A_436 {
        %add3A_443 = arith.constant 1 : i32
        %add3A_444 = arith.addi %add3A_355, %add3A_443 : i32
        %dma_wait3A_445 = arith.constant 64 : i32
        %dma_wait3A_446 = tpu.memref_slice %arg8[%add3A_444, %dma_wait3A_445] : memref<40x128xi32, #tpu.memory_space<vmem>> -> memref<1x32xi32, #tpu.memory_space<vmem>>
        %dma_wait3A_447 = tpu.memref_squeeze %dma_wait3A_446 : memref<1x32xi32, #tpu.memory_space<vmem>> -> memref<32xi32, #tpu.memory_space<vmem>>
        %dma_wait3A_448 = arith.constant 0 : i32
        %dma_wait3A_449 = arith.constant 0 : i32
        %dma_wait3A_450 = tpu.memref_slice %arg6[%dma_wait3A_448, %dma_wait3A_449] : memref<10112x128xf32, #tpu.memory_space<vmem_shared>> -> memref<10112x128xf32, #tpu.memory_space<vmem_shared>>
        tpu.wait_indirect_dma semaphore(%arg33 : memref<!tpu.dma_semaphore, #tpu.memory_space<semaphore_mem>>) src(%arg15 : memref<32x128xf32, #tpu.memory_space<vmem>>) dst(%dma_wait3A_450 : memref<10112x128xf32, #tpu.memory_space<vmem_shared>>)
        %add3A_451 = arith.constant 1 : i32
        %add3A_452 = arith.addi %add3A_355, %add3A_451 : i32
        %add3A_453 = arith.constant 2 : i32
        %add3A_454 = arith.addi %add3A_452, %add3A_453 : i32
        %lt3A_455 = arith.cmpi slt, %add3A_454, %min3A_295 : i32
        %convert_element_type3A_456 = arith.extui %lt3A_455 : i1 to i32
        %cond3A_457 = arith.constant 0 : i32
        %cond3A_458 = arith.cmpi ne, %convert_element_type3A_456, %cond3A_457 : i32
        scf.if %cond3A_458 {
          %add3A_459 = arith.constant 2 : i32
          %add3A_460 = arith.addi %add3A_355, %add3A_459 : i32
          %add3A_461 = arith.constant 1 : i32
          %add3A_462 = arith.addi %add3A_460, %add3A_461 : i32
          %dma_start3A_463 = arith.constant 64 : i32
          %dma_start3A_464 = tpu.memref_slice %arg7[%add3A_462, %dma_start3A_463] : memref<40x128xi32, #tpu.memory_space<vmem>> -> memref<1x32xi32, #tpu.memory_space<vmem>>
          %dma_start3A_465 = tpu.memref_squeeze %dma_start3A_464 : memref<1x32xi32, #tpu.memory_space<vmem>> -> memref<32xi32, #tpu.memory_space<vmem>>
          %dma_start3A_466 = arith.constant 0 : i32
          %dma_start3A_467 = arith.constant 0 : i32
          %dma_start3A_468 = tpu.memref_slice %arg2[%dma_start3A_466, %dma_start3A_467] : memref<10000x128xf32, #tpu.memory_space<hbm>> -> memref<10000x128xf32, #tpu.memory_space<hbm>>
          tpu.enqueue_indirect_dma source(%dma_start3A_468 : memref<10000x128xf32, #tpu.memory_space<hbm>>) target(%arg15 : memref<32x128xf32, #tpu.memory_space<vmem>>) offsets(%dma_start3A_465 : memref<32xi32, #tpu.memory_space<vmem>>) semaphore(%arg25 : memref<!tpu.dma_semaphore, #tpu.memory_space<semaphore_mem>>)
        } else {
        }
      } else {
      }
      %add3A_437 = arith.constant 1 : i32
      %add3A_438 = arith.addi %add3A_355, %add3A_437 : i32
      %lt3A_439 = arith.cmpi slt, %add3A_438, %min3A_295 : i32
      %convert_element_type3A_440 = arith.extui %lt3A_439 : i1 to i32
      %cond3A_441 = arith.constant 0 : i32
      %cond3A_442 = arith.cmpi ne, %convert_element_type3A_440, %cond3A_441 : i32
      scf.if %cond3A_442 {
        %add3A_443 = arith.constant 1 : i32
        %add3A_444 = arith.addi %add3A_355, %add3A_443 : i32
        %dma_wait3A_445 = arith.constant 96 : i32
        %dma_wait3A_446 = tpu.memref_slice %arg8[%add3A_444, %dma_wait3A_445] : memref<40x128xi32, #tpu.memory_space<vmem>> -> memref<1x32xi32, #tpu.memory_space<vmem>>
        %dma_wait3A_447 = tpu.memref_squeeze %dma_wait3A_446 : memref<1x32xi32, #tpu.memory_space<vmem>> -> memref<32xi32, #tpu.memory_space<vmem>>
        %dma_wait3A_448 = arith.constant 0 : i32
        %dma_wait3A_449 = arith.constant 0 : i32
        %dma_wait3A_450 = tpu.memref_slice %arg6[%dma_wait3A_448, %dma_wait3A_449] : memref<10112x128xf32, #tpu.memory_space<vmem_shared>> -> memref<10112x128xf32, #tpu.memory_space<vmem_shared>>
        tpu.wait_indirect_dma semaphore(%arg34 : memref<!tpu.dma_semaphore, #tpu.memory_space<semaphore_mem>>) src(%arg16 : memref<32x128xf32, #tpu.memory_space<vmem>>) dst(%dma_wait3A_450 : memref<10112x128xf32, #tpu.memory_space<vmem_shared>>)
        %add3A_451 = arith.constant 1 : i32
        %add3A_452 = arith.addi %add3A_355, %add3A_451 : i32
        %add3A_453 = arith.constant 2 : i32
        %add3A_454 = arith.addi %add3A_452, %add3A_453 : i32
        %lt3A_455 = arith.cmpi slt, %add3A_454, %min3A_295 : i32
        %convert_element_type3A_456 = arith.extui %lt3A_455 : i1 to i32
        %cond3A_457 = arith.constant 0 : i32
        %cond3A_458 = arith.cmpi ne, %convert_element_type3A_456, %cond3A_457 : i32
        scf.if %cond3A_458 {
          %add3A_459 = arith.constant 2 : i32
          %add3A_460 = arith.addi %add3A_355, %add3A_459 : i32
          %add3A_461 = arith.constant 1 : i32
          %add3A_462 = arith.addi %add3A_460, %add3A_461 : i32
          %dma_start3A_463 = arith.constant 96 : i32
          %dma_start3A_464 = tpu.memref_slice %arg7[%add3A_462, %dma_start3A_463] : memref<40x128xi32, #tpu.memory_space<vmem>> -> memref<1x32xi32, #tpu.memory_space<vmem>>
          %dma_start3A_465 = tpu.memref_squeeze %dma_start3A_464 : memref<1x32xi32, #tpu.memory_space<vmem>> -> memref<32xi32, #tpu.memory_space<vmem>>
          %dma_start3A_466 = arith.constant 0 : i32
          %dma_start3A_467 = arith.constant 0 : i32
          %dma_start3A_468 = tpu.memref_slice %arg2[%dma_start3A_466, %dma_start3A_467] : memref<10000x128xf32, #tpu.memory_space<hbm>> -> memref<10000x128xf32, #tpu.memory_space<hbm>>
          tpu.enqueue_indirect_dma source(%dma_start3A_468 : memref<10000x128xf32, #tpu.memory_space<hbm>>) target(%arg16 : memref<32x128xf32, #tpu.memory_space<vmem>>) offsets(%dma_start3A_465 : memref<32xi32, #tpu.memory_space<vmem>>) semaphore(%arg26 : memref<!tpu.dma_semaphore, #tpu.memory_space<semaphore_mem>>)
        } else {
        }
      } else {
      }
    }
    %scan3A_345 = arith.constant 20 : i32
    %barrier3A_346 = arith.constant 0 : index
    tpu.barrier barrier_id(%barrier3A_346)
    %mul3A_347 = arith.constant 632 : i32
    %mul3A_348 = arith.muli %arg1, %mul3A_347 : i32
    %mul3A_349 = arith.constant 632 : i32
    %mul3A_350 = arith.muli %arg1, %mul3A_349 : i32
    "tpu.region"() ({
      %run_scoped3A = tpu.sem_alloc : memref<!tpu.dma_semaphore, #tpu.memory_space<semaphore_mem>>
      %dma_start3A_351 = arith.constant 0 : i32
      %dma_start3A_352 = arith.constant 0 : i32
      %dma_start3A_353 = tpu.memref_slice %arg5[%arg0, %dma_start3A_351, %dma_start3A_352] : memref<2x10112x128xf32, #tpu.memory_space<hbm>> -> memref<1x10112x128xf32, #tpu.memory_space<hbm>>
      %dma_start3A_354 = tpu.memref_squeeze %dma_start3A_353 : memref<1x10112x128xf32, #tpu.memory_space<hbm>> -> memref<10112x128xf32, #tpu.memory_space<hbm>>
      %dma_start3A_355 = arith.constant 0 : i32
      %dma_start3A_356 = tpu.memref_slice %dma_start3A_354[%mul3A_350, %dma_start3A_355] : memref<10112x128xf32, #tpu.memory_space<hbm>> -> memref<632x128xf32, #tpu.memory_space<hbm>>
      %dma_start3A_357 = arith.constant 0 : i32
      %dma_start3A_358 = tpu.memref_slice %arg6[%mul3A_348, %dma_start3A_357] : memref<10112x128xf32, #tpu.memory_space<vmem_shared>> -> memref<632x128xf32, #tpu.memory_space<vmem_shared>>
      tpu.enqueue_dma source(%dma_start3A_358 : memref<632x128xf32, #tpu.memory_space<vmem_shared>>) target(%dma_start3A_356 : memref<632x128xf32, #tpu.memory_space<hbm>>) target_semaphore(%run_scoped3A : memref<!tpu.dma_semaphore, #tpu.memory_space<semaphore_mem>>)
      %dma_wait3A_359 = arith.constant 0 : i32
      %dma_wait3A_360 = arith.constant 0 : i32
      %dma_wait3A_361 = tpu.memref_slice %arg5[%arg0, %dma_wait3A_359, %dma_wait3A_360] : memref<2x10112x128xf32, #tpu.memory_space<hbm>> -> memref<1x10112x128xf32, #tpu.memory_space<hbm>>
      %dma_wait3A_362 = tpu.memref_squeeze %dma_wait3A_361 : memref<1x10112x128xf32, #tpu.memory_space<hbm>> -> memref<10112x128xf32, #tpu.memory_space<hbm>>
      %dma_wait3A_363 = arith.constant 0 : i32
      %dma_wait3A_364 = tpu.memref_slice %dma_wait3A_362[%mul3A_350, %dma_wait3A_363] : memref<10112x128xf32, #tpu.memory_space<hbm>> -> memref<632x128xf32, #tpu.memory_space<hbm>>
      %dma_wait3A_365 = arith.constant 0 : i32
      %dma_wait3A_366 = tpu.memref_slice %arg6[%mul3A_348, %dma_wait3A_365] : memref<10112x128xf32, #tpu.memory_space<vmem_shared>> -> memref<632x128xf32, #tpu.memory_space<vmem_shared>>
      tpu.wait_dma2 semaphore(%run_scoped3A : memref<!tpu.dma_semaphore, #tpu.memory_space<semaphore_mem>>) src(%dma_wait3A_366 : memref<632x128xf32, #tpu.memory_space<vmem_shared>>) dst(%dma_wait3A_364 : memref<632x128xf32, #tpu.memory_space<hbm>>)
      tpu.yield
    }) : () -> ()
    return
  }
}

module attributes {stable_mosaic.version = 14 : i64} {
  func.func @_combine_body(%arg0: i32, %arg1: memref<1x1000x128xf32, #tpu.memory_space<vmem>>, %arg2: memref<1x1000x128xf32, #tpu.memory_space<vmem>>, %arg3: memref<1x128xf32, #tpu.memory_space<vmem>>, %arg4: memref<1000x128xf32, #tpu.memory_space<vmem>>) attributes {dimension_semantics = [#tpu.dimension_semantics<arbitrary>], iteration_bounds = array<i64: 10>, scalar_prefetch = 0 : i64, scratch_operands = 0 : i64, tpu.core_type = #tpu.core_type<tc>, window_params = [{transform_indices = @transform_0, window_bounds = array<i64: 1, 1000, 128>}, {transform_indices = @transform_1, window_bounds = array<i64: 1, 1000, 128>}, {pipeline_mode = #tpu.pipeline_mode<synchronous>, transform_indices = @transform_2, window_bounds = array<i64: 1, 128>}, {transform_indices = @transform_3, window_bounds = array<i64: 1000, 128>}]} {
    %get3A = arith.constant 0 : index
    %get3A_0 = arith.constant 0 : index
    %get3A_1 = arith.constant 0 : index
    %get3A_2 = vector.load %arg1[%get3A, %get3A_0, %get3A_1] : memref<1x1000x128xf32, #tpu.memory_space<vmem>>, vector<1x1000x128xf32>
    %get3A_3 = vector.shape_cast %get3A_2 : vector<1x1000x128xf32> to vector<1000x128xf32>
    %get3A_4 = arith.constant 0 : index
    %get3A_5 = arith.constant 0 : index
    %get3A_6 = arith.constant 0 : index
    %get3A_7 = vector.load %arg2[%get3A_4, %get3A_5, %get3A_6] : memref<1x1000x128xf32, #tpu.memory_space<vmem>>, vector<1x1000x128xf32>
    %get3A_8 = vector.shape_cast %get3A_7 : vector<1x1000x128xf32> to vector<1000x128xf32>
    %add3A = arith.addf %get3A_3, %get3A_8 : vector<1000x128xf32>
    %get3A_9 = arith.constant 0 : index
    %get3A_10 = arith.constant 0 : index
    %get3A_11 = vector.load %arg3[%get3A_9, %get3A_10] : memref<1x128xf32, #tpu.memory_space<vmem>>, vector<1x128xf32>
    %mul3A = vector.broadcast %get3A_11 : vector<1x128xf32> to vector<1000x128xf32>
    %mul3A_12 = arith.mulf %add3A, %mul3A : vector<1000x128xf32>
    %swap3A = arith.constant 0 : index
    %swap3A_13 = arith.constant 0 : index
    %swap3A_14 = vector.load %arg4[%swap3A, %swap3A_13] : memref<1000x128xf32, #tpu.memory_space<vmem>>, vector<1000x128xf32>
    tpu.vector_store %arg4[%swap3A, %swap3A_13], %mul3A_12 {strides = array<i32>} : memref<1000x128xf32, #tpu.memory_space<vmem>>, vector<1000x128xf32>,
    return
  }
  func.func @transform_0(%arg0: i32) -> (i32, i32, i32) {
    %c0_i32 = arith.constant 0 : i32
    %c0_i32_0 = arith.constant 0 : i32
    %c0_i32_1 = arith.constant 0 : i32
    return %c0_i32, %arg0, %c0_i32_0 : i32, i32, i32
  }
  func.func @transform_1(%arg0: i32) -> (i32, i32, i32) {
    %c1_i32 = arith.constant 1 : i32
    %c0_i32 = arith.constant 0 : i32
    %c0_i32_0 = arith.constant 0 : i32
    return %c1_i32, %arg0, %c0_i32 : i32, i32, i32
  }
  func.func @transform_2(%arg0: i32) -> (i32, i32) {
    %c0_i32 = arith.constant 0 : i32
    %c0_i32_0 = arith.constant 0 : i32
    %c0_i32_1 = arith.constant 0 : i32
    return %c0_i32, %c0_i32_0 : i32, i32
  }
  func.func @transform_3(%arg0: i32) -> (i32, i32) {
    %c0_i32 = arith.constant 0 : i32
    %c0_i32_0 = arith.constant 0 : i32
    return %arg0, %c0_i32 : i32, i32
  }
}

</mosaic_0001>

<sc_bundles>
// kernel: kernel.4.cloned.1.call-start
scs
__scs_entry_jumppad:
0x0: {  	(pc) =	sbr.rel $0x88, $3  }
0x1: {  	(tag) =	ssettag $0x0;
	lr =	simm.s32 $0x1  }
0x2: {  	[smem:$0x3F9E] =	sst lr;
	_ =	strace $0xD0000000  }
0x3: {  	_ = 	snop  }
0x4: {  	_ = 	snop  }
0x5: {  	_ = 	snop  }
0x6: {  	_ = 	snop  }
0x7: {  	_ = 	snop  }
__scs_overlays_trampoline_lowered:
0x8: {  	[smem:$0x3FAD] =	sst s0  }
0x9: {  	[smem:$0x3FAE] =	sst s1  }
0xa: {  	[smem:$0x3FAF] =	sst s2  }
0xb: {  	[smem:$0x3FB0] =	sst s3  }
0xc: {  	[smem:$0x3FB1] =	sst s4  }
0xd: {  	[smem:$0x3FB2] =	sst s5  }
0xe: {  	[smem:$0x3FB3] =	sst s6  }
0xf: {  	[smem:$0x3FB4] =	sst s7  }
0x10: {  	[smem:$0x3FB5] =	sst s8  }
0x11: {  	[smem:$0x3FB6] =	sst s9;
	s0 =	simm.s32 @!p0 $0x0  }
0x12: {  	s1 =	sld [smem:$0x3F9C];
	s0 =	simm.s32 @p0 $0x1  }
0x13: {  	[smem:$0x3FB7] =	sst s0;
	s0 =	simm.s32 @!p1 $0x0  }
0x14: {  	s2 =	sld [smem:$0x3F9B];
	s0 =	simm.s32 @p1 $0x1  }
0x15: {  	[smem:$0x3FB8] =	sst s0;
	s0 =	simm.s32 @!p2 $0x0  }
0x16: {  	s3 =	sld [smem:$0x3FDB];
	s0 =	simm.s32 @p2 $0x1  }
0x17: {  	s4 =	simm.s32 $0x1BF5;
	[smem:$0x3FBA] =	sst s0  }
0x18: {  	s0 =	sld [smem:$0x3F9D];
	_ =	swait.ge [sflag:s4], $0x0  }
0x19: {  	s7 =	sld [smem:$0x3F9E]  }
0x1a: {  	s8 =	sadd.s32 $0xFFFFE003, lr  }
0x1b: {  	s9 =	sadd.s32 $0xFFFFFEF7, lr;
	s5 =	simm.s32 $0xFFFFFFFF;
	p2 =	slt.u32 s8, $0xFFFFF086  }
0x1c: {  	p1 =	slt.u32 s9, $0xF7A;
	s5 =	simm.s32 @!p2 $0x0  }
0x1d: {  	s5 =	simm.s32 @p1 $0x1;
	p0 =	seq.s32 s7, s2  }
0x1e: {  	s7 =	smul.u32 @!p0 $0xF7A, s2;
	p2 =	seq.s32 @!p0 s5, $0x0  }
0x1f: {  	s9 =	smul.u32 $0xF7A, s1;
	s8 =	simm.s32 @!p0 $0x1BF5;
	p2 =	por !p2, p0  }
0x20: {  	[sflag:s8] =	ssyncset.s32 @!p0 $0xFFFFF086;
	s6 =	sadd.s32 @!p0 s3, s7;
	s7 =	simm.s32 @!p0 $0x108  }
0x21: {  	s3 =	sadd.s32 s3, s9;
	s6 =	sadd.s32 @!p0 $0x88, s6;
	s7 =	simm.s32 @p2 $0x1082  }
0x22: {  	[simem:s7], [sflag:s8] =	dma.local @!p0 [hbm:s6], $0xF7A  }
0x23: {  	s9 =	sor.u32 $0xD0000000, s2;
	s6 =	simm.s32 $0x108;
	_ =	swait.ge @!p0 [sflag:s8], $0x0  }
0x24: {  	s3 =	sadd.s32 $0x88, s3;
	s6 =	simm.s32 @!p1 $0x1082;
	[sflag:s4] =	ssyncset.s32 $0xFFFFF086  }
0x25: {  	[simem:s6], [sflag:s4] =	dma.local [hbm:s3], $0xF7A  }
0x26: {  	[smem:$0x3F9E] =	sst s1;
	(tag) =	ssettag s2;
	_ =	strace s9  }
0x27: {  	s1 =	sld [smem:$0x3FAE]  }
0x28: {  	s2 =	sld [smem:$0x3FAF]  }
0x29: {  	s4 =	sld [smem:$0x3FB1]  }
0x2a: {  	p0 =	seq.s32 s5, $0x0;
	s5 =	sld [smem:$0x3FB2]  }
0x2b: {  	s6 =	sld [smem:$0x3FB3]  }
0x2c: {  	s7 =	sld [smem:$0x3FB4]  }
0x2d: {  	s3 =	simm.s32 $0x108;
	s8 =	sld [smem:$0x3FB5]  }
0x2e: {  	s3 =	simm.s32 @!p0 $0x1082;
	s9 =	sld [smem:$0x3FB6]  }
0x2f: {  	lr =	sadd.s32 s0, s3;
	s0 =	sld [smem:$0x3FAD]  }
0x30: {  	s3 =	sld [smem:$0x3FB0]  }
0x31: {  	[smem:$0x3FB9] =	sst s10  }
0x32: {  	s10 =	sld [smem:$0x3FB7];
	_ =	sdelay $0x3  }
0x33: {  	p0 =	seq.s32 s10, $0x1;
	s10 =	sld [smem:$0x3FB9];
	_ =	sdelay $0x3  }
0x34: {  	[smem:$0x3FB9] =	sst s10  }
0x35: {  	s10 =	sld [smem:$0x3FB8];
	_ =	sdelay $0x3  }
0x36: {  	p1 =	seq.s32 s10, $0x1;
	s10 =	sld [smem:$0x3FB9];
	_ =	sdelay $0x3  }
0x37: {  	[smem:$0x3FB9] =	sst s10  }
0x38: {  	s10 =	sld [smem:$0x3FBA]  }
0x39: {  	_ = 	snop;
	(pc) =	sbr.ind lr, $3  }
0x3a: {  	_ = 	snop  }
0x3b: {  	_ = 	snop  }
0x3c: {  	p2 =	seq.s32 s10, $0x1;
	s10 =	sld [smem:$0x3FB9]  }
0x3d: {  	_ =	shalt  }
0x3e: {  	_ =	shalt  }
0x3f: {  	_ =	shalt  }
0x40: {  	_ =	shalt  }
0x41: {  	_ =	shalt  }
0x42: {  	_ =	shalt  }
0x43: {  	_ =	shalt  }
0x44: {  	_ =	shalt  }
0x45: {  	_ =	shalt  }
0x46: {  	_ =	shalt  }
0x47: {  	_ =	shalt  }
0x48: {  	_ =	shalt  }
0x49: {  	_ =	shalt  }
0x4a: {  	_ =	shalt  }
0x4b: {  	_ =	shalt  }
0x4c: {  	_ =	shalt  }
0x4d: {  	_ =	shalt  }
0x4e: {  	_ =	shalt  }
0x4f: {  	_ =	shalt  }
0x50: {  	_ =	shalt  }
0x51: {  	_ =	shalt  }
0x52: {  	_ =	shalt  }
0x53: {  	_ =	shalt  }
0x54: {  	_ =	shalt  }
0x55: {  	_ =	shalt  }
0x56: {  	_ =	shalt  }
0x57: {  	_ =	shalt  }
0x58: {  	_ =	shalt  }
0x59: {  	_ =	shalt  }
0x5a: {  	_ =	shalt  }
0x5b: {  	_ =	shalt  }
0x5c: {  	_ =	shalt  }
0x5d: {  	_ =	shalt  }
0x5e: {  	_ =	shalt  }
0x5f: {  	_ =	shalt  }
0x60: {  	_ =	shalt  }
0x61: {  	_ =	shalt  }
0x62: {  	_ =	shalt  }
0x63: {  	_ =	shalt  }
0x64: {  	_ =	shalt  }
0x65: {  	_ =	shalt  }
0x66: {  	_ =	shalt  }
0x67: {  	_ =	shalt  }
0x68: {  	_ =	shalt  }
0x69: {  	_ =	shalt  }
0x6a: {  	_ =	shalt  }
0x6b: {  	_ =	shalt  }
0x6c: {  	_ =	shalt  }
0x6d: {  	_ =	shalt  }
0x6e: {  	_ =	shalt  }
0x6f: {  	_ =	shalt  }
0x70: {  	_ =	shalt  }
0x71: {  	_ =	shalt  }
0x72: {  	_ =	shalt  }
0x73: {  	_ =	shalt  }
0x74: {  	_ =	shalt  }
0x75: {  	_ =	shalt  }
0x76: {  	_ =	shalt  }
0x77: {  	_ =	shalt  }
0x78: {  	_ =	shalt  }
0x79: {  	_ =	shalt  }
0x7a: {  	_ =	shalt  }
0x7b: {  	_ =	shalt  }
0x7c: {  	_ =	shalt  }
0x7d: {  	_ =	shalt  }
0x7e: {  	_ =	shalt  }
0x7f: {  	_ =	shalt  }
0x80: {  	_ =	shalt  }
0x81: {  	_ =	shalt  }
0x82: {  	_ =	shalt  }
0x83: {  	_ =	shalt  }
0x84: {  	_ =	shalt  }
0x85: {  	_ =	shalt  }
0x86: {  	_ =	shalt  }
0x87: {  	_ =	shalt  }
.Lfunc_end0:
.L_simem_size_0:
called_computation_lowered:
.L_overlay_start_0:
0x88: {  	s2 =	sld [smem:$0x3FD9]  }
0x89: {  	s3 =	sld [smem:$0x3FFE];
	_ =	sdelay $0x1  }
0x8a: {  	s1 =	srdreg.scid  }
0x8b: {  	s0 =	sand.u32 $0x1, s1  }
0x8c: {  	s17 =	sshll.u32 s0, $0xA;
	s2 =	sadd.s32 s3, s2  }
0x8d: {  	s2 =	sadd.s32 s2, s17  }
0x8e: {  	[smem:$0x3FC5] =	sst s2  }
0x8f: {  	_ = 	snop  }
0x90: {  	s2 =	sld [smem:$0x3FC9]  }
0x91: {  	s18 =	sld [smem:$0x3FD0];
	(tm) =	ssettm $0x1  }
0x92: {  	s4 =	sld [smem:$0x3FFB];
	_ =	sdelay $0x3  }
0x93: {  	_ =	strace s4  }
0x94: {  	s4 =	sld [smem:$0x3FFC];
	_ =	sdelay $0x3  }
0x95: {  	_ =	strace s4  }
0x96: {  	s4 =	sld [smem:$0x3FFD];
	_ =	sdelay $0x3  }
0x97: {  	_ =	strace s4  }
0x98: {  	_ =	strace $0x8FFFFFFF  }
0x99: {  	s19 =	sld [smem:$0x3FDB];
	_ =	sdelay $0x1  }
0x9a: {  	s5 =	simm.s32 $_scs_section_size  }
0x9b: {  	s6 =	simm.s32 $_size__tile_overlayer_lowered;
	s7 =	simm.s32 $_tile_overlayer_lowered  }
0x9c: {  	s22 =	simm.s32 $0x1BFF;
	s21 =	sshll.u32 s7, $0x1;
	s4 =	sadd.s32 s5, s19  }
0x9d: {  	s8 =	simm.s32 $0x0;
	s20 =	sshll.u32 s6, $0x1;
	s6 =	sadd.s32 s21, s4  }
0x9e: {  	[timem:s8], [sflag:s22] =	dma.local [hbm:s6], s20  }
0x9f: {  	_ =	swait.ge [sflag:s22], s20  }
0xa0: {  	s5 =	ssub.s32 $0x0, s20;
	[sflag:s22] =	ssyncset.done $0x0  }
0xa1: {  	[sflag:s22] =	ssyncadd.s32 s5;
	_ =	sdelay $0x1  }
0xa2: {  	s23 =	simm.s32 $0x1B8B  }
0xa3: {  	_ =	swait.ge [sflag:s23], $0x1  }
0xa4: {  	[sflag:s23] =	ssyncset.done $0x0  }
0xa5: {  	s25 =	simm.s32 $0x1B8E;
	s24 =	sld [smem:$0x3FFE];
	[sflag:s23] =	ssyncadd.s32 $0xFFFFFFFF  }
0xa6: {  	s26 =	simm.s32 $execute0_lowered;
	[smem:$0x3FD2] =	sst s25  }
0xa7: {  	s6 =	sshll.u32 s26, $0x1;
	_ =	strace $0x80000046;
	[dreg:$0x1] =	wrdreg $0xFFFFFFFF  }
0xa8: {  	s28 =	simm.s32 $_size_execute0_lowered;
	s4 =	sadd.s32 s4, s6;
	[dreg:$0x0] =	wrdreg $0x0  }
0xa9: {  	s6 =	sshll.u32 s28, $0x1;
	[dreg:$0x2] =	wrdreg s4  }
0xaa: {  	[dreg:$0x3] =	wrdreg s6  }
0xab: {  	[dreg:$0x4] =	wrdreg $0xC0  }
0xac: {  	_ =	task [dreg:s8], $0x5FFFF  }
0xad: {  	[dreg:$0x1] =	wrdreg $0xFFFFFFFF  }
0xae: {  	[dreg:$0x0] =	wrdreg $0x60  }
0xaf: {  	[dreg:$0x2] =	wrdreg s2  }
0xb0: {  	[dreg:$0x3] =	wrdreg s24  }
0xb1: {  	[dreg:$0x4] =	wrdreg s18  }
0xb2: {  	[dreg:$0x5] =	wrdreg $0x0  }
0xb3: {  	[dreg:$0x6] =	wrdreg $0x9  }
0xb4: {  	_ =	task.clear_ibuf [dreg:s8], $0x7FFFF;
	_ =	strace $0x90000046  }
0xb5: {  	s29 =	simm.s32 $0x9;
	_ =	strace $0x80000048  }
0xb6: {  	_ =	swait.ge [sflag:s29], $0x1  }
0xb7: {  	[sflag:s29] =	ssyncadd.s32 $0xFFFFFFFF  }
0xb8: {  	_ =	strace $0x90000048  }
0xb9: {  	_ =	sfence  }
0xba: {  	s30 =	sld [smem:$0x0];
	_ =	sdelay $0x2  }
0xbb: {  	s31 =	sshll.u32 s1, $0xD;
	s1 =	sshrl.u32 s1, $0x2  }
0xbc: {  	s3 =	sand.u32 $0x4000, s31;
	s1 =	sadd.s32 s1, s30  }
0xbd: {  	s0 =	sor.u32 s3, s0;
	s1 =	sshll.u32 s1, $0x11  }
0xbe: {  	s0 =	sor.u32 s1, s0  }
0xbf: {  	s0 =	sadd.s32 $0x8F2B, s0  }
0xc0: {  	[sflag:s0] =	ssyncadd.remote.s32 $0x1  }
0xc1: {  	_ =	sfence.sel $0xFFFF  }
0xc2: {  	[dreg:$0x0] =	wrdreg $0xFFFFFFFF;
	(pc) =	sbr.abs _section_cstart, $3  }
0xc3: {  	[dreg:$0x1] =	wrdreg $0xFFFFFFFF  }
0xc4: {  	_ =	task.clear_ibuf [dreg:s8], $0x2FFFF;
	_ =	strace $0x9FFFFFFF  }
0xc5: {  	(tm) =	ssettm $0x7FFFFFFF  }
tec
execute0_lowered:
.L_overlay_start_1:
0x0: {  	(tag) =	ssettag $0x1  }
0x1: {  	s1 =	rddreg [dreg:$0x0]  }
0x2: {  	s4 =	simm.s32 $0x0;
	s24 =	srdreg.scid;
	s10 =	stileid.u32  }
0x3: {  	[smem:$0x7FF] =	sst s4;
	s4 =	sand.u32 $0x1, s24;
	s25 =	smul.u32 $0x4F000, s10  }
0x4: {  	s0 =	rddreg [dreg:$0x1];
	s7 =	sshll.u32 s4, $0x4  }
0x5: {  	s2 =	rddreg [dreg:$0x3];
	s8 =	sor.u32 s10, s7;
	s7 =	sshrl.u32 s25, $0x2  }
0x6: {  	s3 =	rddreg [dreg:$0x2];
	s5 =	sadd.s32 $0x200, s0;
	s7 =	sadd.s32 s7, s2  }
0x7: {  	_ =	strace $0x80000047;
	s29 =	sadd.s32 $0x1000, s7;
	[dreg:$0x7] =	wrdreg s7  }
0x8: {  	s6 =	smul.u32 $0x27800, s4;
	s30 =	sadd.s32 $0x2000, s7;
	[dreg:$0x8] =	wrdreg s29  }
0x9: {  	s4 =	ssub.s32 $0x2, s4;
	s31 =	sadd.s32 $0x3000, s7;
	[dreg:$0x9] =	wrdreg s30  }
0xa: {  	s26 =	sshrl.u32 s4, $0x1;
	s12 =	sadd.s32 $0x5000, s7;
	[dreg:$0xa] =	wrdreg s31  }
0xb: {  	s10 =	smul.u32 $0x2780, s10;
	s13 =	sadd.s32 $0x6000, s7;
	[dreg:$0xc] =	wrdreg s12  }
0xc: {  	s0 =	sadd.s32 s6, s0;
	s14 =	sadd.s32 $0x7000, s7;
	[dreg:$0xd] =	wrdreg s13  }
0xd: {  	s9 =	smul.u32 $0x500, s8;
	s15 =	sadd.s32 $0x8000, s7;
	[dreg:$0xe] =	wrdreg s14  }
0xe: {  	s4 =	ssub.s32 s4, s26;
	s16 =	sadd.s32 $0x9000, s7;
	[dreg:$0xf] =	wrdreg s15  }
0xf: {  	s28 =	smul.u32 $0x50, s8;
	s17 =	sadd.s32 $0xA000, s7;
	[dreg:$0x10] =	wrdreg s16  }
0x10: {  	s8 =	smul.u32 $0x2800, s8;
	s18 =	sadd.s32 $0xB000, s7;
	[dreg:$0x11] =	wrdreg s17  }
0x11: {  	s0 =	sadd.s32 $0xA200, s0;
	s19 =	sadd.s32 $0xC000, s7;
	[dreg:$0x14] =	wrdreg s18  }
0x12: {  	s21 =	smax.u32 s4, $0x1;
	s22 =	sadd.s32 $0xD000, s7;
	[dreg:$0x16] =	wrdreg s19  }
0x13: {  	s25 =	sadd.s32 $0xE000, s7;
	s26 =	sadd.s32 $0xF000, s7;
	[dreg:$0x17] =	wrdreg s21  }
0x14: {  	s4 =	simm.s32 $0x13C00;
	s11 =	sadd.s32 s5, s9;
	[dreg:$0x18] =	wrdreg s22  }
0x15: {  	s9 =	sadd.s32 s3, s9;
	s8 =	sshrl.u32 s8, $0x3;
	[dreg:$0x19] =	wrdreg s25  }
0x16: {  	s0 =	sadd.s32 s10, s0;
	s20 =	ssub.s32 $0x9C4, s28;
	[dreg:$0x1a] =	wrdreg s26  }
0x17: {  	s29 =	sadd.s32 $0x11000, s7;
	s30 =	sadd.s32 $0x12000, s7;
	s31 =	sadd.s32 $0x13000, s7  }
0x18: {  	s10 =	simm.s32 $0x3;
	s12 =	simm.s32 $0x5;
	[dreg:$0x5] =	wrdreg s11  }
0x19: {  	s15 =	simm.s32 $0x8;
	s16 =	simm.s32 $0x9;
	[dreg:$0x6] =	wrdreg s9  }
0x1a: {  	s17 =	simm.s32 $0xA;
	s22 =	simm.s32 $0x0;
	[dreg:$0x15] =	wrdreg s0  }
0x1b: {  	s11 =	sadd.s32 $0x4000, s7;
	s9 =	ssub.s32 $0x99C, s28;
	[dreg:$0x1c] =	wrdreg s29  }
0x1c: {  	s8 =	sadd.s32 $0x280, s8;
	s23 =	smin.u32 s20, $0x28;
	[dreg:$0x1d] =	wrdreg s30  }
0x1d: {  	s28 =	sadd.s32 $0x10000, s7;
	[dreg:$0x1e] =	wrdreg s31;
	p0 =	sgt.s32 s9, $0x0  }
0x1e: {  	s20 =	simm.s32 $0x20;
	[dreg:$0xb] =	wrdreg s11;
	s9 =	simm.s32 @!p0 $0x0  }
0x1f: {  	s5 =	sadd.s32 s5, s8;
	[dreg:$0x1b] =	wrdreg s28;
	p0 =	seq.s32 s9, $0x0  }
0x20: {  	s3 =	sadd.s32 s3, s8;
	[dreg:$0x12] =	wrdreg s5;
	s0 =	simm.s32 @!p0 $0x0  }
0x21: {  	s11 =	simm.s32 $0x4;
	[dreg:$0x13] =	wrdreg s3;
	s0 =	simm.s32 @p0 $0x1  }
0x22: {  	v0 =	vimm.f32 $0.0e+00;
	s5 =	simm.s32 $0x16400;
	s24 =	smin.u32 s9, $0x28;
	[smem:$0x7FD] =	sst s0  }
.LBB2_1:
0x23: {  	s0 =	simm.s32 $0x0;
	s3 =	rddreg [dreg:$0x5]  }
0x24: {  	[tilespmem:s4], [sflag:$0x1] =	stream.linear.gather [hbm4b:s3+s0], $0x1400, $0x38;
	[tilespmem:$0x1E400] =	vst v63  }
0x25: {  	s31 =	rddreg [dreg:$0x6];
	s6 =	simm.s32 $0x15000  }
0x26: {  	[tilespmem:s6], [sflag:$0x2] =	stream.linear.gather [hbm4b:s31+s0], $0x1400, $0x38;
	[tilespmem:$0x1E400] =	vst v63  }
0x27: {  	s3 =	simm.s32 $0x200;
	s0 =	simm.s32 $0x0  }
.LBB2_2:
0x28: {  	p0 =	sne.s32 s3, $0x3E00;
	[tilespmem:s0+$0x19470] =	vst v0  }
0x29: {  	[tilespmem:s0+$0x16400] =	vst v0  }
0x2a: {  	[tilespmem:s0+$0x16410] =	vst v0  }
0x2b: {  	[tilespmem:s0+$0x16420] =	vst v0  }
0x2c: {  	[tilespmem:s0+$0x16430] =	vst v0  }
0x2d: {  	[tilespmem:s0+$0x16440] =	vst v0  }
0x2e: {  	[tilespmem:s0+$0x16450] =	vst v0  }
0x2f: {  	[tilespmem:s0+$0x16460] =	vst v0  }
0x30: {  	[tilespmem:s0+$0x16470] =	vst v0  }
0x31: {  	[tilespmem:s0+$0x17400] =	vst v0  }
0x32: {  	[tilespmem:s0+$0x17410] =	vst v0  }
0x33: {  	[tilespmem:s0+$0x17420] =	vst v0  }
0x34: {  	[tilespmem:s0+$0x17430] =	vst v0  }
0x35: {  	[tilespmem:s0+$0x17440] =	vst v0  }
0x36: {  	[tilespmem:s0+$0x17450] =	vst v0  }
0x37: {  	[tilespmem:s0+$0x17460] =	vst v0  }
0x38: {  	[tilespmem:s0+$0x17470] =	vst v0  }
0x39: {  	[tilespmem:s0+$0x18400] =	vst v0  }
0x3a: {  	[tilespmem:s0+$0x18410] =	vst v0  }
0x3b: {  	[tilespmem:s0+$0x18420] =	vst v0  }
0x3c: {  	[tilespmem:s0+$0x18430] =	vst v0  }
0x3d: {  	[tilespmem:s0+$0x18440] =	vst v0  }
0x3e: {  	[tilespmem:s0+$0x18450] =	vst v0  }
0x3f: {  	[tilespmem:s0+$0x18460] =	vst v0  }
0x40: {  	[tilespmem:s0+$0x18470] =	vst v0  }
0x41: {  	[tilespmem:s0+$0x19400] =	vst v0  }
0x42: {  	[tilespmem:s0+$0x19410] =	vst v0  }
.Ltmp0:
0x43: {  	[tilespmem:s0+$0x19420] =	vst v0;
	(pc) =	sbr.rel @p0 .LBB2_2-.Ltmp0, $4  }
0x44: {  	[tilespmem:s0+$0x19430] =	vst v0  }
0x45: {  	[tilespmem:s0+$0x19440] =	vst v0  }
0x46: {  	[tilespmem:s0+$0x19450] =	vst v0  }
0x47: {  	[tilespmem:s0+$0x19460] =	vst v0;
	s0 =	sshra.s32 s3, $0x2;
	s3 =	sadd.s32 $0x200, s3  }
0x48: {  	[tilespmem:s0+$0x19470] =	vst v0  }
0x49: {  	[tilespmem:s0+$0x16400] =	vst v0  }
0x4a: {  	[tilespmem:s0+$0x16410] =	vst v0  }
0x4b: {  	[tilespmem:s0+$0x16420] =	vst v0  }
0x4c: {  	[tilespmem:s0+$0x16430] =	vst v0  }
0x4d: {  	[tilespmem:s0+$0x16440] =	vst v0  }
0x4e: {  	[tilespmem:s0+$0x16450] =	vst v0  }
0x4f: {  	[tilespmem:s0+$0x16460] =	vst v0  }
0x50: {  	[tilespmem:s0+$0x16470] =	vst v0  }
0x51: {  	[tilespmem:s0+$0x17400] =	vst v0  }
0x52: {  	[tilespmem:s0+$0x17410] =	vst v0  }
0x53: {  	[tilespmem:s0+$0x17420] =	vst v0  }
0x54: {  	[tilespmem:s0+$0x17430] =	vst v0  }
0x55: {  	[tilespmem:s0+$0x17440] =	vst v0  }
0x56: {  	[tilespmem:s0+$0x17450] =	vst v0  }
0x57: {  	[tilespmem:s0+$0x17460] =	vst v0  }
0x58: {  	[tilespmem:s0+$0x17470] =	vst v0  }
0x59: {  	[tilespmem:s0+$0x18400] =	vst v0  }
0x5a: {  	[tilespmem:s0+$0x18410] =	vst v0  }
0x5b: {  	[tilespmem:s0+$0x18420] =	vst v0  }
0x5c: {  	[tilespmem:s0+$0x18430] =	vst v0  }
0x5d: {  	[tilespmem:s0+$0x18440] =	vst v0  }
0x5e: {  	[tilespmem:s0+$0x18450] =	vst v0  }
0x5f: {  	[tilespmem:s0+$0x18460] =	vst v0  }
0x60: {  	[tilespmem:s0+$0x18470] =	vst v0  }
0x61: {  	[tilespmem:s0+$0x19400] =	vst v0  }
0x62: {  	[tilespmem:s0+$0x19410] =	vst v0  }
0x63: {  	[tilespmem:s0+$0x19420] =	vst v0  }
0x64: {  	[tilespmem:s0+$0x19430] =	vst v0  }
0x65: {  	[tilespmem:s0+$0x19440] =	vst v0  }
0x66: {  	[tilespmem:s0+$0x19450] =	vst v0  }
0x67: {  	[tilespmem:s0+$0x19460] =	vst v0  }
0x68: {  	[spmem:s7] =	stream.linear.scatter [tilespmem:s5], [sflag:$0x3], $0x1000, $0x38;
	[tilespmem:$0x1E400] =	vst v63  }
0x69: {  	s14 =	rddreg [dreg:$0x8];
	s3 =	simm.s32 $0x17400  }
0x6a: {  	[spmem:s14] =	stream.linear.scatter [tilespmem:s3], [sflag:$0x4], $0x1000, $0x38;
	[tilespmem:$0x1E400] =	vst v63  }
0x6b: {  	s18 =	rddreg [dreg:$0x9];
	s6 =	simm.s32 $0x18400  }
0x6c: {  	[spmem:s18] =	stream.linear.scatter [tilespmem:s6], [sflag:$0x5], $0x1000, $0x38;
	[tilespmem:$0x1E400] =	vst v63  }
0x6d: {  	s19 =	rddreg [dreg:$0xa];
	s7 =	simm.s32 $0x19400  }
0x6e: {  	[spmem:s19] =	stream.linear.scatter [tilespmem:s7], [sflag:$0x6], $0x1000, $0x38;
	[tilespmem:$0x1E400] =	vst v63  }
0x6f: {  	s21 =	rddreg [dreg:$0xb]  }
0x70: {  	[spmem:s21] =	stream.linear.scatter [tilespmem:s5], [sflag:$0x7], $0x1000, $0x38;
	[tilespmem:$0x1E400] =	vst v63  }
0x71: {  	s25 =	rddreg [dreg:$0xc]  }
0x72: {  	[spmem:s25] =	stream.linear.scatter [tilespmem:s3], [sflag:$0x8], $0x1000, $0x38;
	[tilespmem:$0x1E400] =	vst v63  }
0x73: {  	s26 =	rddreg [dreg:$0xd]  }
0x74: {  	[spmem:s26] =	stream.linear.scatter [tilespmem:s6], [sflag:$0x9], $0x1000, $0x38;
	[tilespmem:$0x1E400] =	vst v63  }
0x75: {  	s8 =	rddreg [dreg:$0xe]  }
0x76: {  	[spmem:s8] =	stream.linear.scatter [tilespmem:s7], [sflag:$0xA], $0x1000, $0x38;
	[tilespmem:$0x1E400] =	vst v63  }
0x77: {  	s9 =	rddreg [dreg:$0xf]  }
0x78: {  	[spmem:s9] =	stream.linear.scatter [tilespmem:s5], [sflag:$0x3], $0x1000, $0x38;
	[tilespmem:$0x1E400] =	vst v63  }
0x79: {  	s13 =	rddreg [dreg:$0x10]  }
0x7a: {  	[spmem:s13] =	stream.linear.scatter [tilespmem:s3], [sflag:$0x4], $0x1000, $0x38;
	[tilespmem:$0x1E400] =	vst v63  }
0x7b: {  	s14 =	rddreg [dreg:$0x11]  }
0x7c: {  	[spmem:s14] =	stream.linear.scatter [tilespmem:s6], [sflag:$0x5], $0x1000, $0x38;
	[tilespmem:$0x1E400] =	vst v63  }
0x7d: {  	s18 =	rddreg [dreg:$0x14]  }
0x7e: {  	[spmem:s18] =	stream.linear.scatter [tilespmem:s7], [sflag:$0x6], $0x1000, $0x38;
	[tilespmem:$0x1E400] =	vst v63  }
0x7f: {  	s19 =	rddreg [dreg:$0x16]  }
0x80: {  	[spmem:s19] =	stream.linear.scatter [tilespmem:s5], [sflag:$0x7], $0x1000, $0x38;
	[tilespmem:$0x1E400] =	vst v63  }
0x81: {  	s21 =	rddreg [dreg:$0x18]  }
0x82: {  	[spmem:s21] =	stream.linear.scatter [tilespmem:s3], [sflag:$0x8], $0x1000, $0x38;
	[tilespmem:$0x1E400] =	vst v63  }
0x83: {  	s25 =	rddreg [dreg:$0x19]  }
0x84: {  	[spmem:s25] =	stream.linear.scatter [tilespmem:s6], [sflag:$0x9], $0x1000, $0x38;
	[tilespmem:$0x1E400] =	vst v63  }
0x85: {  	s26 =	rddreg [dreg:$0x1a]  }
0x86: {  	[spmem:s26] =	stream.linear.scatter [tilespmem:s7], [sflag:$0xA], $0x1000, $0x38;
	[tilespmem:$0x1E400] =	vst v63  }
0x87: {  	s8 =	rddreg [dreg:$0x1b]  }
0x88: {  	[spmem:s8] =	stream.linear.scatter [tilespmem:s5], [sflag:$0x3], $0x1000, $0x38;
	[tilespmem:$0x1E400] =	vst v63  }
0x89: {  	s9 =	rddreg [dreg:$0x1c]  }
0x8a: {  	[spmem:s9] =	stream.linear.scatter [tilespmem:s3], [sflag:$0x4], $0x1000, $0x38;
	[tilespmem:$0x1E400] =	vst v63  }
0x8b: {  	s13 =	rddreg [dreg:$0x1d]  }
0x8c: {  	[spmem:s13] =	stream.linear.scatter [tilespmem:s6], [sflag:$0x5], $0x1000, $0x38;
	[tilespmem:$0x1E400] =	vst v63  }
0x8d: {  	s14 =	rddreg [dreg:$0x1e]  }
0x8e: {  	[spmem:s14] =	stream.linear.scatter [tilespmem:s5], [sflag:$0xB], $0xC00, $0x38;
	[tilespmem:$0x1E400] =	vst v63  }
0x8f: {  	_ =	swait.ge [sflag:s10], $0x1000  }
0x90: {  	[sflag:s10] =	ssyncset.done $0x0  }
0x91: {  	[sflag:s10] =	ssyncadd.s32 $0xFFFFF000  }
0x92: {  	_ =	swait.ge [sflag:s11], $0x1000  }
0x93: {  	[sflag:s11] =	ssyncset.done $0x0  }
0x94: {  	[sflag:s11] =	ssyncadd.s32 $0xFFFFF000  }
0x95: {  	_ =	swait.ge [sflag:s12], $0x1000  }
0x96: {  	[sflag:s12] =	ssyncset.done $0x0  }
0x97: {  	s18 =	simm.s32 $0x6;
	[sflag:s12] =	ssyncadd.s32 $0xFFFFF000  }
0x98: {  	_ =	swait.ge [sflag:s18], $0x1000  }
0x99: {  	[sflag:s18] =	ssyncset.done $0x0  }
0x9a: {  	s8 =	simm.s32 $0x7;
	[sflag:s18] =	ssyncadd.s32 $0xFFFFF000  }
0x9b: {  	_ =	swait.ge [sflag:s8], $0x1000  }
0x9c: {  	[sflag:s8] =	ssyncset.done $0x0  }
0x9d: {  	[sflag:s8] =	ssyncadd.s32 $0xFFFFF000  }
0x9e: {  	_ =	swait.ge [sflag:s15], $0x1000  }
0x9f: {  	[sflag:s15] =	ssyncset.done $0x0  }
0xa0: {  	[sflag:s15] =	ssyncadd.s32 $0xFFFFF000  }
0xa1: {  	_ =	swait.ge [sflag:s16], $0x1000  }
0xa2: {  	[sflag:s16] =	ssyncset.done $0x0  }
0xa3: {  	[sflag:s16] =	ssyncadd.s32 $0xFFFFF000  }
0xa4: {  	_ =	swait.ge [sflag:s17], $0x1000  }
0xa5: {  	[sflag:s17] =	ssyncset.done $0x0  }
0xa6: {  	[sflag:s17] =	ssyncadd.s32 $0xFFFFF000  }
0xa7: {  	_ =	swait.ge [sflag:s10], $0x1000  }
0xa8: {  	[sflag:s10] =	ssyncset.done $0x0  }
0xa9: {  	[sflag:s10] =	ssyncadd.s32 $0xFFFFF000  }
0xaa: {  	_ =	swait.ge [sflag:s11], $0x1000  }
0xab: {  	[sflag:s11] =	ssyncset.done $0x0  }
0xac: {  	[sflag:s11] =	ssyncadd.s32 $0xFFFFF000  }
0xad: {  	_ =	swait.ge [sflag:s12], $0x1000  }
0xae: {  	[sflag:s12] =	ssyncset.done $0x0  }
0xaf: {  	[sflag:s12] =	ssyncadd.s32 $0xFFFFF000  }
0xb0: {  	_ =	swait.ge [sflag:s18], $0x1000  }
0xb1: {  	[sflag:s18] =	ssyncset.done $0x0  }
0xb2: {  	[sflag:s18] =	ssyncadd.s32 $0xFFFFF000  }
0xb3: {  	_ =	swait.ge [sflag:s8], $0x1000  }
0xb4: {  	[sflag:s8] =	ssyncset.done $0x0  }
0xb5: {  	[sflag:s8] =	ssyncadd.s32 $0xFFFFF000  }
0xb6: {  	_ =	swait.ge [sflag:s15], $0x1000  }
0xb7: {  	[sflag:s15] =	ssyncset.done $0x0  }
0xb8: {  	[sflag:s15] =	ssyncadd.s32 $0xFFFFF000  }
0xb9: {  	_ =	swait.ge [sflag:s16], $0x1000  }
0xba: {  	[sflag:s16] =	ssyncset.done $0x0  }
0xbb: {  	[sflag:s16] =	ssyncadd.s32 $0xFFFFF000  }
0xbc: {  	_ =	swait.ge [sflag:s17], $0x1000  }
0xbd: {  	[sflag:s17] =	ssyncset.done $0x0  }
0xbe: {  	[sflag:s17] =	ssyncadd.s32 $0xFFFFF000  }
0xbf: {  	_ =	swait.ge [sflag:s10], $0x1000  }
0xc0: {  	[sflag:s10] =	ssyncset.done $0x0  }
0xc1: {  	[sflag:s10] =	ssyncadd.s32 $0xFFFFF000  }
0xc2: {  	_ =	swait.ge [sflag:s11], $0x1000  }
0xc3: {  	[sflag:s11] =	ssyncset.done $0x0  }
0xc4: {  	[sflag:s11] =	ssyncadd.s32 $0xFFFFF000  }
0xc5: {  	_ =	swait.ge [sflag:s12], $0x1000  }
0xc6: {  	[sflag:s12] =	ssyncset.done $0x0  }
0xc7: {  	s19 =	simm.s32 $0xB;
	[sflag:s12] =	ssyncadd.s32 $0xFFFFF000  }
0xc8: {  	_ =	swait.ge [sflag:s19], $0xC00  }
0xc9: {  	[sflag:s19] =	ssyncset.done $0x0  }
0xca: {  	[sflag:s19] =	ssyncadd.s32 $0xFFFFF400  }
0xcb: {  	s21 =	simm.s32 $0x1;
	[bflag:$0x0] =	sbarrier.arrive $0xFFFF  }
0xcc: {  	_ =	swait.ge [sflag:s21], $0x1400  }
0xcd: {  	[sflag:s21] =	ssyncset.done $0x0  }
0xce: {  	s25 =	simm.s32 $0x2;
	[sflag:s21] =	ssyncadd.s32 $0xFFFFEC00  }
0xcf: {  	_ =	swait.ge [sflag:s25], $0x1400  }
0xd0: {  	[sflag:s25] =	ssyncset.done $0x0  }
0xd1: {  	[sflag:s25] =	ssyncadd.s32 $0xFFFFEC00  }
0xd2: {  	[tilespmem:s5], [sflag:$0x3] =	stream.indirect.gather [hbm4b:s1+s20], $0x80, s4, s20, $0xb8;
	[tilespmem:$0x1E400] =	vst v63  }
0xd3: {  	s26 =	simm.s32 $0x13C20  }
0xd4: {  	[tilespmem:s3], [sflag:$0x4] =	stream.indirect.gather [hbm4b:s1+s20], $0x80, s26, s20, $0xb8;
	[tilespmem:$0x1E400] =	vst v63  }
0xd5: {  	s4 =	simm.s32 $0x13C40  }
0xd6: {  	[tilespmem:s6], [sflag:$0x5] =	stream.indirect.gather [hbm4b:s1+s20], $0x80, s4, s20, $0xb8;
	[tilespmem:$0x1E400] =	vst v63  }
0xd7: {  	s8 =	simm.s32 $0x13C60  }
0xd8: {  	[tilespmem:s7], [sflag:$0x6] =	stream.indirect.gather [hbm4b:s1+s20], $0x80, s8, s20, $0xb8;
	[tilespmem:$0x1E400] =	vst v63  }
0xd9: {  	s9 =	simm.s32 $0x13C80;
	s13 =	simm.s32 $0x1A400  }
0xda: {  	[tilespmem:s13], [sflag:$0x7] =	stream.indirect.gather [hbm4b:s1+s20], $0x80, s9, s20, $0xb8;
	[tilespmem:$0x1E400] =	vst v63  }
0xdb: {  	p2 =	sle.u32 s23, $0x0;
	s14 =	simm.s32 $0x13CA0;
	s18 =	simm.s32 $0x1B400  }
0xdc: {  	[tilespmem:s18], [sflag:$0x8] =	stream.indirect.gather [hbm4b:s1+s20], $0x80, s14, s20, $0xb8;
	[tilespmem:$0x1E400] =	vst v63  }
0xdd: {  	p1 =	por p2, p2;
	s19 =	simm.s32 $0x13CC0;
	s21 =	simm.s32 $0x1C400  }
0xde: {  	[tilespmem:s21], [sflag:$0x9] =	stream.indirect.gather [hbm4b:s1+s20], $0x80, s19, s20, $0xb8;
	[tilespmem:$0x1E400] =	vst v63  }
0xdf: {  	s0 =	simm.s32 @!p1 $0x3;
	s25 =	simm.s32 $0x13CE0;
	s26 =	simm.s32 $0x1D400  }
0xe0: {  	[tilespmem:s26], [sflag:$0xA] =	stream.indirect.gather [hbm4b:s1+s20], $0x80, s25, s20, $0xb8;
	[tilespmem:$0x1E400] =	vst v63  }
0xe1: {  	_ =	swait.ge @!p1 [sflag:s0], $0x1000  }
0xe2: {  	s3 =	simm.s32 @!p2 $0x15000;
	s4 =	simm.s32 @!p1 $0x4;
	[sflag:s0] =	ssyncset.done @!p1 $0x0  }
0xe3: {  	s18 =	simm.s32 @!p1 $0x16400;
	[sflag:s0] =	ssyncadd.s32 @!p1 $0xFFFFF000;
	s0 =	simm.s32 @!p1 $0x20  }
0xe4: {  	[spmem:s2] =	stream.indirect.scatter.add.f32 @!p1 [tilespmem:s18], [sflag:$0xB], $0x80, s3, s0, $0xb8;
	[tilespmem:$0x1E400] =	vst v63  }
0xe5: {  	_ =	swait.ge @!p1 [sflag:s4], $0x1000  }
0xe6: {  	s3 =	simm.s32 @!p2 $0x15020;
	[sflag:s4] =	ssyncset.done @!p1 $0x0  }
0xe7: {  	s18 =	simm.s32 @!p1 $0x5;
	[sflag:s4] =	ssyncadd.s32 @!p1 $0xFFFFF000;
	s4 =	simm.s32 @!p1 $0x17400  }
0xe8: {  	[spmem:s2] =	stream.indirect.scatter.add.f32 @!p1 [tilespmem:s4], [sflag:$0xC], $0x80, s3, s0, $0xb8;
	[tilespmem:$0x1E400] =	vst v63  }
0xe9: {  	_ =	swait.ge @!p1 [sflag:s18], $0x1000  }
0xea: {  	s3 =	simm.s32 @!p2 $0x15040;
	[sflag:s18] =	ssyncset.done @!p1 $0x0  }
0xeb: {  	s4 =	simm.s32 @!p1 $0x18400;
	[sflag:s18] =	ssyncadd.s32 @!p1 $0xFFFFF000;
	s18 =	simm.s32 @!p1 $0x6  }
0xec: {  	[spmem:s2] =	stream.indirect.scatter.add.f32 @!p1 [tilespmem:s4], [sflag:$0xD], $0x80, s3, s0, $0xb8;
	[tilespmem:$0x1E400] =	vst v63  }
0xed: {  	_ =	swait.ge @!p1 [sflag:s18], $0x1000  }
0xee: {  	p0 =	sle.u32 s23, $0x1;
	[sflag:s18] =	ssyncset.done @!p1 $0x0  }
0xef: {  	s3 =	simm.s32 @!p2 $0x15060;
	s4 =	simm.s32 @!p1 $0x19400;
	[sflag:s18] =	ssyncadd.s32 @!p1 $0xFFFFF000  }
0xf0: {  	[spmem:s2] =	stream.indirect.scatter.add.f32 @!p1 [tilespmem:s4], [sflag:$0xE], $0x80, s3, s0, $0xb8;
	[tilespmem:$0x1E400] =	vst v63  }
0xf1: {  	s0 =	simm.s32 @!p0 $0x7  }
0xf2: {  	_ =	swait.ge @!p0 [sflag:s0], $0x1000  }
0xf3: {  	s18 =	simm.s32 @!p0 $0x1A400;
	s3 =	simm.s32 @!p0 $0x15080;
	[sflag:s0] =	ssyncset.done @!p0 $0x0  }
0xf4: {  	s4 =	simm.s32 @!p0 $0x20;
	[sflag:s0] =	ssyncadd.s32 @!p0 $0xFFFFF000;
	s0 =	simm.s32 @!p0 $0x8  }
0xf5: {  	[spmem:s2] =	stream.indirect.scatter.add.f32 @!p0 [tilespmem:s18], [sflag:$0xF], $0x80, s3, s4, $0xb8;
	[tilespmem:$0x1E400] =	vst v63  }
0xf6: {  	_ =	swait.ge @!p0 [sflag:s0], $0x1000  }
0xf7: {  	s3 =	simm.s32 @!p0 $0x150A0;
	[sflag:s0] =	ssyncset.done @!p0 $0x0  }
0xf8: {  	s18 =	simm.s32 @!p0 $0x1B400;
	[sflag:s0] =	ssyncadd.s32 @!p0 $0xFFFFF000;
	s0 =	simm.s32 @!p0 $0x9  }
0xf9: {  	[spmem:s2] =	stream.indirect.scatter.add.f32 @!p0 [tilespmem:s18], [sflag:$0x10], $0x80, s3, s4, $0xb8;
	[tilespmem:$0x1E400] =	vst v63  }
0xfa: {  	_ =	swait.ge @!p0 [sflag:s0], $0x1000  }
0xfb: {  	s3 =	simm.s32 @!p0 $0x150C0;
	[sflag:s0] =	ssyncset.done @!p0 $0x0  }
0xfc: {  	s18 =	simm.s32 @!p0 $0x1C400;
	[sflag:s0] =	ssyncadd.s32 @!p0 $0xFFFFF000;
	s0 =	simm.s32 @!p0 $0xA  }
0xfd: {  	[spmem:s2] =	stream.indirect.scatter.add.f32 @!p0 [tilespmem:s18], [sflag:$0x11], $0x80, s3, s4, $0xb8;
	[tilespmem:$0x1E400] =	vst v63  }
0xfe: {  	_ =	swait.ge @!p0 [sflag:s0], $0x1000  }
0xff: {  	p2 =	sle.u32 @!p2 s23, $0x2;
	s3 =	simm.s32 @!p0 $0x150E0;
	[sflag:s0] =	ssyncset.done @!p0 $0x0  }
0x100: {  	s18 =	simm.s32 @!p0 $0x1D400;
	[sflag:s0] =	ssyncadd.s32 @!p0 $0xFFFFF000;
	s0 =	simm.s32 @!p1 $0xB  }
0x101: {  	[spmem:s2] =	stream.indirect.scatter.add.f32 @!p0 [tilespmem:s18], [sflag:$0x12], $0x80, s3, s4, $0xb8;
	[tilespmem:$0x1E400] =	vst v63  }
0x102: {  	p3 =	por p2, p2;
	_ =	swait.ge @!p1 [sflag:s0], $0x1000  }
0x103: {  	p2 =	por !p3, p1;
	[sflag:s0] =	ssyncset.done @!p1 $0x0  }
0x104: {  	s3 =	simm.s32 @!p2 $0xC;
	[sflag:s0] =	ssyncadd.s32 @!p1 $0xFFFFF000  }
0x105: {  	_ =	swait.ge @!p2 [sflag:s3], $0x1000  }
0x106: {  	[sflag:s3] =	ssyncset.done @!p2 $0x0  }
0x107: {  	s0 =	simm.s32 @!p2 $0xD;
	[sflag:s3] =	ssyncadd.s32 @!p2 $0xFFFFF000  }
0x108: {  	_ =	swait.ge @!p2 [sflag:s0], $0x1000  }
0x109: {  	[sflag:s0] =	ssyncset.done @!p2 $0x0  }
0x10a: {  	s3 =	simm.s32 @!p2 $0xE;
	[sflag:s0] =	ssyncadd.s32 @!p2 $0xFFFFF000  }
0x10b: {  	p1 =	por p3, p1;
	_ =	swait.ge @!p2 [sflag:s3], $0x1000  }
0x10c: {  	s4 =	simm.s32 @!p1 $0x13D00;
	s18 =	simm.s32 @!p1 $0x20;
	[sflag:s3] =	ssyncset.done @!p2 $0x0  }
0x10d: {  	s0 =	simm.s32 @!p1 $0x16400;
	[sflag:s3] =	ssyncadd.s32 @!p2 $0xFFFFF000;
	s3 =	simm.s32 @!p1 $0xC  }
0x10e: {  	[tilespmem:s0], [sflag:$0x3] =	stream.indirect.gather @!p1 [hbm4b:s1+s18], $0x80, s4, s18, $0xb8;
	[tilespmem:$0x1E400] =	vst v63  }
0x10f: {  	_ =	swait.ge @!p1 [sflag:s3], $0x1000  }
0x110: {  	s0 =	simm.s32 @!p1 $0x13D20;
	[sflag:s3] =	ssyncset.done @!p1 $0x0  }
0x111: {  	s4 =	simm.s32 @!p1 $0x17400;
	[sflag:s3] =	ssyncadd.s32 @!p1 $0xFFFFF000;
	s3 =	simm.s32 @!p1 $0xD  }
0x112: {  	[tilespmem:s4], [sflag:$0x4] =	stream.indirect.gather @!p1 [hbm4b:s1+s18], $0x80, s0, s18, $0xb8;
	[tilespmem:$0x1E400] =	vst v63  }
0x113: {  	_ =	swait.ge @!p1 [sflag:s3], $0x1000  }
0x114: {  	s0 =	simm.s32 @!p1 $0x13D40;
	[sflag:s3] =	ssyncset.done @!p1 $0x0  }
0x115: {  	s4 =	simm.s32 @!p1 $0x18400;
	[sflag:s3] =	ssyncadd.s32 @!p1 $0xFFFFF000;
	s3 =	simm.s32 @!p1 $0xE  }
0x116: {  	[tilespmem:s4], [sflag:$0x5] =	stream.indirect.gather @!p1 [hbm4b:s1+s18], $0x80, s0, s18, $0xb8;
	[tilespmem:$0x1E400] =	vst v63  }
0x117: {  	_ =	swait.ge @!p1 [sflag:s3], $0x1000  }
0x118: {  	s0 =	simm.s32 @!p1 $0x13D60;
	[sflag:s3] =	ssyncset.done @!p1 $0x0  }
0x119: {  	s4 =	simm.s32 @!p1 $0x19400;
	[sflag:s3] =	ssyncadd.s32 @!p1 $0xFFFFF000;
	s3 =	simm.s32 @!p0 $0xF  }
0x11a: {  	[tilespmem:s4], [sflag:$0x6] =	stream.indirect.gather @!p1 [hbm4b:s1+s18], $0x80, s0, s18, $0xb8;
	[tilespmem:$0x1E400] =	vst v63  }
0x11b: {  	p3 =	sle.u32 @!p0 s23, $0x3;
	_ =	swait.ge @!p0 [sflag:s3], $0x1000  }
0x11c: {  	p2 =	por !p3, p0;
	[sflag:s3] =	ssyncset.done @!p0 $0x0  }
0x11d: {  	s0 =	simm.s32 @!p2 $0x10;
	[sflag:s3] =	ssyncadd.s32 @!p0 $0xFFFFF000  }
0x11e: {  	_ =	swait.ge @!p2 [sflag:s0], $0x1000  }
0x11f: {  	[sflag:s0] =	ssyncset.done @!p2 $0x0  }
0x120: {  	s3 =	simm.s32 @!p2 $0x11;
	[sflag:s0] =	ssyncadd.s32 @!p2 $0xFFFFF000  }
0x121: {  	_ =	swait.ge @!p2 [sflag:s3], $0x1000  }
0x122: {  	s29 =	simm.s32 $0x800;
	s25 =	simm.s32 $0x400;
	[sflag:s3] =	ssyncset.done @!p2 $0x0  }
0x123: {  	s26 =	simm.s32 $0x2;
	s0 =	simm.s32 @!p2 $0x12;
	[sflag:s3] =	ssyncadd.s32 @!p2 $0xFFFFF000  }
0x124: {  	p1 =	sle.u32 s23, $0x2;
	p0 =	por p3, p0;
	_ =	swait.ge @!p2 [sflag:s0], $0x1000  }
0x125: {  	s4 =	simm.s32 @!p0 $0x13D80;
	s18 =	simm.s32 @!p0 $0x20;
	[sflag:s0] =	ssyncset.done @!p2 $0x0  }
0x126: {  	s19 =	simm.s32 @!p0 $0x10;
	s3 =	simm.s32 @!p0 $0x1A400;
	[sflag:s0] =	ssyncadd.s32 @!p2 $0xFFFFF000  }
0x127: {  	[tilespmem:s3], [sflag:$0x7] =	stream.indirect.gather @!p0 [hbm4b:s1+s18], $0x80, s4, s18, $0xb8;
	[tilespmem:$0x1E400] =	vst v63  }
0x128: {  	s30 =	simm.s32 @!p1 $0x15120;
	s28 =	simm.s32 @!p1 $0x15140;
	_ =	swait.ge @!p0 [sflag:s19], $0x1000  }
0x129: {  	s31 =	simm.s32 @!p1 $0x15160;
	s3 =	simm.s32 @!p0 $0x13DA0;
	[sflag:s19] =	ssyncset.done @!p0 $0x0  }
0x12a: {  	s4 =	simm.s32 @!p0 $0x1B400;
	[sflag:s19] =	ssyncadd.s32 @!p0 $0xFFFFF000;
	s19 =	simm.s32 @!p0 $0x11  }
0x12b: {  	[tilespmem:s4], [sflag:$0x8] =	stream.indirect.gather @!p0 [hbm4b:s1+s18], $0x80, s3, s18, $0xb8;
	[tilespmem:$0x1E400] =	vst v63  }
0x12c: {  	s21 =	simm.s32 @!p0 $0x1C400;
	s0 =	simm.s32 @!p1 $0x15100;
	_ =	swait.ge @!p0 [sflag:s19], $0x1000  }
0x12d: {  	p2 =	sle.u32 @!p1 s23, $0x4;
	p1 =	por p1, p1;
	[sflag:s19] =	ssyncset.done @!p0 $0x0  }
0x12e: {  	s4 =	simm.s32 @!p0 $0x13DC0;
	s3 =	simm.s32 @!p0 $0x12;
	[sflag:s19] =	ssyncadd.s32 @!p0 $0xFFFFF000  }
0x12f: {  	[tilespmem:s21], [sflag:$0x9] =	stream.indirect.gather @!p0 [hbm4b:s1+s18], $0x80, s4, s18, $0xb8;
	[tilespmem:$0x1E400] =	vst v63  }
0x130: {  	p3 =	por p2, p2;
	s19 =	simm.s32 @!p0 $0x13DE0;
	_ =	swait.ge @!p0 [sflag:s3], $0x1000  }
0x131: {  	s4 =	simm.s32 $0x4;
	s21 =	simm.s32 @!p0 $0x1D400;
	[sflag:s3] =	ssyncset.done @!p0 $0x0  }
.LBB2_4:
0x132: {  	s9 =	simm.s32 @!p1 $0x3;
	[sflag:s3] =	ssyncadd.s32 @!p0 $0xFFFFF000  }
0x133: {  	[tilespmem:s21], [sflag:$0xA] =	stream.indirect.gather @!p0 [hbm4b:s1+s18], $0x80, s19, s18, $0xb8;
	[tilespmem:$0x1E400] =	vst v63  }
0x134: {  	_ =	swait.ge @!p1 [sflag:s9], $0x1000  }
0x135: {  	p5 =	sge.u32 s4, s23;
	s7 =	simm.s32 @!p1 $0x16400;
	[sflag:s9] =	ssyncset.done @!p1 $0x0  }
0x136: {  	s21 =	simm.s32 @!p1 $0x4;
	[sflag:s9] =	ssyncadd.s32 @!p1 $0xFFFFF000;
	s9 =	simm.s32 @!p1 $0x20  }
0x137: {  	[spmem:s2] =	stream.indirect.scatter.add.f32 @!p1 [tilespmem:s7], [sflag:$0xB], $0x80, s0, s9, $0xb8;
	[tilespmem:$0x1E400] =	vst v63  }
0x138: {  	s0 =	sadd.s32 @!p5 $0x2, s4;
	_ =	swait.ge @!p1 [sflag:s21], $0x1000  }
0x139: {  	s3 =	smov.u32 s29;
	p0 =	sge.u32 @!p5 s0, s23;
	[sflag:s21] =	ssyncset.done @!p1 $0x0  }
0x13a: {  	s29 =	sadd.s32 $0x400, s29;
	s0 =	simm.s32 @!p0 $0x0;
	[sflag:s21] =	ssyncadd.s32 @!p1 $0xFFFFF000  }
0x13b: {  	s21 =	simm.s32 @!p1 $0x17400;
	s0 =	simm.s32 @p0 $0x1;
	p0 =	sne.s32 s29, $0x5000  }
0x13c: {  	[spmem:s2] =	stream.indirect.scatter.add.f32 @!p1 [tilespmem:s21], [sflag:$0xC], $0x80, s30, s9, $0xb8;
	[tilespmem:$0x1E400] =	vst v63  }
0x13d: {  	[smem:$0x7FB] =	sst s0;
	s0 =	simm.s32 @!p0 $0x0  }
0x13e: {  	s0 =	simm.s32 @p0 $0x1  }
0x13f: {  	s8 =	simm.s32 @!p1 $0x5;
	s18 =	sshra.s32 @!p5 s3, $0x2;
	[smem:$0x7FC] =	sst s0  }
0x140: {  	s7 =	sadd.s32 @!p5 $0x15020, s18;
	_ =	swait.ge @!p1 [sflag:s8], $0x1000  }
0x141: {  	s13 =	sadd.s32 $0x1, s26;
	s30 =	smov.u32 s7;
	[sflag:s8] =	ssyncset.done @!p1 $0x0  }
0x142: {  	s7 =	simm.s32 @!p1 $0x18400;
	[sflag:s8] =	ssyncadd.s32 @!p1 $0xFFFFF000;
	s8 =	simm.s32 @!p1 $0x6  }
0x143: {  	[spmem:s2] =	stream.indirect.scatter.add.f32 @!p1 [tilespmem:s7], [sflag:$0xD], $0x80, s28, s9, $0xb8;
	[tilespmem:$0x1E400] =	vst v63  }
0x144: {  	p4 =	sge.u32 s13, s23;
	s6 =	sadd.s32 @!p5 $0x15040, s18;
	_ =	swait.ge @!p1 [sflag:s8], $0x1000  }
0x145: {  	s19 =	sadd.s32 @!p5 $0x15000, s18;
	s28 =	smov.u32 s6;
	[sflag:s8] =	ssyncset.done @!p1 $0x0  }
0x146: {  	s7 =	simm.s32 @!p1 $0x19400;
	s6 =	simm.s32 @!p4 $0x7;
	[sflag:s8] =	ssyncadd.s32 @!p1 $0xFFFFF000  }
0x147: {  	[spmem:s2] =	stream.indirect.scatter.add.f32 @!p1 [tilespmem:s7], [sflag:$0xE], $0x80, s31, s9, $0xb8;
	[tilespmem:$0x1E400] =	vst v63  }
0x148: {  	s21 =	simm.s32 @!p4 $0x20;
	s8 =	sadd.s32 @!p4 $0x3, s26;
	_ =	swait.ge @!p4 [sflag:s6], $0x1000  }
0x149: {  	s26 =	simm.s32 @!p4 $0x1A400;
	s7 =	sshra.s32 @!p4 s25, $0x2;
	[sflag:s6] =	ssyncset.done @!p4 $0x0  }
0x14a: {  	s9 =	sadd.s32 @!p4 $0x15080, s7;
	[sflag:s6] =	ssyncadd.s32 @!p4 $0xFFFFF000;
	s6 =	simm.s32 @!p4 $0x8  }
0x14b: {  	[spmem:s2] =	stream.indirect.scatter.add.f32 @!p4 [tilespmem:s26], [sflag:$0xF], $0x80, s9, s21, $0xb8;
	[tilespmem:$0x1E400] =	vst v63  }
0x14c: {  	s0 =	smov.u32 s19;
	_ =	swait.ge @!p4 [sflag:s6], $0x1000  }
0x14d: {  	p6 =	sge.u32 @!p4 s8, s23;
	s8 =	simm.s32 @!p4 $0x1B400;
	[sflag:s6] =	ssyncset.done @!p4 $0x0  }
0x14e: {  	s19 =	sadd.s32 @!p4 $0x150A0, s7;
	[sflag:s6] =	ssyncadd.s32 @!p4 $0xFFFFF000;
	s6 =	simm.s32 @!p4 $0x9  }
0x14f: {  	[spmem:s2] =	stream.indirect.scatter.add.f32 @!p4 [tilespmem:s8], [sflag:$0x10], $0x80, s19, s21, $0xb8;
	[tilespmem:$0x1E400] =	vst v63  }
0x150: {  	_ =	swait.ge @!p4 [sflag:s6], $0x1000  }
0x151: {  	s13 =	sadd.s32 @!p4 $0x150C0, s7;
	[sflag:s6] =	ssyncset.done @!p4 $0x0  }
0x152: {  	s8 =	simm.s32 @!p4 $0x1C400;
	[sflag:s6] =	ssyncadd.s32 @!p4 $0xFFFFF000;
	s6 =	simm.s32 @!p4 $0xA  }
0x153: {  	[spmem:s2] =	stream.indirect.scatter.add.f32 @!p4 [tilespmem:s8], [sflag:$0x11], $0x80, s13, s21, $0xb8;
	[tilespmem:$0x1E400] =	vst v63  }
0x154: {  	_ =	swait.ge @!p4 [sflag:s6], $0x1000  }
0x155: {  	s7 =	sadd.s32 @!p4 $0x150E0, s7;
	[sflag:s6] =	ssyncset.done @!p4 $0x0  }
0x156: {  	s8 =	simm.s32 @!p4 $0x1D400;
	[sflag:s6] =	ssyncadd.s32 @!p4 $0xFFFFF000;
	s6 =	simm.s32 @!p1 $0xB  }
0x157: {  	[spmem:s2] =	stream.indirect.scatter.add.f32 @!p4 [tilespmem:s8], [sflag:$0x12], $0x80, s7, s21, $0xb8;
	[tilespmem:$0x1E400] =	vst v63  }
0x158: {  	_ =	swait.ge @!p1 [sflag:s6], $0x1000  }
0x159: {  	p2 =	por !p3, p1;
	[sflag:s6] =	ssyncset.done @!p1 $0x0  }
0x15a: {  	s7 =	simm.s32 @!p2 $0xC;
	[sflag:s6] =	ssyncadd.s32 @!p1 $0xFFFFF000  }
0x15b: {  	_ =	swait.ge @!p2 [sflag:s7], $0x1000  }
0x15c: {  	[sflag:s7] =	ssyncset.done @!p2 $0x0  }
0x15d: {  	s6 =	simm.s32 @!p2 $0xD;
	[sflag:s7] =	ssyncadd.s32 @!p2 $0xFFFFF000  }
0x15e: {  	_ =	swait.ge @!p2 [sflag:s6], $0x1000  }
0x15f: {  	[sflag:s6] =	ssyncset.done @!p2 $0x0  }
0x160: {  	p0 =	por p3, p1;
	s7 =	simm.s32 @!p2 $0xE;
	[sflag:s6] =	ssyncadd.s32 @!p2 $0xFFFFF000  }
0x161: {  	s13 =	simm.s32 @!p0 $0x20;
	_ =	swait.ge @!p2 [sflag:s7], $0x1000  }
0x162: {  	s8 =	simm.s32 @!p0 $0x16400;
	s6 =	sshra.s32 @!p0 s25, $0x2;
	[sflag:s7] =	ssyncset.done @!p2 $0x0  }
0x163: {  	s9 =	sadd.s32 @!p0 $0x13D00, s6;
	[sflag:s7] =	ssyncadd.s32 @!p2 $0xFFFFF000;
	s7 =	simm.s32 @!p0 $0xC  }
0x164: {  	[tilespmem:s8], [sflag:$0x3] =	stream.indirect.gather @!p0 [hbm4b:s1+s13], $0x80, s9, s13, $0xb8;
	[tilespmem:$0x1E400] =	vst v63  }
0x165: {  	s18 =	sadd.s32 @!p5 $0x15060, s18;
	_ =	swait.ge @!p0 [sflag:s7], $0x1000  }
0x166: {  	s31 =	smov.u32 s18;
	s18 =	sadd.s32 @!p0 $0x13D20, s6;
	[sflag:s7] =	ssyncset.done @!p0 $0x0  }
0x167: {  	s9 =	simm.s32 @!p0 $0x17400;
	[sflag:s7] =	ssyncadd.s32 @!p0 $0xFFFFF000;
	s7 =	simm.s32 @!p0 $0xD  }
0x168: {  	[tilespmem:s9], [sflag:$0x4] =	stream.indirect.gather @!p0 [hbm4b:s1+s13], $0x80, s18, s13, $0xb8;
	[tilespmem:$0x1E400] =	vst v63  }
0x169: {  	s14 =	sld [smem:$0x7FB];
	_ =	swait.ge @!p0 [sflag:s7], $0x1000  }
0x16a: {  	s8 =	sadd.s32 @!p0 $0x13D40, s6;
	[sflag:s7] =	ssyncset.done @!p0 $0x0  }
0x16b: {  	s9 =	simm.s32 @!p0 $0x18400;
	[sflag:s7] =	ssyncadd.s32 @!p0 $0xFFFFF000;
	s7 =	simm.s32 @!p0 $0xE  }
0x16c: {  	[tilespmem:s9], [sflag:$0x5] =	stream.indirect.gather @!p0 [hbm4b:s1+s13], $0x80, s8, s13, $0xb8;
	[tilespmem:$0x1E400] =	vst v63  }
0x16d: {  	_ =	swait.ge @!p0 [sflag:s7], $0x1000  }
0x16e: {  	s6 =	sadd.s32 @!p0 $0x13D60, s6;
	[sflag:s7] =	ssyncset.done @!p0 $0x0  }
0x16f: {  	s8 =	simm.s32 @!p0 $0x19400;
	[sflag:s7] =	ssyncadd.s32 @!p0 $0xFFFFF000;
	s7 =	simm.s32 @!p4 $0xF  }
0x170: {  	[tilespmem:s8], [sflag:$0x6] =	stream.indirect.gather @!p0 [hbm4b:s1+s13], $0x80, s6, s13, $0xb8;
	[tilespmem:$0x1E400] =	vst v63  }
0x171: {  	_ =	swait.ge @!p4 [sflag:s7], $0x1000  }
0x172: {  	p2 =	por !p6, p4;
	[sflag:s7] =	ssyncset.done @!p4 $0x0  }
0x173: {  	s6 =	simm.s32 @!p2 $0x10;
	[sflag:s7] =	ssyncadd.s32 @!p4 $0xFFFFF000  }
0x174: {  	_ =	swait.ge @!p2 [sflag:s6], $0x1000  }
0x175: {  	[sflag:s6] =	ssyncset.done @!p2 $0x0  }
0x176: {  	s7 =	simm.s32 @!p2 $0x11;
	[sflag:s6] =	ssyncadd.s32 @!p2 $0xFFFFF000  }
0x177: {  	_ =	swait.ge @!p2 [sflag:s7], $0x1000  }
0x178: {  	[sflag:s7] =	ssyncset.done @!p2 $0x0  }
0x179: {  	p0 =	por p6, p4;
	s6 =	simm.s32 @!p2 $0x12;
	[sflag:s7] =	ssyncadd.s32 @!p2 $0xFFFFF000  }
0x17a: {  	s8 =	simm.s32 @!p0 $0x1A400;
	_ =	swait.ge @!p2 [sflag:s6], $0x1000  }
0x17b: {  	s18 =	simm.s32 @!p0 $0x20;
	s7 =	sshra.s32 @!p0 s25, $0x2;
	[sflag:s6] =	ssyncset.done @!p2 $0x0  }
0x17c: {  	s9 =	sadd.s32 @!p0 $0x13D80, s7;
	[sflag:s6] =	ssyncadd.s32 @!p2 $0xFFFFF000;
	s6 =	simm.s32 @!p0 $0x10  }
0x17d: {  	[tilespmem:s8], [sflag:$0x7] =	stream.indirect.gather @!p0 [hbm4b:s1+s18], $0x80, s9, s18, $0xb8;
	[tilespmem:$0x1E400] =	vst v63  }
0x17e: {  	s25 =	smov.u32 s3;
	s3 =	simm.s32 @!p0 $0x11;
	_ =	swait.ge @!p0 [sflag:s6], $0x1000  }
0x17f: {  	s13 =	sadd.s32 @!p0 $0x13DA0, s7;
	s19 =	sadd.s32 @!p0 $0x13DE0, s7;
	[sflag:s6] =	ssyncset.done @!p0 $0x0  }
0x180: {  	s8 =	sadd.s32 @!p0 $0x13DC0, s7;
	s7 =	simm.s32 @!p0 $0x1B400;
	[sflag:s6] =	ssyncadd.s32 @!p0 $0xFFFFF000  }
0x181: {  	[tilespmem:s7], [sflag:$0x8] =	stream.indirect.gather @!p0 [hbm4b:s1+s18], $0x80, s13, s18, $0xb8;
	[tilespmem:$0x1E400] =	vst v63  }
0x182: {  	_ =	swait.ge @!p0 [sflag:s3], $0x1000  }
0x183: {  	[sflag:s3] =	ssyncset.done @!p0 $0x0  }
0x184: {  	s6 =	simm.s32 @!p0 $0x1C400;
	[sflag:s3] =	ssyncadd.s32 @!p0 $0xFFFFF000;
	s3 =	simm.s32 @!p0 $0x12  }
0x185: {  	[tilespmem:s6], [sflag:$0x9] =	stream.indirect.gather @!p0 [hbm4b:s1+s18], $0x80, s8, s18, $0xb8;
	[tilespmem:$0x1E400] =	vst v63  }
0x186: {  	_ =	swait.ge @!p0 [sflag:s3], $0x1000  }
0x187: {  	p1 =	por p5, p5;
	p5 =	seq.s32 s14, $0x1;
	s14 =	sld [smem:$0x7FC]  }
0x188: {  	_ =	sdelay $0x1  }
0x189: {  	p2 =	seq.s32 s14, $0x1  }
.Ltmp1:
0x18a: {  	_ = 	snop;
	(pc) =	sbr.rel @p2 .LBB2_4-.Ltmp1, $3  }
0x18b: {  	_ =	sdelay $0x1  }
0x18c: {  	s26 =	smov.u32 s4;
	s4 =	sadd.s32 $0x2, s4  }
0x18d: {  	p3 =	por p5, p5;
	s21 =	simm.s32 @!p0 $0x1D400;
	[sflag:s3] =	ssyncset.done @!p0 $0x0  }
0x18e: {  	s4 =	simm.s32 @!p1 $0x3;
	[sflag:s3] =	ssyncadd.s32 @!p0 $0xFFFFF000  }
0x18f: {  	[tilespmem:s21], [sflag:$0xA] =	stream.indirect.gather @!p0 [hbm4b:s1+s18], $0x80, s19, s18, $0xb8;
	[tilespmem:$0x1E400] =	vst v63  }
0x190: {  	_ =	swait.ge @!p1 [sflag:s4], $0x1000  }
0x191: {  	s3 =	simm.s32 @!p1 $0x4;
	[sflag:s4] =	ssyncset.done @!p1 $0x0  }
0x192: {  	s6 =	simm.s32 @!p1 $0x16400;
	[sflag:s4] =	ssyncadd.s32 @!p1 $0xFFFFF000;
	s4 =	simm.s32 @!p1 $0x20  }
0x193: {  	[spmem:s2] =	stream.indirect.scatter.add.f32 @!p1 [tilespmem:s6], [sflag:$0xB], $0x80, s0, s4, $0xb8;
	[tilespmem:$0x1E400] =	vst v63  }
0x194: {  	_ =	swait.ge @!p1 [sflag:s3], $0x1000  }
0x195: {  	[sflag:s3] =	ssyncset.done @!p1 $0x0  }
0x196: {  	s0 =	simm.s32 @!p1 $0x17400;
	[sflag:s3] =	ssyncadd.s32 @!p1 $0xFFFFF000;
	s3 =	simm.s32 @!p1 $0x5  }
0x197: {  	[spmem:s2] =	stream.indirect.scatter.add.f32 @!p1 [tilespmem:s0], [sflag:$0xC], $0x80, s30, s4, $0xb8;
	[tilespmem:$0x1E400] =	vst v63  }
0x198: {  	_ =	swait.ge @!p1 [sflag:s3], $0x1000  }
0x199: {  	[sflag:s3] =	ssyncset.done @!p1 $0x0  }
0x19a: {  	s0 =	simm.s32 @!p1 $0x18400;
	[sflag:s3] =	ssyncadd.s32 @!p1 $0xFFFFF000;
	s3 =	simm.s32 @!p1 $0x6  }
0x19b: {  	[spmem:s2] =	stream.indirect.scatter.add.f32 @!p1 [tilespmem:s0], [sflag:$0xD], $0x80, s28, s4, $0xb8;
	[tilespmem:$0x1E400] =	vst v63  }
0x19c: {  	s21 =	sadd.s32 $0x1, s26;
	_ =	swait.ge @!p1 [sflag:s3], $0x1000  }
0x19d: {  	p0 =	sge.u32 s21, s23;
	[sflag:s3] =	ssyncset.done @!p1 $0x0  }
0x19e: {  	s0 =	simm.s32 @!p0 $0x7;
	[sflag:s3] =	ssyncadd.s32 @!p1 $0xFFFFF000;
	s3 =	simm.s32 @!p1 $0x19400  }
0x19f: {  	[spmem:s2] =	stream.indirect.scatter.add.f32 @!p1 [tilespmem:s3], [sflag:$0xE], $0x80, s31, s4, $0xb8;
	[tilespmem:$0x1E400] =	vst v63  }
0x1a0: {  	s7 =	simm.s32 @!p0 $0x1A400;
	_ =	swait.ge @!p0 [sflag:s0], $0x1000  }
0x1a1: {  	s6 =	simm.s32 @!p0 $0x20;
	s3 =	sshra.s32 @!p0 s25, $0x2;
	[sflag:s0] =	ssyncset.done @!p0 $0x0  }
0x1a2: {  	s4 =	sadd.s32 @!p0 $0x15080, s3;
	[sflag:s0] =	ssyncadd.s32 @!p0 $0xFFFFF000;
	s0 =	simm.s32 @!p0 $0x8  }
0x1a3: {  	[spmem:s2] =	stream.indirect.scatter.add.f32 @!p0 [tilespmem:s7], [sflag:$0xF], $0x80, s4, s6, $0xb8;
	[tilespmem:$0x1E400] =	vst v63  }
0x1a4: {  	_ =	swait.ge @!p0 [sflag:s0], $0x1000  }
0x1a5: {  	s4 =	sadd.s32 @!p0 $0x150A0, s3;
	[sflag:s0] =	ssyncset.done @!p0 $0x0  }
0x1a6: {  	s7 =	simm.s32 @!p0 $0x1B400;
	[sflag:s0] =	ssyncadd.s32 @!p0 $0xFFFFF000;
	s0 =	simm.s32 @!p0 $0x9  }
0x1a7: {  	[spmem:s2] =	stream.indirect.scatter.add.f32 @!p0 [tilespmem:s7], [sflag:$0x10], $0x80, s4, s6, $0xb8;
	[tilespmem:$0x1E400] =	vst v63  }
0x1a8: {  	_ =	swait.ge @!p0 [sflag:s0], $0x1000  }
0x1a9: {  	s4 =	sadd.s32 @!p0 $0x150C0, s3;
	[sflag:s0] =	ssyncset.done @!p0 $0x0  }
0x1aa: {  	s7 =	simm.s32 @!p0 $0x1C400;
	[sflag:s0] =	ssyncadd.s32 @!p0 $0xFFFFF000;
	s0 =	simm.s32 @!p0 $0xA  }
0x1ab: {  	[spmem:s2] =	stream.indirect.scatter.add.f32 @!p0 [tilespmem:s7], [sflag:$0x11], $0x80, s4, s6, $0xb8;
	[tilespmem:$0x1E400] =	vst v63  }
0x1ac: {  	_ =	swait.ge @!p0 [sflag:s0], $0x1000  }
0x1ad: {  	s3 =	sadd.s32 @!p0 $0x150E0, s3;
	[sflag:s0] =	ssyncset.done @!p0 $0x0  }
0x1ae: {  	s4 =	simm.s32 @!p0 $0x1D400;
	[sflag:s0] =	ssyncadd.s32 @!p0 $0xFFFFF000;
	s0 =	simm.s32 @!p1 $0xB  }
0x1af: {  	[spmem:s2] =	stream.indirect.scatter.add.f32 @!p0 [tilespmem:s4], [sflag:$0x12], $0x80, s3, s6, $0xb8;
	[tilespmem:$0x1E400] =	vst v63  }
0x1b0: {  	_ =	swait.ge @!p1 [sflag:s0], $0x1000  }
0x1b1: {  	p2 =	por !p3, p1;
	[sflag:s0] =	ssyncset.done @!p1 $0x0  }
0x1b2: {  	s3 =	simm.s32 @!p2 $0xC;
	[sflag:s0] =	ssyncadd.s32 @!p1 $0xFFFFF000  }
0x1b3: {  	_ =	swait.ge @!p2 [sflag:s3], $0x1000  }
0x1b4: {  	[sflag:s3] =	ssyncset.done @!p2 $0x0  }
0x1b5: {  	s0 =	simm.s32 @!p2 $0xD;
	[sflag:s3] =	ssyncadd.s32 @!p2 $0xFFFFF000  }
0x1b6: {  	_ =	swait.ge @!p2 [sflag:s0], $0x1000  }
0x1b7: {  	[sflag:s0] =	ssyncset.done @!p2 $0x0  }
0x1b8: {  	p1 =	por p3, p1;
	s3 =	simm.s32 @!p2 $0xE;
	[sflag:s0] =	ssyncadd.s32 @!p2 $0xFFFFF000  }
0x1b9: {  	s4 =	simm.s32 @!p1 $0x16400;
	_ =	swait.ge @!p2 [sflag:s3], $0x1000  }
0x1ba: {  	s7 =	simm.s32 @!p1 $0x20;
	s0 =	sshra.s32 @!p1 s25, $0x2;
	[sflag:s3] =	ssyncset.done @!p2 $0x0  }
0x1bb: {  	s6 =	sadd.s32 @!p1 $0x13D00, s0;
	[sflag:s3] =	ssyncadd.s32 @!p2 $0xFFFFF000;
	s3 =	simm.s32 @!p1 $0xC  }
0x1bc: {  	[tilespmem:s4], [sflag:$0x3] =	stream.indirect.gather @!p1 [hbm4b:s1+s7], $0x80, s6, s7, $0xb8;
	[tilespmem:$0x1E400] =	vst v63  }
0x1bd: {  	_ =	swait.ge @!p1 [sflag:s3], $0x1000  }
0x1be: {  	s4 =	sadd.s32 @!p1 $0x13D20, s0;
	[sflag:s3] =	ssyncset.done @!p1 $0x0  }
0x1bf: {  	s6 =	simm.s32 @!p1 $0x17400;
	[sflag:s3] =	ssyncadd.s32 @!p1 $0xFFFFF000;
	s3 =	simm.s32 @!p1 $0xD  }
0x1c0: {  	[tilespmem:s6], [sflag:$0x4] =	stream.indirect.gather @!p1 [hbm4b:s1+s7], $0x80, s4, s7, $0xb8;
	[tilespmem:$0x1E400] =	vst v63  }
0x1c1: {  	_ =	swait.ge @!p1 [sflag:s3], $0x1000  }
0x1c2: {  	s4 =	sadd.s32 @!p1 $0x13D40, s0;
	[sflag:s3] =	ssyncset.done @!p1 $0x0  }
0x1c3: {  	s6 =	simm.s32 @!p1 $0x18400;
	[sflag:s3] =	ssyncadd.s32 @!p1 $0xFFFFF000;
	s3 =	simm.s32 @!p1 $0xE  }
0x1c4: {  	[tilespmem:s6], [sflag:$0x5] =	stream.indirect.gather @!p1 [hbm4b:s1+s7], $0x80, s4, s7, $0xb8;
	[tilespmem:$0x1E400] =	vst v63  }
0x1c5: {  	_ =	swait.ge @!p1 [sflag:s3], $0x1000  }
0x1c6: {  	s0 =	sadd.s32 @!p1 $0x13D60, s0;
	s4 =	sadd.s32 @!p0 $0x3, s26;
	[sflag:s3] =	ssyncset.done @!p1 $0x0  }
0x1c7: {  	s6 =	simm.s32 @!p1 $0x19400;
	[sflag:s3] =	ssyncadd.s32 @!p1 $0xFFFFF000;
	s3 =	simm.s32 @!p0 $0xF  }
0x1c8: {  	[tilespmem:s6], [sflag:$0x6] =	stream.indirect.gather @!p1 [hbm4b:s1+s7], $0x80, s0, s7, $0xb8;
	[tilespmem:$0x1E400] =	vst v63  }
0x1c9: {  	p2 =	sge.u32 @!p0 s4, s23;
	_ =	swait.ge @!p0 [sflag:s3], $0x1000  }
0x1ca: {  	p1 =	por !p2, p0;
	[sflag:s3] =	ssyncset.done @!p0 $0x0  }
0x1cb: {  	s0 =	simm.s32 @!p1 $0x10;
	[sflag:s3] =	ssyncadd.s32 @!p0 $0xFFFFF000  }
0x1cc: {  	_ =	swait.ge @!p1 [sflag:s0], $0x1000  }
0x1cd: {  	[sflag:s0] =	ssyncset.done @!p1 $0x0  }
0x1ce: {  	s3 =	simm.s32 @!p1 $0x11;
	[sflag:s0] =	ssyncadd.s32 @!p1 $0xFFFFF000  }
0x1cf: {  	_ =	swait.ge @!p1 [sflag:s3], $0x1000  }
0x1d0: {  	[sflag:s3] =	ssyncset.done @!p1 $0x0  }
0x1d1: {  	p0 =	por p2, p0;
	s0 =	simm.s32 @!p1 $0x12;
	[sflag:s3] =	ssyncadd.s32 @!p1 $0xFFFFF000  }
0x1d2: {  	s4 =	simm.s32 @!p0 $0x1A400;
	_ =	swait.ge @!p1 [sflag:s0], $0x1000  }
0x1d3: {  	s7 =	simm.s32 @!p0 $0x20;
	s3 =	sshra.s32 @!p0 s25, $0x2;
	[sflag:s0] =	ssyncset.done @!p1 $0x0  }
0x1d4: {  	s6 =	sadd.s32 @!p0 $0x13D80, s3;
	[sflag:s0] =	ssyncadd.s32 @!p1 $0xFFFFF000;
	s0 =	simm.s32 @!p0 $0x10  }
0x1d5: {  	[tilespmem:s4], [sflag:$0x7] =	stream.indirect.gather @!p0 [hbm4b:s1+s7], $0x80, s6, s7, $0xb8;
	[tilespmem:$0x1E400] =	vst v63  }
0x1d6: {  	_ =	swait.ge @!p0 [sflag:s0], $0x1000  }
0x1d7: {  	s4 =	sadd.s32 @!p0 $0x13DA0, s3;
	[sflag:s0] =	ssyncset.done @!p0 $0x0  }
0x1d8: {  	s6 =	simm.s32 @!p0 $0x1B400;
	[sflag:s0] =	ssyncadd.s32 @!p0 $0xFFFFF000;
	s0 =	simm.s32 @!p0 $0x11  }
0x1d9: {  	[tilespmem:s6], [sflag:$0x8] =	stream.indirect.gather @!p0 [hbm4b:s1+s7], $0x80, s4, s7, $0xb8;
	[tilespmem:$0x1E400] =	vst v63  }
0x1da: {  	_ =	swait.ge @!p0 [sflag:s0], $0x1000  }
0x1db: {  	s4 =	sadd.s32 @!p0 $0x13DC0, s3;
	[sflag:s0] =	ssyncset.done @!p0 $0x0  }
0x1dc: {  	s6 =	simm.s32 @!p0 $0x1C400;
	[sflag:s0] =	ssyncadd.s32 @!p0 $0xFFFFF000;
	s0 =	simm.s32 @!p0 $0x12  }
0x1dd: {  	[tilespmem:s6], [sflag:$0x9] =	stream.indirect.gather @!p0 [hbm4b:s1+s7], $0x80, s4, s7, $0xb8;
	[tilespmem:$0x1E400] =	vst v63  }
0x1de: {  	_ =	swait.ge @!p0 [sflag:s0], $0x1000  }
0x1df: {  	[sflag:s0] =	ssyncset.done @!p0 $0x0;
	s26 =	sld [smem:$0x7FD]  }
0x1e0: {  	s3 =	sadd.s32 @!p0 $0x13DE0, s3;
	s4 =	simm.s32 @!p0 $0x1D400;
	[sflag:s0] =	ssyncadd.s32 @!p0 $0xFFFFF000  }
0x1e1: {  	[tilespmem:s4], [sflag:$0xA] =	stream.indirect.gather @!p0 [hbm4b:s1+s7], $0x80, s3, s7, $0xb8;
	[tilespmem:$0x1E400] =	vst v63  }
0x1e2: {  	p0 =	seq.s32 s26, $0x1  }
0x1e3: {  	s4 =	rddreg [dreg:$0x12];
	s0 =	simm.s32 @!p0 $0x0;
	s3 =	simm.s32 @!p0 $0x13C00  }
0x1e4: {  	[tilespmem:s3], [sflag:$0x1] =	stream.linear.gather @!p0 [hbm4b:s4+s0], $0x1400, $0x38;
	[tilespmem:$0x1E400] =	vst v63  }
0x1e5: {  	s6 =	rddreg [dreg:$0x13];
	s4 =	simm.s32 @!p0 $0x15000  }
0x1e6: {  	[tilespmem:s4], [sflag:$0x2] =	stream.linear.gather @!p0 [hbm4b:s6+s0], $0x1400, $0x38;
	[tilespmem:$0x1E400] =	vst v63  }
0x1e7: {  	s0 =	simm.s32 @!p0 $0x1  }
0x1e8: {  	_ =	swait.ge @!p0 [sflag:s0], $0x1400  }
0x1e9: {  	[sflag:s0] =	ssyncset.done @!p0 $0x0  }
0x1ea: {  	[sflag:s0] =	ssyncadd.s32 @!p0 $0xFFFFEC00;
	s0 =	simm.s32 @!p0 $0x2  }
0x1eb: {  	_ =	swait.ge @!p0 [sflag:s0], $0x1400  }
0x1ec: {  	[sflag:s0] =	ssyncset.done @!p0 $0x0  }
0x1ed: {  	s4 =	simm.s32 @!p0 $0x16400;
	[sflag:s0] =	ssyncadd.s32 @!p0 $0xFFFFEC00;
	s0 =	simm.s32 @!p0 $0x20  }
0x1ee: {  	[tilespmem:s4], [sflag:$0x3] =	stream.indirect.gather @!p0 [hbm4b:s1+s0], $0x80, s3, s0, $0xb8;
	[tilespmem:$0x1E400] =	vst v63  }
0x1ef: {  	s3 =	simm.s32 @!p0 $0x13C20;
	s4 =	simm.s32 @!p0 $0x17400  }
0x1f0: {  	[tilespmem:s4], [sflag:$0x4] =	stream.indirect.gather @!p0 [hbm4b:s1+s0], $0x80, s3, s0, $0xb8;
	[tilespmem:$0x1E400] =	vst v63  }
0x1f1: {  	s3 =	simm.s32 @!p0 $0x13C40;
	s4 =	simm.s32 @!p0 $0x18400  }
0x1f2: {  	[tilespmem:s4], [sflag:$0x5] =	stream.indirect.gather @!p0 [hbm4b:s1+s0], $0x80, s3, s0, $0xb8;
	[tilespmem:$0x1E400] =	vst v63  }
0x1f3: {  	s3 =	simm.s32 @!p0 $0x13C60;
	s4 =	simm.s32 @!p0 $0x19400  }
0x1f4: {  	[tilespmem:s4], [sflag:$0x6] =	stream.indirect.gather @!p0 [hbm4b:s1+s0], $0x80, s3, s0, $0xb8;
	[tilespmem:$0x1E400] =	vst v63  }
0x1f5: {  	s3 =	simm.s32 @!p0 $0x13C80;
	s4 =	simm.s32 @!p0 $0x1A400  }
0x1f6: {  	[tilespmem:s4], [sflag:$0x7] =	stream.indirect.gather @!p0 [hbm4b:s1+s0], $0x80, s3, s0, $0xb8;
	[tilespmem:$0x1E400] =	vst v63  }
0x1f7: {  	s3 =	simm.s32 @!p0 $0x13CA0;
	s4 =	simm.s32 @!p0 $0x1B400  }
0x1f8: {  	[tilespmem:s4], [sflag:$0x8] =	stream.indirect.gather @!p0 [hbm4b:s1+s0], $0x80, s3, s0, $0xb8;
	[tilespmem:$0x1E400] =	vst v63  }
0x1f9: {  	p2 =	sle.u32 s24, $0x0;
	s3 =	simm.s32 @!p0 $0x13CC0;
	s4 =	simm.s32 @!p0 $0x1C400  }
0x1fa: {  	[tilespmem:s4], [sflag:$0x9] =	stream.indirect.gather @!p0 [hbm4b:s1+s0], $0x80, s3, s0, $0xb8;
	[tilespmem:$0x1E400] =	vst v63  }
0x1fb: {  	p1 =	por p2, p2;
	s3 =	simm.s32 @!p0 $0x13CE0;
	s4 =	simm.s32 @!p0 $0x1D400  }
0x1fc: {  	[tilespmem:s4], [sflag:$0xA] =	stream.indirect.gather @!p0 [hbm4b:s1+s0], $0x80, s3, s0, $0xb8;
	[tilespmem:$0x1E400] =	vst v63  }
0x1fd: {  	s0 =	simm.s32 @!p1 $0x3  }
0x1fe: {  	_ =	swait.ge @!p1 [sflag:s0], $0x1000  }
0x1ff: {  	s6 =	simm.s32 @!p1 $0x16400;
	s3 =	simm.s32 @!p2 $0x15000;
	[sflag:s0] =	ssyncset.done @!p1 $0x0  }
0x200: {  	s4 =	simm.s32 @!p1 $0x4;
	[sflag:s0] =	ssyncadd.s32 @!p1 $0xFFFFF000;
	s0 =	simm.s32 @!p1 $0x20  }
0x201: {  	[spmem:s2] =	stream.indirect.scatter.add.f32 @!p1 [tilespmem:s6], [sflag:$0xB], $0x80, s3, s0, $0xb8;
	[tilespmem:$0x1E400] =	vst v63  }
0x202: {  	_ =	swait.ge @!p1 [sflag:s4], $0x1000  }
0x203: {  	s3 =	simm.s32 @!p2 $0x15020;
	[sflag:s4] =	ssyncset.done @!p1 $0x0  }
0x204: {  	s6 =	simm.s32 @!p1 $0x5;
	[sflag:s4] =	ssyncadd.s32 @!p1 $0xFFFFF000;
	s4 =	simm.s32 @!p1 $0x17400  }
0x205: {  	[spmem:s2] =	stream.indirect.scatter.add.f32 @!p1 [tilespmem:s4], [sflag:$0xC], $0x80, s3, s0, $0xb8;
	[tilespmem:$0x1E400] =	vst v63  }
0x206: {  	_ =	swait.ge @!p1 [sflag:s6], $0x1000  }
0x207: {  	s3 =	simm.s32 @!p2 $0x15040;
	[sflag:s6] =	ssyncset.done @!p1 $0x0  }
0x208: {  	s4 =	simm.s32 @!p1 $0x18400;
	[sflag:s6] =	ssyncadd.s32 @!p1 $0xFFFFF000;
	s6 =	simm.s32 @!p1 $0x6  }
0x209: {  	[spmem:s2] =	stream.indirect.scatter.add.f32 @!p1 [tilespmem:s4], [sflag:$0xD], $0x80, s3, s0, $0xb8;
	[tilespmem:$0x1E400] =	vst v63  }
0x20a: {  	_ =	swait.ge @!p1 [sflag:s6], $0x1000  }
0x20b: {  	p0 =	sle.u32 s24, $0x1;
	[sflag:s6] =	ssyncset.done @!p1 $0x0  }
0x20c: {  	s3 =	simm.s32 @!p2 $0x15060;
	s4 =	simm.s32 @!p1 $0x19400;
	[sflag:s6] =	ssyncadd.s32 @!p1 $0xFFFFF000  }
0x20d: {  	[spmem:s2] =	stream.indirect.scatter.add.f32 @!p1 [tilespmem:s4], [sflag:$0xE], $0x80, s3, s0, $0xb8;
	[tilespmem:$0x1E400] =	vst v63  }
0x20e: {  	s0 =	simm.s32 @!p0 $0x7  }
0x20f: {  	_ =	swait.ge @!p0 [sflag:s0], $0x1000  }
0x210: {  	s6 =	simm.s32 @!p0 $0x1A400;
	s3 =	simm.s32 @!p0 $0x15080;
	[sflag:s0] =	ssyncset.done @!p0 $0x0  }
0x211: {  	s4 =	simm.s32 @!p0 $0x20;
	[sflag:s0] =	ssyncadd.s32 @!p0 $0xFFFFF000;
	s0 =	simm.s32 @!p0 $0x8  }
0x212: {  	[spmem:s2] =	stream.indirect.scatter.add.f32 @!p0 [tilespmem:s6], [sflag:$0xF], $0x80, s3, s4, $0xb8;
	[tilespmem:$0x1E400] =	vst v63  }
0x213: {  	_ =	swait.ge @!p0 [sflag:s0], $0x1000  }
0x214: {  	s3 =	simm.s32 @!p0 $0x150A0;
	[sflag:s0] =	ssyncset.done @!p0 $0x0  }
0x215: {  	s6 =	simm.s32 @!p0 $0x1B400;
	[sflag:s0] =	ssyncadd.s32 @!p0 $0xFFFFF000;
	s0 =	simm.s32 @!p0 $0x9  }
0x216: {  	[spmem:s2] =	stream.indirect.scatter.add.f32 @!p0 [tilespmem:s6], [sflag:$0x10], $0x80, s3, s4, $0xb8;
	[tilespmem:$0x1E400] =	vst v63  }
0x217: {  	_ =	swait.ge @!p0 [sflag:s0], $0x1000  }
0x218: {  	s3 =	simm.s32 @!p0 $0x150C0;
	[sflag:s0] =	ssyncset.done @!p0 $0x0  }
0x219: {  	s6 =	simm.s32 @!p0 $0x1C400;
	[sflag:s0] =	ssyncadd.s32 @!p0 $0xFFFFF000;
	s0 =	simm.s32 @!p0 $0xA  }
0x21a: {  	[spmem:s2] =	stream.indirect.scatter.add.f32 @!p0 [tilespmem:s6], [sflag:$0x11], $0x80, s3, s4, $0xb8;
	[tilespmem:$0x1E400] =	vst v63  }
0x21b: {  	_ =	swait.ge @!p0 [sflag:s0], $0x1000  }
0x21c: {  	p2 =	sle.u32 @!p2 s24, $0x2;
	s3 =	simm.s32 @!p0 $0x150E0;
	[sflag:s0] =	ssyncset.done @!p0 $0x0  }
0x21d: {  	s6 =	simm.s32 @!p0 $0x1D400;
	[sflag:s0] =	ssyncadd.s32 @!p0 $0xFFFFF000;
	s0 =	simm.s32 @!p1 $0xB  }
0x21e: {  	[spmem:s2] =	stream.indirect.scatter.add.f32 @!p0 [tilespmem:s6], [sflag:$0x12], $0x80, s3, s4, $0xb8;
	[tilespmem:$0x1E400] =	vst v63  }
0x21f: {  	p6 =	por p2, p2;
	_ =	swait.ge @!p1 [sflag:s0], $0x1000  }
0x220: {  	p2 =	por !p6, p1;
	[sflag:s0] =	ssyncset.done @!p1 $0x0  }
0x221: {  	s3 =	simm.s32 @!p2 $0xC;
	[sflag:s0] =	ssyncadd.s32 @!p1 $0xFFFFF000  }
0x222: {  	_ =	swait.ge @!p2 [sflag:s3], $0x1000  }
0x223: {  	[sflag:s3] =	ssyncset.done @!p2 $0x0  }
0x224: {  	s0 =	simm.s32 @!p2 $0xD;
	[sflag:s3] =	ssyncadd.s32 @!p2 $0xFFFFF000  }
0x225: {  	_ =	swait.ge @!p2 [sflag:s0], $0x1000  }
0x226: {  	[sflag:s0] =	ssyncset.done @!p2 $0x0  }
0x227: {  	s3 =	simm.s32 @!p2 $0xE;
	[sflag:s0] =	ssyncadd.s32 @!p2 $0xFFFFF000  }
0x228: {  	p1 =	por p6, p1;
	_ =	swait.ge @!p2 [sflag:s3], $0x1000  }
0x229: {  	s4 =	simm.s32 @!p1 $0x13D00;
	s6 =	simm.s32 @!p1 $0x20;
	[sflag:s3] =	ssyncset.done @!p2 $0x0  }
0x22a: {  	s0 =	simm.s32 @!p1 $0x16400;
	[sflag:s3] =	ssyncadd.s32 @!p2 $0xFFFFF000;
	s3 =	simm.s32 @!p1 $0xC  }
0x22b: {  	[tilespmem:s0], [sflag:$0x3] =	stream.indirect.gather @!p1 [hbm4b:s1+s6], $0x80, s4, s6, $0xb8;
	[tilespmem:$0x1E400] =	vst v63  }
0x22c: {  	_ =	swait.ge @!p1 [sflag:s3], $0x1000  }
0x22d: {  	s0 =	simm.s32 @!p1 $0x13D20;
	[sflag:s3] =	ssyncset.done @!p1 $0x0  }
0x22e: {  	s4 =	simm.s32 @!p1 $0x17400;
	[sflag:s3] =	ssyncadd.s32 @!p1 $0xFFFFF000;
	s3 =	simm.s32 @!p1 $0xD  }
0x22f: {  	[tilespmem:s4], [sflag:$0x4] =	stream.indirect.gather @!p1 [hbm4b:s1+s6], $0x80, s0, s6, $0xb8;
	[tilespmem:$0x1E400] =	vst v63  }
0x230: {  	_ =	swait.ge @!p1 [sflag:s3], $0x1000  }
0x231: {  	s0 =	simm.s32 @!p1 $0x13D40;
	[sflag:s3] =	ssyncset.done @!p1 $0x0  }
0x232: {  	s4 =	simm.s32 @!p1 $0x18400;
	[sflag:s3] =	ssyncadd.s32 @!p1 $0xFFFFF000;
	s3 =	simm.s32 @!p1 $0xE  }
0x233: {  	[tilespmem:s4], [sflag:$0x5] =	stream.indirect.gather @!p1 [hbm4b:s1+s6], $0x80, s0, s6, $0xb8;
	[tilespmem:$0x1E400] =	vst v63  }
0x234: {  	_ =	swait.ge @!p1 [sflag:s3], $0x1000  }
0x235: {  	s0 =	simm.s32 @!p1 $0x13D60;
	[sflag:s3] =	ssyncset.done @!p1 $0x0  }
0x236: {  	s4 =	simm.s32 @!p1 $0x19400;
	[sflag:s3] =	ssyncadd.s32 @!p1 $0xFFFFF000;
	s3 =	simm.s32 @!p0 $0xF  }
0x237: {  	[tilespmem:s4], [sflag:$0x6] =	stream.indirect.gather @!p1 [hbm4b:s1+s6], $0x80, s0, s6, $0xb8;
	[tilespmem:$0x1E400] =	vst v63  }
0x238: {  	p1 =	sle.u32 @!p0 s24, $0x3;
	_ =	swait.ge @!p0 [sflag:s3], $0x1000  }
0x239: {  	p2 =	por !p1, p0;
	[sflag:s3] =	ssyncset.done @!p0 $0x0  }
0x23a: {  	s0 =	simm.s32 @!p2 $0x10;
	[sflag:s3] =	ssyncadd.s32 @!p0 $0xFFFFF000  }
0x23b: {  	_ =	swait.ge @!p2 [sflag:s0], $0x1000  }
0x23c: {  	[sflag:s0] =	ssyncset.done @!p2 $0x0  }
0x23d: {  	s3 =	simm.s32 @!p2 $0x11;
	[sflag:s0] =	ssyncadd.s32 @!p2 $0xFFFFF000  }
0x23e: {  	_ =	swait.ge @!p2 [sflag:s3], $0x1000  }
0x23f: {  	s29 =	simm.s32 $0x800;
	s25 =	simm.s32 $0x400;
	[sflag:s3] =	ssyncset.done @!p2 $0x0  }
0x240: {  	s26 =	simm.s32 $0x2;
	s0 =	simm.s32 @!p2 $0x12;
	[sflag:s3] =	ssyncadd.s32 @!p2 $0xFFFFF000  }
0x241: {  	p0 =	por p1, p0;
	p1 =	sle.u32 s24, $0x2;
	_ =	swait.ge @!p2 [sflag:s0], $0x1000  }
0x242: {  	s4 =	simm.s32 @!p0 $0x13D80;
	s18 =	simm.s32 @!p0 $0x20;
	[sflag:s0] =	ssyncset.done @!p2 $0x0  }
0x243: {  	s6 =	simm.s32 @!p0 $0x10;
	s3 =	simm.s32 @!p0 $0x1A400;
	[sflag:s0] =	ssyncadd.s32 @!p2 $0xFFFFF000  }
0x244: {  	[tilespmem:s3], [sflag:$0x7] =	stream.indirect.gather @!p0 [hbm4b:s1+s18], $0x80, s4, s18, $0xb8;
	[tilespmem:$0x1E400] =	vst v63  }
0x245: {  	s30 =	simm.s32 @!p1 $0x15120;
	s28 =	simm.s32 @!p1 $0x15140;
	_ =	swait.ge @!p0 [sflag:s6], $0x1000  }
0x246: {  	s31 =	simm.s32 @!p1 $0x15160;
	s3 =	simm.s32 @!p0 $0x13DA0;
	[sflag:s6] =	ssyncset.done @!p0 $0x0  }
0x247: {  	s4 =	simm.s32 @!p0 $0x1B400;
	[sflag:s6] =	ssyncadd.s32 @!p0 $0xFFFFF000;
	s6 =	simm.s32 @!p0 $0x11  }
0x248: {  	[tilespmem:s4], [sflag:$0x8] =	stream.indirect.gather @!p0 [hbm4b:s1+s18], $0x80, s3, s18, $0xb8;
	[tilespmem:$0x1E400] =	vst v63  }
0x249: {  	s7 =	simm.s32 @!p0 $0x1C400;
	s19 =	simm.s32 @!p0 $0x13DE0;
	_ =	swait.ge @!p0 [sflag:s6], $0x1000  }
0x24a: {  	s21 =	simm.s32 @!p0 $0x1D400;
	s0 =	simm.s32 @!p1 $0x15100;
	[sflag:s6] =	ssyncset.done @!p0 $0x0  }
0x24b: {  	s4 =	simm.s32 @!p0 $0x13DC0;
	s3 =	simm.s32 @!p0 $0x12;
	[sflag:s6] =	ssyncadd.s32 @!p0 $0xFFFFF000  }
0x24c: {  	[tilespmem:s7], [sflag:$0x9] =	stream.indirect.gather @!p0 [hbm4b:s1+s18], $0x80, s4, s18, $0xb8;
	[tilespmem:$0x1E400] =	vst v63  }
0x24d: {  	p2 =	sle.u32 @!p1 s24, $0x4;
	p1 =	por p1, p1;
	_ =	swait.ge @!p0 [sflag:s3], $0x1000  }
0x24e: {  	p3 =	por p2, p2;
	s4 =	simm.s32 $0x4;
	[sflag:s3] =	ssyncset.done @!p0 $0x0  }
.LBB2_6:
0x24f: {  	s6 =	simm.s32 @!p1 $0x3;
	[sflag:s3] =	ssyncadd.s32 @!p0 $0xFFFFF000  }
0x250: {  	[tilespmem:s21], [sflag:$0xA] =	stream.indirect.gather @!p0 [hbm4b:s1+s18], $0x80, s19, s18, $0xb8;
	[tilespmem:$0x1E400] =	vst v63  }
0x251: {  	_ =	swait.ge @!p1 [sflag:s6], $0x1000  }
0x252: {  	p5 =	sge.u32 s4, s24;
	s9 =	simm.s32 @!p1 $0x4;
	[sflag:s6] =	ssyncset.done @!p1 $0x0  }
0x253: {  	s13 =	simm.s32 @!p1 $0x16400;
	[sflag:s6] =	ssyncadd.s32 @!p1 $0xFFFFF000;
	s6 =	simm.s32 @!p1 $0x20  }
0x254: {  	[spmem:s2] =	stream.indirect.scatter.add.f32 @!p1 [tilespmem:s13], [sflag:$0xB], $0x80, s0, s6, $0xb8;
	[tilespmem:$0x1E400] =	vst v63  }
0x255: {  	s0 =	sadd.s32 @!p5 $0x2, s4;
	_ =	swait.ge @!p1 [sflag:s9], $0x1000  }
0x256: {  	s3 =	smov.u32 s29;
	p0 =	sge.u32 @!p5 s0, s24;
	[sflag:s9] =	ssyncset.done @!p1 $0x0  }
0x257: {  	s29 =	sadd.s32 $0x400, s29;
	s0 =	simm.s32 @!p0 $0x0;
	[sflag:s9] =	ssyncadd.s32 @!p1 $0xFFFFF000  }
0x258: {  	s9 =	simm.s32 @!p1 $0x17400;
	s0 =	simm.s32 @p0 $0x1;
	p0 =	sne.s32 s29, $0x5000  }
0x259: {  	[spmem:s2] =	stream.indirect.scatter.add.f32 @!p1 [tilespmem:s9], [sflag:$0xC], $0x80, s30, s6, $0xb8;
	[tilespmem:$0x1E400] =	vst v63  }
0x25a: {  	[smem:$0x7F9] =	sst s0;
	s0 =	simm.s32 @!p0 $0x0  }
0x25b: {  	s0 =	simm.s32 @p0 $0x1  }
0x25c: {  	s19 =	simm.s32 @!p1 $0x5;
	[smem:$0x7FA] =	sst s0  }
0x25d: {  	s7 =	sshra.s32 @!p5 s3, $0x2;
	_ =	swait.ge @!p1 [sflag:s19], $0x1000  }
0x25e: {  	s8 =	sadd.s32 @!p5 $0x15000, s7;
	s9 =	simm.s32 @!p1 $0x6;
	[sflag:s19] =	ssyncset.done @!p1 $0x0  }
0x25f: {  	s0 =	smov.u32 s8;
	s8 =	simm.s32 @!p1 $0x18400;
	[sflag:s19] =	ssyncadd.s32 @!p1 $0xFFFFF000  }
0x260: {  	[spmem:s2] =	stream.indirect.scatter.add.f32 @!p1 [tilespmem:s8], [sflag:$0xD], $0x80, s28, s6, $0xb8;
	[tilespmem:$0x1E400] =	vst v63  }
0x261: {  	_ =	swait.ge @!p1 [sflag:s9], $0x1000  }
0x262: {  	s19 =	sadd.s32 $0x1, s26;
	[sflag:s9] =	ssyncset.done @!p1 $0x0  }
0x263: {  	p4 =	sge.u32 s19, s24;
	[sflag:s9] =	ssyncadd.s32 @!p1 $0xFFFFF000;
	s9 =	simm.s32 @!p1 $0x19400  }
0x264: {  	[spmem:s2] =	stream.indirect.scatter.add.f32 @!p1 [tilespmem:s9], [sflag:$0xE], $0x80, s31, s6, $0xb8;
	[tilespmem:$0x1E400] =	vst v63  }
0x265: {  	s18 =	sadd.s32 @!p5 $0x15040, s7;
	s13 =	sadd.s32 @!p5 $0x15020, s7;
	s6 =	simm.s32 @!p4 $0x7  }
0x266: {  	s30 =	smov.u32 s13;
	s8 =	sshra.s32 @!p4 s25, $0x2;
	_ =	swait.ge @!p4 [sflag:s6], $0x1000  }
0x267: {  	s19 =	simm.s32 @!p4 $0x20;
	s21 =	simm.s32 @!p4 $0x1A400;
	[sflag:s6] =	ssyncset.done @!p4 $0x0  }
0x268: {  	s13 =	sadd.s32 @!p4 $0x15080, s8;
	[sflag:s6] =	ssyncadd.s32 @!p4 $0xFFFFF000;
	s6 =	simm.s32 @!p4 $0x8  }
0x269: {  	[spmem:s2] =	stream.indirect.scatter.add.f32 @!p4 [tilespmem:s21], [sflag:$0xF], $0x80, s13, s19, $0xb8;
	[tilespmem:$0x1E400] =	vst v63  }
0x26a: {  	s28 =	smov.u32 s18;
	s9 =	sadd.s32 @!p4 $0x3, s26;
	_ =	swait.ge @!p4 [sflag:s6], $0x1000  }
0x26b: {  	s18 =	sadd.s32 @!p4 $0x150A0, s8;
	p6 =	sge.u32 @!p4 s9, s24;
	[sflag:s6] =	ssyncset.done @!p4 $0x0  }
0x26c: {  	s9 =	simm.s32 @!p4 $0x1B400;
	[sflag:s6] =	ssyncadd.s32 @!p4 $0xFFFFF000;
	s6 =	simm.s32 @!p4 $0x9  }
0x26d: {  	[spmem:s2] =	stream.indirect.scatter.add.f32 @!p4 [tilespmem:s9], [sflag:$0x10], $0x80, s18, s19, $0xb8;
	[tilespmem:$0x1E400] =	vst v63  }
0x26e: {  	s7 =	sadd.s32 @!p5 $0x15060, s7;
	_ =	swait.ge @!p4 [sflag:s6], $0x1000  }
0x26f: {  	s14 =	sadd.s32 @!p4 $0x150C0, s8;
	s31 =	smov.u32 s7;
	[sflag:s6] =	ssyncset.done @!p4 $0x0  }
0x270: {  	s7 =	simm.s32 @!p4 $0x1C400;
	[sflag:s6] =	ssyncadd.s32 @!p4 $0xFFFFF000;
	s6 =	simm.s32 @!p4 $0xA  }
0x271: {  	[spmem:s2] =	stream.indirect.scatter.add.f32 @!p4 [tilespmem:s7], [sflag:$0x11], $0x80, s14, s19, $0xb8;
	[tilespmem:$0x1E400] =	vst v63  }
0x272: {  	_ =	swait.ge @!p4 [sflag:s6], $0x1000  }
0x273: {  	s8 =	sadd.s32 @!p4 $0x150E0, s8;
	[sflag:s6] =	ssyncset.done @!p4 $0x0  }
0x274: {  	s7 =	simm.s32 @!p4 $0x1D400;
	[sflag:s6] =	ssyncadd.s32 @!p4 $0xFFFFF000;
	s6 =	simm.s32 @!p1 $0xB  }
0x275: {  	[spmem:s2] =	stream.indirect.scatter.add.f32 @!p4 [tilespmem:s7], [sflag:$0x12], $0x80, s8, s19, $0xb8;
	[tilespmem:$0x1E400] =	vst v63  }
0x276: {  	_ =	swait.ge @!p1 [sflag:s6], $0x1000  }
0x277: {  	p2 =	por !p3, p1;
	[sflag:s6] =	ssyncset.done @!p1 $0x0  }
0x278: {  	s7 =	simm.s32 @!p2 $0xC;
	[sflag:s6] =	ssyncadd.s32 @!p1 $0xFFFFF000  }
0x279: {  	_ =	swait.ge @!p2 [sflag:s7], $0x1000  }
0x27a: {  	[sflag:s7] =	ssyncset.done @!p2 $0x0  }
0x27b: {  	s6 =	simm.s32 @!p2 $0xD;
	[sflag:s7] =	ssyncadd.s32 @!p2 $0xFFFFF000  }
0x27c: {  	_ =	swait.ge @!p2 [sflag:s6], $0x1000  }
0x27d: {  	[sflag:s6] =	ssyncset.done @!p2 $0x0  }
0x27e: {  	p0 =	por p3, p1;
	s7 =	simm.s32 @!p2 $0xE;
	[sflag:s6] =	ssyncadd.s32 @!p2 $0xFFFFF000  }
0x27f: {  	s13 =	simm.s32 @!p0 $0x20;
	_ =	swait.ge @!p2 [sflag:s7], $0x1000  }
0x280: {  	s8 =	simm.s32 @!p0 $0x16400;
	s6 =	sshra.s32 @!p0 s25, $0x2;
	[sflag:s7] =	ssyncset.done @!p2 $0x0  }
0x281: {  	s9 =	sadd.s32 @!p0 $0x13D00, s6;
	[sflag:s7] =	ssyncadd.s32 @!p2 $0xFFFFF000;
	s7 =	simm.s32 @!p0 $0xC  }
0x282: {  	[tilespmem:s8], [sflag:$0x3] =	stream.indirect.gather @!p0 [hbm4b:s1+s13], $0x80, s9, s13, $0xb8;
	[tilespmem:$0x1E400] =	vst v63  }
0x283: {  	_ =	swait.ge @!p0 [sflag:s7], $0x1000  }
0x284: {  	s14 =	sadd.s32 @!p0 $0x13D20, s6;
	[sflag:s7] =	ssyncset.done @!p0 $0x0  }
0x285: {  	s9 =	simm.s32 @!p0 $0x17400;
	[sflag:s7] =	ssyncadd.s32 @!p0 $0xFFFFF000;
	s7 =	simm.s32 @!p0 $0xD  }
0x286: {  	[tilespmem:s9], [sflag:$0x4] =	stream.indirect.gather @!p0 [hbm4b:s1+s13], $0x80, s14, s13, $0xb8;
	[tilespmem:$0x1E400] =	vst v63  }
0x287: {  	s21 =	sld [smem:$0x7F9];
	_ =	swait.ge @!p0 [sflag:s7], $0x1000  }
0x288: {  	s8 =	sadd.s32 @!p0 $0x13D40, s6;
	[sflag:s7] =	ssyncset.done @!p0 $0x0  }
0x289: {  	s9 =	simm.s32 @!p0 $0x18400;
	[sflag:s7] =	ssyncadd.s32 @!p0 $0xFFFFF000;
	s7 =	simm.s32 @!p0 $0xE  }
0x28a: {  	[tilespmem:s9], [sflag:$0x5] =	stream.indirect.gather @!p0 [hbm4b:s1+s13], $0x80, s8, s13, $0xb8;
	[tilespmem:$0x1E400] =	vst v63  }
0x28b: {  	_ =	swait.ge @!p0 [sflag:s7], $0x1000  }
0x28c: {  	s6 =	sadd.s32 @!p0 $0x13D60, s6;
	[sflag:s7] =	ssyncset.done @!p0 $0x0  }
0x28d: {  	s8 =	simm.s32 @!p0 $0x19400;
	[sflag:s7] =	ssyncadd.s32 @!p0 $0xFFFFF000;
	s7 =	simm.s32 @!p4 $0xF  }
0x28e: {  	[tilespmem:s8], [sflag:$0x6] =	stream.indirect.gather @!p0 [hbm4b:s1+s13], $0x80, s6, s13, $0xb8;
	[tilespmem:$0x1E400] =	vst v63  }
0x28f: {  	_ =	swait.ge @!p4 [sflag:s7], $0x1000  }
0x290: {  	p2 =	por !p6, p4;
	[sflag:s7] =	ssyncset.done @!p4 $0x0  }
0x291: {  	s6 =	simm.s32 @!p2 $0x10;
	[sflag:s7] =	ssyncadd.s32 @!p4 $0xFFFFF000  }
0x292: {  	_ =	swait.ge @!p2 [sflag:s6], $0x1000  }
0x293: {  	[sflag:s6] =	ssyncset.done @!p2 $0x0  }
0x294: {  	s7 =	simm.s32 @!p2 $0x11;
	[sflag:s6] =	ssyncadd.s32 @!p2 $0xFFFFF000  }
0x295: {  	_ =	swait.ge @!p2 [sflag:s7], $0x1000  }
0x296: {  	[sflag:s7] =	ssyncset.done @!p2 $0x0  }
0x297: {  	p0 =	por p6, p4;
	s6 =	simm.s32 @!p2 $0x12;
	[sflag:s7] =	ssyncadd.s32 @!p2 $0xFFFFF000  }
0x298: {  	s8 =	simm.s32 @!p0 $0x1A400;
	_ =	swait.ge @!p2 [sflag:s6], $0x1000  }
0x299: {  	s18 =	simm.s32 @!p0 $0x20;
	s7 =	sshra.s32 @!p0 s25, $0x2;
	[sflag:s6] =	ssyncset.done @!p2 $0x0  }
0x29a: {  	s9 =	sadd.s32 @!p0 $0x13D80, s7;
	[sflag:s6] =	ssyncadd.s32 @!p2 $0xFFFFF000;
	s6 =	simm.s32 @!p0 $0x10  }
0x29b: {  	[tilespmem:s8], [sflag:$0x7] =	stream.indirect.gather @!p0 [hbm4b:s1+s18], $0x80, s9, s18, $0xb8;
	[tilespmem:$0x1E400] =	vst v63  }
0x29c: {  	s25 =	smov.u32 s3;
	s3 =	simm.s32 @!p0 $0x11;
	_ =	swait.ge @!p0 [sflag:s6], $0x1000  }
0x29d: {  	s13 =	sadd.s32 @!p0 $0x13DA0, s7;
	s19 =	sadd.s32 @!p0 $0x13DE0, s7;
	[sflag:s6] =	ssyncset.done @!p0 $0x0  }
0x29e: {  	s8 =	sadd.s32 @!p0 $0x13DC0, s7;
	s7 =	simm.s32 @!p0 $0x1B400;
	[sflag:s6] =	ssyncadd.s32 @!p0 $0xFFFFF000  }
0x29f: {  	[tilespmem:s7], [sflag:$0x8] =	stream.indirect.gather @!p0 [hbm4b:s1+s18], $0x80, s13, s18, $0xb8;
	[tilespmem:$0x1E400] =	vst v63  }
0x2a0: {  	_ =	swait.ge @!p0 [sflag:s3], $0x1000  }
0x2a1: {  	[sflag:s3] =	ssyncset.done @!p0 $0x0  }
0x2a2: {  	s6 =	simm.s32 @!p0 $0x1C400;
	[sflag:s3] =	ssyncadd.s32 @!p0 $0xFFFFF000;
	s3 =	simm.s32 @!p0 $0x12  }
0x2a3: {  	[tilespmem:s6], [sflag:$0x9] =	stream.indirect.gather @!p0 [hbm4b:s1+s18], $0x80, s8, s18, $0xb8;
	[tilespmem:$0x1E400] =	vst v63  }
0x2a4: {  	_ =	swait.ge @!p0 [sflag:s3], $0x1000  }
0x2a5: {  	s14 =	sld [smem:$0x7FA];
	_ =	sdelay $0x2  }
0x2a6: {  	p2 =	seq.s32 s14, $0x1  }
.Ltmp2:
0x2a7: {  	_ = 	snop;
	(pc) =	sbr.rel @p2 .LBB2_6-.Ltmp2, $4  }
0x2a8: {  	_ = 	snop  }
0x2a9: {  	s26 =	smov.u32 s4  }
0x2aa: {  	s4 =	sadd.s32 $0x2, s4;
	p1 =	por p5, p5;
	p5 =	seq.s32 s21, $0x1  }
0x2ab: {  	p3 =	por p5, p5;
	s21 =	simm.s32 @!p0 $0x1D400;
	[sflag:s3] =	ssyncset.done @!p0 $0x0  }
0x2ac: {  	s4 =	simm.s32 @!p1 $0x3;
	[sflag:s3] =	ssyncadd.s32 @!p0 $0xFFFFF000  }
0x2ad: {  	[tilespmem:s21], [sflag:$0xA] =	stream.indirect.gather @!p0 [hbm4b:s1+s18], $0x80, s19, s18, $0xb8;
	[tilespmem:$0x1E400] =	vst v63  }
0x2ae: {  	_ =	swait.ge @!p1 [sflag:s4], $0x1000  }
0x2af: {  	s3 =	simm.s32 @!p1 $0x4;
	[sflag:s4] =	ssyncset.done @!p1 $0x0  }
0x2b0: {  	s6 =	simm.s32 @!p1 $0x16400;
	[sflag:s4] =	ssyncadd.s32 @!p1 $0xFFFFF000;
	s4 =	simm.s32 @!p1 $0x20  }
0x2b1: {  	[spmem:s2] =	stream.indirect.scatter.add.f32 @!p1 [tilespmem:s6], [sflag:$0xB], $0x80, s0, s4, $0xb8;
	[tilespmem:$0x1E400] =	vst v63  }
0x2b2: {  	_ =	swait.ge @!p1 [sflag:s3], $0x1000  }
0x2b3: {  	[sflag:s3] =	ssyncset.done @!p1 $0x0  }
0x2b4: {  	s0 =	simm.s32 @!p1 $0x17400;
	[sflag:s3] =	ssyncadd.s32 @!p1 $0xFFFFF000;
	s3 =	simm.s32 @!p1 $0x5  }
0x2b5: {  	[spmem:s2] =	stream.indirect.scatter.add.f32 @!p1 [tilespmem:s0], [sflag:$0xC], $0x80, s30, s4, $0xb8;
	[tilespmem:$0x1E400] =	vst v63  }
0x2b6: {  	_ =	swait.ge @!p1 [sflag:s3], $0x1000  }
0x2b7: {  	[sflag:s3] =	ssyncset.done @!p1 $0x0  }
0x2b8: {  	s0 =	simm.s32 @!p1 $0x18400;
	[sflag:s3] =	ssyncadd.s32 @!p1 $0xFFFFF000;
	s3 =	simm.s32 @!p1 $0x6  }
0x2b9: {  	[spmem:s2] =	stream.indirect.scatter.add.f32 @!p1 [tilespmem:s0], [sflag:$0xD], $0x80, s28, s4, $0xb8;
	[tilespmem:$0x1E400] =	vst v63  }
0x2ba: {  	s21 =	sadd.s32 $0x1, s26;
	_ =	swait.ge @!p1 [sflag:s3], $0x1000  }
0x2bb: {  	p0 =	sge.u32 s21, s24;
	[sflag:s3] =	ssyncset.done @!p1 $0x0  }
0x2bc: {  	s0 =	simm.s32 @!p0 $0x7;
	[sflag:s3] =	ssyncadd.s32 @!p1 $0xFFFFF000;
	s3 =	simm.s32 @!p1 $0x19400  }
0x2bd: {  	[spmem:s2] =	stream.indirect.scatter.add.f32 @!p1 [tilespmem:s3], [sflag:$0xE], $0x80, s31, s4, $0xb8;
	[tilespmem:$0x1E400] =	vst v63  }
0x2be: {  	s7 =	simm.s32 @!p0 $0x1A400;
	_ =	swait.ge @!p0 [sflag:s0], $0x1000  }
0x2bf: {  	s6 =	simm.s32 @!p0 $0x20;
	s3 =	sshra.s32 @!p0 s25, $0x2;
	[sflag:s0] =	ssyncset.done @!p0 $0x0  }
0x2c0: {  	s4 =	sadd.s32 @!p0 $0x15080, s3;
	[sflag:s0] =	ssyncadd.s32 @!p0 $0xFFFFF000;
	s0 =	simm.s32 @!p0 $0x8  }
0x2c1: {  	[spmem:s2] =	stream.indirect.scatter.add.f32 @!p0 [tilespmem:s7], [sflag:$0xF], $0x80, s4, s6, $0xb8;
	[tilespmem:$0x1E400] =	vst v63  }
0x2c2: {  	_ =	swait.ge @!p0 [sflag:s0], $0x1000  }
0x2c3: {  	s4 =	sadd.s32 @!p0 $0x150A0, s3;
	[sflag:s0] =	ssyncset.done @!p0 $0x0  }
0x2c4: {  	s7 =	simm.s32 @!p0 $0x1B400;
	[sflag:s0] =	ssyncadd.s32 @!p0 $0xFFFFF000;
	s0 =	simm.s32 @!p0 $0x9  }
0x2c5: {  	[spmem:s2] =	stream.indirect.scatter.add.f32 @!p0 [tilespmem:s7], [sflag:$0x10], $0x80, s4, s6, $0xb8;
	[tilespmem:$0x1E400] =	vst v63  }
0x2c6: {  	_ =	swait.ge @!p0 [sflag:s0], $0x1000  }
0x2c7: {  	s4 =	sadd.s32 @!p0 $0x150C0, s3;
	[sflag:s0] =	ssyncset.done @!p0 $0x0  }
0x2c8: {  	s7 =	simm.s32 @!p0 $0x1C400;
	[sflag:s0] =	ssyncadd.s32 @!p0 $0xFFFFF000;
	s0 =	simm.s32 @!p0 $0xA  }
0x2c9: {  	[spmem:s2] =	stream.indirect.scatter.add.f32 @!p0 [tilespmem:s7], [sflag:$0x11], $0x80, s4, s6, $0xb8;
	[tilespmem:$0x1E400] =	vst v63  }
0x2ca: {  	_ =	swait.ge @!p0 [sflag:s0], $0x1000  }
0x2cb: {  	s3 =	sadd.s32 @!p0 $0x150E0, s3;
	[sflag:s0] =	ssyncset.done @!p0 $0x0  }
0x2cc: {  	s4 =	simm.s32 @!p0 $0x1D400;
	[sflag:s0] =	ssyncadd.s32 @!p0 $0xFFFFF000;
	s0 =	simm.s32 @!p1 $0xB  }
0x2cd: {  	[spmem:s2] =	stream.indirect.scatter.add.f32 @!p0 [tilespmem:s4], [sflag:$0x12], $0x80, s3, s6, $0xb8;
	[tilespmem:$0x1E400] =	vst v63  }
0x2ce: {  	_ =	swait.ge @!p1 [sflag:s0], $0x1000  }
0x2cf: {  	p2 =	por !p3, p1;
	[sflag:s0] =	ssyncset.done @!p1 $0x0  }
0x2d0: {  	s3 =	simm.s32 @!p2 $0xC;
	[sflag:s0] =	ssyncadd.s32 @!p1 $0xFFFFF000  }
0x2d1: {  	_ =	swait.ge @!p2 [sflag:s3], $0x1000  }
0x2d2: {  	[sflag:s3] =	ssyncset.done @!p2 $0x0  }
0x2d3: {  	s0 =	simm.s32 @!p2 $0xD;
	[sflag:s3] =	ssyncadd.s32 @!p2 $0xFFFFF000  }
0x2d4: {  	_ =	swait.ge @!p2 [sflag:s0], $0x1000  }
0x2d5: {  	[sflag:s0] =	ssyncset.done @!p2 $0x0  }
0x2d6: {  	p1 =	por p3, p1;
	s3 =	simm.s32 @!p2 $0xE;
	[sflag:s0] =	ssyncadd.s32 @!p2 $0xFFFFF000  }
0x2d7: {  	s4 =	simm.s32 @!p1 $0x16400;
	_ =	swait.ge @!p2 [sflag:s3], $0x1000  }
0x2d8: {  	s7 =	simm.s32 @!p1 $0x20;
	s0 =	sshra.s32 @!p1 s25, $0x2;
	[sflag:s3] =	ssyncset.done @!p2 $0x0  }
0x2d9: {  	s6 =	sadd.s32 @!p1 $0x13D00, s0;
	[sflag:s3] =	ssyncadd.s32 @!p2 $0xFFFFF000;
	s3 =	simm.s32 @!p1 $0xC  }
0x2da: {  	[tilespmem:s4], [sflag:$0x3] =	stream.indirect.gather @!p1 [hbm4b:s1+s7], $0x80, s6, s7, $0xb8;
	[tilespmem:$0x1E400] =	vst v63  }
0x2db: {  	_ =	swait.ge @!p1 [sflag:s3], $0x1000  }
0x2dc: {  	s4 =	sadd.s32 @!p1 $0x13D20, s0;
	[sflag:s3] =	ssyncset.done @!p1 $0x0  }
0x2dd: {  	s6 =	simm.s32 @!p1 $0x17400;
	[sflag:s3] =	ssyncadd.s32 @!p1 $0xFFFFF000;
	s3 =	simm.s32 @!p1 $0xD  }
0x2de: {  	[tilespmem:s6], [sflag:$0x4] =	stream.indirect.gather @!p1 [hbm4b:s1+s7], $0x80, s4, s7, $0xb8;
	[tilespmem:$0x1E400] =	vst v63  }
0x2df: {  	_ =	swait.ge @!p1 [sflag:s3], $0x1000  }
0x2e0: {  	s4 =	sadd.s32 @!p1 $0x13D40, s0;
	[sflag:s3] =	ssyncset.done @!p1 $0x0  }
0x2e1: {  	s6 =	simm.s32 @!p1 $0x18400;
	[sflag:s3] =	ssyncadd.s32 @!p1 $0xFFFFF000;
	s3 =	simm.s32 @!p1 $0xE  }
0x2e2: {  	[tilespmem:s6], [sflag:$0x5] =	stream.indirect.gather @!p1 [hbm4b:s1+s7], $0x80, s4, s7, $0xb8;
	[tilespmem:$0x1E400] =	vst v63  }
0x2e3: {  	_ =	swait.ge @!p1 [sflag:s3], $0x1000  }
0x2e4: {  	s0 =	sadd.s32 @!p1 $0x13D60, s0;
	s4 =	sadd.s32 @!p0 $0x3, s26;
	[sflag:s3] =	ssyncset.done @!p1 $0x0  }
0x2e5: {  	s6 =	simm.s32 @!p1 $0x19400;
	[sflag:s3] =	ssyncadd.s32 @!p1 $0xFFFFF000;
	s3 =	simm.s32 @!p0 $0xF  }
0x2e6: {  	[tilespmem:s6], [sflag:$0x6] =	stream.indirect.gather @!p1 [hbm4b:s1+s7], $0x80, s0, s7, $0xb8;
	[tilespmem:$0x1E400] =	vst v63  }
0x2e7: {  	p2 =	sge.u32 @!p0 s4, s24;
	_ =	swait.ge @!p0 [sflag:s3], $0x1000  }
0x2e8: {  	p1 =	por !p2, p0;
	[sflag:s3] =	ssyncset.done @!p0 $0x0  }
0x2e9: {  	s0 =	simm.s32 @!p1 $0x10;
	[sflag:s3] =	ssyncadd.s32 @!p0 $0xFFFFF000  }
0x2ea: {  	_ =	swait.ge @!p1 [sflag:s0], $0x1000  }
0x2eb: {  	[sflag:s0] =	ssyncset.done @!p1 $0x0  }
0x2ec: {  	s3 =	simm.s32 @!p1 $0x11;
	[sflag:s0] =	ssyncadd.s32 @!p1 $0xFFFFF000  }
0x2ed: {  	_ =	swait.ge @!p1 [sflag:s3], $0x1000  }
0x2ee: {  	[sflag:s3] =	ssyncset.done @!p1 $0x0  }
0x2ef: {  	p0 =	por p2, p0;
	s0 =	simm.s32 @!p1 $0x12;
	[sflag:s3] =	ssyncadd.s32 @!p1 $0xFFFFF000  }
0x2f0: {  	s4 =	simm.s32 @!p0 $0x1A400;
	_ =	swait.ge @!p1 [sflag:s0], $0x1000  }
0x2f1: {  	s7 =	simm.s32 @!p0 $0x20;
	s3 =	sshra.s32 @!p0 s25, $0x2;
	[sflag:s0] =	ssyncset.done @!p1 $0x0  }
0x2f2: {  	s6 =	sadd.s32 @!p0 $0x13D80, s3;
	[sflag:s0] =	ssyncadd.s32 @!p1 $0xFFFFF000;
	s0 =	simm.s32 @!p0 $0x10  }
0x2f3: {  	[tilespmem:s4], [sflag:$0x7] =	stream.indirect.gather @!p0 [hbm4b:s1+s7], $0x80, s6, s7, $0xb8;
	[tilespmem:$0x1E400] =	vst v63  }
0x2f4: {  	_ =	swait.ge @!p0 [sflag:s0], $0x1000  }
0x2f5: {  	s4 =	sadd.s32 @!p0 $0x13DA0, s3;
	[sflag:s0] =	ssyncset.done @!p0 $0x0  }
0x2f6: {  	s6 =	simm.s32 @!p0 $0x1B400;
	[sflag:s0] =	ssyncadd.s32 @!p0 $0xFFFFF000;
	s0 =	simm.s32 @!p0 $0x11  }
0x2f7: {  	[tilespmem:s6], [sflag:$0x8] =	stream.indirect.gather @!p0 [hbm4b:s1+s7], $0x80, s4, s7, $0xb8;
	[tilespmem:$0x1E400] =	vst v63  }
0x2f8: {  	_ =	swait.ge @!p0 [sflag:s0], $0x1000  }
0x2f9: {  	s4 =	sadd.s32 @!p0 $0x13DC0, s3;
	[sflag:s0] =	ssyncset.done @!p0 $0x0  }
0x2fa: {  	s6 =	simm.s32 @!p0 $0x1C400;
	[sflag:s0] =	ssyncadd.s32 @!p0 $0xFFFFF000;
	s0 =	simm.s32 @!p0 $0x12  }
0x2fb: {  	[tilespmem:s6], [sflag:$0x9] =	stream.indirect.gather @!p0 [hbm4b:s1+s7], $0x80, s4, s7, $0xb8;
	[tilespmem:$0x1E400] =	vst v63  }
0x2fc: {  	_ =	swait.ge @!p0 [sflag:s0], $0x1000  }
0x2fd: {  	[sflag:s0] =	ssyncset.done @!p0 $0x0  }
0x2fe: {  	s3 =	sadd.s32 @!p0 $0x13DE0, s3;
	s4 =	simm.s32 @!p0 $0x1D400;
	[sflag:s0] =	ssyncadd.s32 @!p0 $0xFFFFF000  }
0x2ff: {  	[tilespmem:s4], [sflag:$0xA] =	stream.indirect.gather @!p0 [hbm4b:s1+s7], $0x80, s3, s7, $0xb8;
	[tilespmem:$0x1E400] =	vst v63  }
0x300: {  	s26 =	stileid.u32;
	[bflag:$0x0] =	sbarrier.arrive $0xFFFF  }
0x301: {  	s30 =	simm.s32 $0x13;
	s0 =	sshll.u32 s26, $0x6;
	s7 =	rddreg [dreg:$0x7]  }
0x302: {  	s0 =	sor.u32 $0x1C13, s0;
	s29 =	rddreg [dreg:$0x15];
	s28 =	sshrl.u32 s7, $0x3  }
0x303: {  	[hbm:s29], [sflag:s0] =	dma.local [spmem:s28], $0x2780  }
0x304: {  	_ =	swait.ge [sflag:s30], $0x2780  }
0x305: {  	s22 =	sadd.s32 $0x1, s22;
	s31 =	rddreg [dreg:$0x17]  }
0x306: {  	p0 =	sne.s32 s22, s31  }
.Ltmp3:
0x307: {  	_ = 	snop;
	(pc) =	sbr.rel @p0 .LBB2_1-.Ltmp3, $3  }
0x308: {  	_ =	sdelay $0x1  }
0x309: {  	[sflag:s30] =	ssyncset.done $0x0  }
0x30a: {  	s4 =	simm.s32 $0x13C00;
	[sflag:s30] =	ssyncadd.s32 $0xFFFFD880  }
0x30b: {  	_ =	sfence.sel $0x180000  }
0x30c: {  	[bflag:$0x0] =	sbarrier.arrive $0xFFFF  }
0x30d: {  	_ =	strace $0x90000047  }
0x30e: {  	s0 =	stileid.u32;
	[bflag:$0x2] =	sbarrier.arrive $0xFFFF  }
0x30f: {  	p0 =	sne.s32 s0, $0x0;
	s0 =	rddreg [dreg:$0x4]  }
0x310: {  	s0 =	sadd.s32 @!p0 $0x100000, s0  }
0x311: {  	[sflag:s0] =	ssyncadd.tile.s32 @!p0 $0x1;
	_ =	shalt  }
.Lfunc_end2:
_tile_overlayer_lowered:
.L_overlay_start_2:
0x312: {  	(tag) =	ssettag $0x2  }
0x313: {  	s0 =	rddreg [dreg:$0x0];
	s2 =	stileid.u32  }
0x314: {  	s1 =	rddreg [dreg:$0x1];
	p0 =	sne.s32 s2, $0x0  }
0x315: {  	s3 =	rddreg [dreg:$0x2];
	[bflag:$0x3] =	sbarrier.arrive $0xFFFF;
	s2 =	simm.s32 @!p0 $0x1C13  }
0x316: {  	[timem:s3], [sflag:s2] =	dma.local @!p0 [hbm:s0], s1  }
0x317: {  	s0 =	simm.s32 @!p0 $0x13  }
0x318: {  	_ =	swait.ge @!p0 [sflag:s0], s1  }
0x319: {  	s1 =	ssub.s32 @!p0 $0x0, s1;
	[sflag:s0] =	ssyncset.done @!p0 $0x0  }
0x31a: {  	[sflag:s0] =	ssyncadd.s32 @!p0 s1  }
0x31b: {  	[bflag:$0x3] =	sbarrier.arrive $0xFFFF  }
0x31c: {  	_ =	shalt  }

</sc_bundles>
